<compile_context>
chip_gen: v7x
topology: tpu7x:2x2x1
jax: 0.10.2.dev20260603
libtpu: 0.0.44.dev20260713+nightly
codegen_flags: <defaults>
</compile_context>

<pallas_src>
import functools

import jax
import jax.numpy as jnp
from jax import lax
from jax.experimental import pallas as pl
from jax.experimental.pallas import tpu as pltpu
from jax.experimental.pallas import tpu_sc as plsc

N = 10000
E = 160000
D = 256
DE = 16
G = 64

NC = 2
NS = 16
HALF = D // NC
EPT = E // NS
K = 80
NCH = EPT // K
WBT = 10
RPT = N // WBT



def _bf16_bits(x):
    b = lax.bitcast_convert_type(x, jnp.int32)
    lsb = lax.bitwise_and(lax.shift_right_logical(b, 16), 1)
    b = b + 0x7FFF + lsb
    return lax.bitwise_and(b, jnp.int32(-65536))


def _elin_body(ea_ref, w1_ref, w2_ref, b1_ref, b2_ref, out1_ref, out2_ref):
    c = pl.program_id(0)
    QU = HALF // 2
    ea = ea_ref[...].astype(jnp.bfloat16)

    def one(w_ref, b_ref, out_ref):
        ab = jnp.dot(ea, w_ref[...].astype(jnp.bfloat16),
                     preferred_element_type=jnp.float32) + b_ref[pl.ds(c, 1)]
        a = _bf16_bits(ab[:, :QU])
        b = _bf16_bits(ab[:, QU:])
        out_ref[0] = lax.bitwise_or(lax.shift_right_logical(a, 16), b)

    one(w1_ref, b1_ref, out1_ref)
    one(w2_ref, b2_ref, out2_ref)


def _elin2x(edge_attr, W1ab, W2ab, b1ab, b2ab):
    BE = 4000
    QU = HALF // 2
    out2 = [
        pl.BlockSpec((1, BE, QU), lambda c, i: (c, i, 0)),
        pl.BlockSpec((1, BE, QU), lambda c, i: (c, i, 0)),
    ]
    return pl.pallas_call(
        _elin_body,
        grid=(NC, E // BE),
        in_specs=[
            pl.BlockSpec((BE, DE), lambda c, i: (i, 0)),
            pl.BlockSpec((DE, HALF), lambda c, i: (c, 0)),
            pl.BlockSpec((DE, HALF), lambda c, i: (c, 0)),
            pl.BlockSpec((NC, HALF), lambda c, i: (0, 0)),
            pl.BlockSpec((NC, HALF), lambda c, i: (0, 0)),
        ],
        out_specs=out2,
        out_shape=[jax.ShapeDtypeStruct((NC, E, QU), jnp.int32)] * 2,
    )(edge_attr, W1ab, W2ab, b1ab, b2ab)



def _msg_body(xcat, elin2d, comb, zrows, out,
              cidx0, cidx1, gbuf0, gbuf1, ebuf0, ebuf1, agg,
              gsem0, gsem1, esem0, esem1, ssem0, ssem1, isem):
    c = lax.axis_index("c")
    s = lax.axis_index("s")

    @pl.when(s < WBT)
    def _():
        pltpu.sync_copy(zrows, agg.at[pl.ds(s * RPT, RPT)])

    plsc.subcore_barrier()

    ebase = c * E + s * EPT

    def elin_rows(j):
        return elin2d.at[pl.ds(ebase + j * K, K)]

    def compute(gbuf, ebuf):
        mask = jnp.full((16,), -65536, jnp.int32)

        def row(r, _):
            for g in range(HALF // 32):
                w = ebuf[r, pl.ds(16 * g, 16)]
                ea = plsc.bitcast(lax.shift_left(w, 16), jnp.float32)
                eb = plsc.bitcast(lax.bitwise_and(w, mask), jnp.float32)
                sla = pl.ds(32 * g, 16)
                slb = pl.ds(32 * g + 16, 16)
                gbuf[r, sla] = jnp.maximum(gbuf[r, sla] + ea, 0.0)
                gbuf[r, slb] = jnp.maximum(gbuf[r, slb] + eb, 0.0)
            return 0

        lax.fori_loop(0, K, row, 0)

    def step(j, cur, nxt):
        (cidx_c, gbuf_c, ebuf_c, gsem_c, esem_c, ssem_c) = cur
        (cidx_n, gbuf_n, ebuf_n, gsem_n, esem_n, ssem_n) = nxt

        @pl.when(j >= 1)
        def _():
            pltpu.make_async_copy(gbuf_n, agg.at[cidx_n.at[1]], ssem_n).wait()

        @pl.when(j + 1 < NCH)
        def _():
            pltpu.async_copy(comb.at[c, s, j + 1], cidx_n, isem)

        pltpu.make_async_copy(xcat.at[cidx_c.at[0]], gbuf_c, gsem_c).wait()
        pltpu.make_async_copy(elin_rows(j), ebuf_c, esem_c).wait()

        @pl.when(j + 1 < NCH)
        def _():
            pltpu.make_async_copy(comb.at[c, s, 0], cidx_n, isem).wait()
            pltpu.async_copy(xcat.at[cidx_n.at[0]], gbuf_n, gsem_n)
            pltpu.async_copy(elin_rows(j + 1), ebuf_n, esem_n)

        compute(gbuf_c, ebuf_c)
        pltpu.async_copy(gbuf_c, agg.at[cidx_c.at[1]], ssem_c, add=True)

    slot0 = (cidx0, gbuf0, ebuf0, gsem0, esem0, ssem0)
    slot1 = (cidx1, gbuf1, ebuf1, gsem1, esem1, ssem1)

    pltpu.sync_copy(comb.at[c, s, 0], cidx0)
    pltpu.async_copy(xcat.at[cidx0.at[0]], gbuf0, gsem0)
    pltpu.async_copy(elin_rows(0), ebuf0, esem0)

    def pair(t, _):
        step(2 * t, slot0, slot1)
        step(2 * t + 1, slot1, slot0)
        return 0

    lax.fori_loop(0, NCH // 2, pair, 0)
    if NCH % 2:
        step(NCH - 1, slot0, slot1)
        pltpu.make_async_copy(gbuf0, agg.at[cidx0.at[1]], ssem0).wait()
    else:
        pltpu.make_async_copy(gbuf1, agg.at[cidx1.at[1]], ssem1).wait()
    plsc.subcore_barrier()

    @pl.when(s < WBT)
    def _():
        pltpu.sync_copy(agg.at[pl.ds(s * RPT, RPT)],
                        out.at[c, pl.ds(s * RPT, RPT)])


def _msg(xcat, elin2d, comb, zrows):
    mesh = plsc.VectorSubcoreMesh(core_axis_name="c", subcore_axis_name="s")
    kern = pl.kernel(
        _msg_body,
        mesh=mesh,
        out_type=jax.ShapeDtypeStruct((NC, N, HALF), jnp.float32),
        scratch_types=[
            pltpu.VMEM((2, K), jnp.int32),
            pltpu.VMEM((2, K), jnp.int32),
            pltpu.VMEM((K, HALF), jnp.float32),
            pltpu.VMEM((K, HALF), jnp.float32),
            pltpu.VMEM((K, HALF // 2), jnp.int32),
            pltpu.VMEM((K, HALF // 2), jnp.int32),
            pltpu.VMEM_SHARED((N, HALF), jnp.float32),
        ] + [pltpu.SemaphoreType.DMA] * 7,
        compiler_params=pltpu.CompilerParams(needs_layout_passes=False),
    )
    return kern(xcat, elin2d, comb, zrows)



def _pack_words(a, b):
    return lax.bitwise_or(lax.shift_right_logical(_bf16_bits(a), 16),
                          _bf16_bits(b))


def _stageb1_body(x_ref, agg_ref, wa, ba, wb, bb, wp, bp, gs, beta,
                  h_ref, hh_ref):
    agg = jnp.concatenate([agg_ref[0], agg_ref[1]], axis=1)
    hin = x_ref[...] + agg
    t = jnp.maximum(jnp.dot(hin, wa[...], preferred_element_type=jnp.float32)
                    + ba[...], 0.0)
    u = jnp.maximum(jnp.dot(t, wb[...], preferred_element_type=jnp.float32)
                    + bb[...], 0.0)
    v = u * gs[...] + beta[...]
    res = jnp.dot(x_ref[...], wp[...], preferred_element_type=jnp.float32) + bp[...]
    h = v + res
    h_ref[...] = h
    hh_ref[0] = h[:, :HALF]
    hh_ref[1] = h[:, HALF:]


def _stageb1(x, agg, Wa, ba, Wb, bb, Wp, bp, gs, beta):
    NB = 1000
    full = lambda i: (0, 0)
    return pl.pallas_call(
        _stageb1_body,
        grid=(N // NB,),
        in_specs=[
            pl.BlockSpec((NB, D), lambda i: (i, 0)),
            pl.BlockSpec((NC, NB, HALF), lambda i: (0, i, 0)),
            pl.BlockSpec((D, D), full),
            pl.BlockSpec((1, D), full),
            pl.BlockSpec((D, D), full),
            pl.BlockSpec((1, D), full),
            pl.BlockSpec((D, D), full),
            pl.BlockSpec((1, D), full),
            pl.BlockSpec((1, D), full),
            pl.BlockSpec((1, D), full),
        ],
        out_specs=[
            pl.BlockSpec((NB, D), lambda i: (i, 0)),
            pl.BlockSpec((NC, NB, HALF), lambda i: (0, i, 0)),
        ],
        out_shape=[
            jax.ShapeDtypeStruct((N, D), jnp.float32),
            jax.ShapeDtypeStruct((NC, N, HALF), jnp.float32),
        ],
    )(x, agg, Wa, ba, Wb, bb, Wp, bp, gs, beta)


def _stageb2_body(x_ref, agg_ref, wa, ba, wb, bb, wp, bp, gs, beta, batch_ref,
                  out_ref):
    i = pl.program_id(0)
    agg = jnp.concatenate([agg_ref[0], agg_ref[1]], axis=1)
    hin = x_ref[...] + agg
    t = jnp.maximum(jnp.dot(hin, wa[...], preferred_element_type=jnp.float32)
                    + ba[...], 0.0)
    u = jnp.maximum(jnp.dot(t, wb[...], preferred_element_type=jnp.float32)
                    + bb[...], 0.0)
    v = u * gs[...] + beta[...]
    res = jnp.dot(x_ref[...], wp[...], preferred_element_type=jnp.float32) + bp[...]
    h2 = v + res
    nb = h2.shape[0]
    bmat = jnp.broadcast_to(batch_ref[...], (nb, 128))
    gids = lax.broadcasted_iota(jnp.int32, (nb, 128), 1)
    onehot = jnp.where(bmat == gids, 1.0, 0.0).astype(jnp.float32)
    part = lax.dot_general(onehot, h2, (((0,), (0,)), ((), ())),
                           preferred_element_type=jnp.float32)

    @pl.when(i == 0)
    def _():
        out_ref[...] = part

    @pl.when(i != 0)
    def _():
        out_ref[...] = out_ref[...] + part


def _stageb2(x, agg, Wa, ba, Wb, bb, Wp, bp, gs, beta, batch2d):
    NB = 1000
    full = lambda i: (0, 0)
    return pl.pallas_call(
        _stageb2_body,
        grid=(N // NB,),
        in_specs=[
            pl.BlockSpec((NB, D), lambda i: (i, 0)),
            pl.BlockSpec((NC, NB, HALF), lambda i: (0, i, 0)),
            pl.BlockSpec((D, D), full),
            pl.BlockSpec((1, D), full),
            pl.BlockSpec((D, D), full),
            pl.BlockSpec((1, D), full),
            pl.BlockSpec((D, D), full),
            pl.BlockSpec((1, D), full),
            pl.BlockSpec((1, D), full),
            pl.BlockSpec((1, D), full),
            pl.BlockSpec((NB, 1), lambda i: (i, 0)),
        ],
        out_specs=pl.BlockSpec((128, D), full),
        out_shape=jax.ShapeDtypeStruct((128, D), jnp.float32),
    )(x, agg, Wa, ba, Wb, bb, Wp, bp, gs, beta, batch2d)



def kernel(x, edge_index, edge_attr, batch,
           W1a, b1a, W1b, b1b, We1, be1,
           W2a, b2a, W2b, b2b, We2, be2,
           Wp1, bp1, Wp2, bp2, g1, beta1, g2, beta2):
    src = edge_index[0]
    dst = edge_index[1]

    src3 = src.reshape(NS, NCH, K)
    dst3 = dst.reshape(NS, NCH, K)
    comb = jnp.stack([jnp.stack([src3, dst3], axis=2),
                      jnp.stack([src3 + N, dst3], axis=2)])
    zrows = jnp.zeros((RPT, HALF), jnp.float32)

    bn_scale = 1.0 / jnp.sqrt(1.0 + 1e-5)
    gs1 = (g1 * bn_scale).reshape(1, D)
    gs2 = (g2 * bn_scale).reshape(1, D)

    ii = jnp.arange(HALF // 2)
    a_off = 32 * (ii // 16) + ii % 16
    b_off = a_off + 16
    colsA = (jnp.arange(NC)[:, None] * HALF + a_off[None, :]).reshape(-1)
    colsB = (jnp.arange(NC)[:, None] * HALF + b_off[None, :]).reshape(-1)

    QU = HALF // 2

    def elin_parts(We, be):
        wa = We[:, colsA].reshape(DE, NC, QU)
        wb = We[:, colsB].reshape(DE, NC, QU)
        w = jnp.concatenate([wa, wb], axis=2)
        w = w.transpose(1, 0, 2).reshape(NC * DE, HALF)
        bv = jnp.concatenate([be[colsA].reshape(NC, QU),
                              be[colsB].reshape(NC, QU)], axis=1)
        return w, bv

    W1ab, b1ab = elin_parts(We1, be1)
    W2ab, b2ab = elin_parts(We2, be2)
    elin1, elin2 = _elin2x(edge_attr, W1ab, W2ab, b1ab, b2ab)
    elin1 = elin1.reshape(NC * E, QU)
    elin2 = elin2.reshape(NC * E, QU)

    xcat = jnp.concatenate([x[:, :HALF], x[:, HALF:]], axis=0)
    agg1 = _msg(xcat, elin1, comb, zrows)

    h, hh = _stageb1(x, agg1, W1a, b1a.reshape(1, D), W1b, b1b.reshape(1, D),
                     Wp1, bp1.reshape(1, D), gs1, beta1.reshape(1, D))

    agg2 = _msg(hh.reshape(NC * N, HALF), elin2, comb, zrows)

    out128 = _stageb2(h, agg2, W2a, b2a.reshape(1, D), W2b, b2b.reshape(1, D),
                      Wp2, bp2.reshape(1, D), gs2, beta2.reshape(1, D),
                      batch.reshape(N, 1))
    return out128[:G]

# --- scband reference (transcript-rebuilt; emitter-appended) ---
"""Pipeline reference for scband-gnnencoder-32942399160972 (READ-ONLY COPY).

The authoritative reference and input builder live on the scoring server;
editing this copy changes nothing except your own understanding.
"""

import jax, jax.numpy as jnp
import numpy as np

N = 10000
E = 160000
D = 256
DE = 16
G = 64


def _lin(x, W, b):
    return x @ W + b


def _bn_eval(x, g, b):
    # BatchNorm1d in eval mode with freshly-initialized running stats
    # (running_mean=0, running_var=1, eps=1e-5)
    return x / jnp.sqrt(1.0 + 1e-5) * g + b


def setup_inputs(seed: int = 0):
    key = jax.random.key(seed)
    ks = jax.random.split(key, 16)
    p = {}
    p["x"] = jax.random.normal(ks[0], (N, D), dtype=jnp.float32)
    p["edge_index"] = jax.random.randint(ks[1], (2, E), 0, N, dtype=jnp.int32)
    p["edge_attr"] = jax.random.normal(ks[2], (E, DE), dtype=jnp.float32)
    p["batch"] = jnp.sort(jax.random.randint(ks[3], (N,), 0, G, dtype=jnp.int32))

    def w(k, shape):
        return jax.random.normal(k, shape, dtype=jnp.float32) * 0.05

    # GINEConv1: nn = Linear(D,D) -> ReLU -> Linear(D,D); edge lin: Linear(DE,D)
    p["W1a"] = w(ks[4], (D, D)); p["b1a"] = jnp.zeros((D,), jnp.float32)
    p["W1b"] = w(ks[5], (D, D)); p["b1b"] = jnp.zeros((D,), jnp.float32)
    p["We1"] = w(ks[6], (DE, D)); p["be1"] = jnp.zeros((D,), jnp.float32)
    # GINEConv2
    p["W2a"] = w(ks[7], (D, D)); p["b2a"] = jnp.zeros((D,), jnp.float32)
    p["W2b"] = w(ks[8], (D, D)); p["b2b"] = jnp.zeros((D,), jnp.float32)
    p["We2"] = w(ks[9], (DE, D)); p["be2"] = jnp.zeros((D,), jnp.float32)
    # residual projections
    p["Wp1"] = w(ks[10], (D, D)); p["bp1"] = jnp.zeros((D,), jnp.float32)
    p["Wp2"] = w(ks[11], (D, D)); p["bp2"] = jnp.zeros((D,), jnp.float32)
    # batchnorm affine params
    p["g1"] = jnp.ones((D,), jnp.float32); p["beta1"] = jnp.zeros((D,), jnp.float32)
    p["g2"] = jnp.ones((D,), jnp.float32); p["beta2"] = jnp.zeros((D,), jnp.float32)
    return p


def reference(x, edge_index, edge_attr, batch,
              W1a, b1a, W1b, b1b, We1, be1,
              W2a, b2a, W2b, b2b, We2, be2,
              Wp1, bp1, Wp2, bp2, g1, beta1, g2, beta2):
    src = edge_index[0]
    dst = edge_index[1]
    # layer 1
    res1 = _lin(x, Wp1, bp1)
    msg1 = jax.nn.relu(x[src] + _lin(edge_attr, We1, be1))
    agg1 = jax.ops.segment_sum(msg1, dst, num_segments=N)
    h = x + agg1  # (1 + eps) * x with eps = 0
    h = _lin(jax.nn.relu(_lin(h, W1a, b1a)), W1b, b1b)
    h = jax.nn.relu(h)
    h = _bn_eval(h, g1, beta1)
    # dropout is identity in eval mode
    h = h + res1
    # layer 2
    res2 = _lin(h, Wp2, bp2)
    msg2 = jax.nn.relu(h[src] + _lin(edge_attr, We2, be2))
    agg2 = jax.ops.segment_sum(msg2, dst, num_segments=N)
    h2 = h + agg2
    h2 = _lin(jax.nn.relu(_lin(h2, W2a, b2a)), W2b, b2b)
    h2 = jax.nn.relu(h2)
    h2 = _bn_eval(h2, g2, beta2)
    h2 = h2 + res2
    # global_add_pool
    out = jax.ops.segment_sum(h2, batch, num_segments=G)
    return out

if __name__ == "__main__":
    import jax
    _d = setup_inputs()
    print(jax.jit(kernel)(*tuple(_d.values())))

</pallas_src>

<mosaic_0001>
#map = affine_map<(d0, d1) -> (0, 0)>
#map1 = affine_map<(d0, d1) -> (0, 0, 0, 0, 0)>
#map2 = affine_map<(d0, d1) -> (0, 0, 0)>
module attributes {stable_mosaic.version = 14 : i64} {
  func.func @_msg_body(%arg0: i32, %arg1: i32, %arg2: memref<20000x128xf32, #tpu.memory_space<hbm>>, %arg3: memref<320000x64xi32, #tpu.memory_space<hbm>>, %arg4: memref<2x16x125x2x80xi32, #tpu.memory_space<hbm>>, %arg5: memref<1000x128xf32, #tpu.memory_space<hbm>>, %arg6: memref<2x10000x128xf32, #tpu.memory_space<hbm>>, %arg7: memref<2x80xi32, #tpu.memory_space<vmem>>, %arg8: memref<2x80xi32, #tpu.memory_space<vmem>>, %arg9: memref<80x128xf32, #tpu.memory_space<vmem>>, %arg10: memref<80x128xf32, #tpu.memory_space<vmem>>, %arg11: memref<80x64xi32, #tpu.memory_space<vmem>>, %arg12: memref<80x64xi32, #tpu.memory_space<vmem>>, %arg13: memref<10000x128xf32, #tpu.memory_space<vmem_shared>>, %arg14: memref<!tpu.dma_semaphore, #tpu.memory_space<semaphore_mem>>, %arg15: memref<!tpu.dma_semaphore, #tpu.memory_space<semaphore_mem>>, %arg16: memref<!tpu.dma_semaphore, #tpu.memory_space<semaphore_mem>>, %arg17: memref<!tpu.dma_semaphore, #tpu.memory_space<semaphore_mem>>, %arg18: memref<!tpu.dma_semaphore, #tpu.memory_space<semaphore_mem>>, %arg19: memref<!tpu.dma_semaphore, #tpu.memory_space<semaphore_mem>>, %arg20: memref<!tpu.dma_semaphore, #tpu.memory_space<semaphore_mem>>) attributes {dimension_semantics = [#tpu.dimension_semantics<core_parallel>, #tpu.dimension_semantics<subcore_parallel>], iteration_bounds = array<i64: 2, 16>, scalar_prefetch = 0 : i64, scratch_operands = 14 : i64, tpu.core_type = #tpu.core_type<sc_vector_subcore>, window_params = [{transform_indices = #map}, {transform_indices = #map}, {transform_indices = #map1}, {transform_indices = #map}, {transform_indices = #map2}]} {
    %lt3A = arith.constant 10 : i32
    %lt3A_0 = arith.cmpi slt, %arg1, %lt3A : i32
    %convert_element_type3A = arith.extui %lt3A_0 : i1 to i32
    %cond3A = arith.constant 0 : i32
    %cond3A_1 = arith.cmpi ne, %convert_element_type3A, %cond3A : i32
    scf.if %cond3A_1 {
      %mul3A_70 = arith.constant 1000 : i32
      %mul3A_71 = arith.muli %arg1, %mul3A_70 : i32
      "tpu.region"() ({
        %run_scoped3A_72 = tpu.sem_alloc : memref<!tpu.dma_semaphore, #tpu.memory_space<semaphore_mem>>
        %dma_start3A_73 = arith.constant 0 : i32
        %dma_start3A_74 = tpu.memref_slice %arg13[%mul3A_71, %dma_start3A_73] : memref<10000x128xf32, #tpu.memory_space<vmem_shared>> -> memref<1000x128xf32, #tpu.memory_space<vmem_shared>>
        tpu.enqueue_dma source(%arg5 : memref<1000x128xf32, #tpu.memory_space<hbm>>) target(%dma_start3A_74 : memref<1000x128xf32, #tpu.memory_space<vmem_shared>>) target_semaphore(%run_scoped3A_72 : memref<!tpu.dma_semaphore, #tpu.memory_space<semaphore_mem>>)
        %dma_wait3A_75 = arith.constant 0 : i32
        %dma_wait3A_76 = tpu.memref_slice %arg13[%mul3A_71, %dma_wait3A_75] : memref<10000x128xf32, #tpu.memory_space<vmem_shared>> -> memref<1000x128xf32, #tpu.memory_space<vmem_shared>>
        tpu.wait_dma2 semaphore(%run_scoped3A_72 : memref<!tpu.dma_semaphore, #tpu.memory_space<semaphore_mem>>) src(%arg5 : memref<1000x128xf32, #tpu.memory_space<hbm>>) dst(%dma_wait3A_76 : memref<1000x128xf32, #tpu.memory_space<vmem_shared>>)
        tpu.yield
      }) : () -> ()
    } else {
    }
    %barrier3A = arith.constant 0 : index
    tpu.barrier barrier_id(%barrier3A)
    %mul3A = arith.constant 160000 : i32
    %mul3A_2 = arith.muli %arg0, %mul3A : i32
    %mul3A_3 = arith.constant 10000 : i32
    %mul3A_4 = arith.muli %arg1, %mul3A_3 : i32
    %add3A = arith.addi %mul3A_2, %mul3A_4 : i32
    %run_scoped3A = arith.constant 0 : i32
    "tpu.region"() ({
      %run_scoped3A_70 = tpu.sem_alloc : memref<!tpu.dma_semaphore, #tpu.memory_space<semaphore_mem>>
      %dma_start3A_71 = arith.constant 0 : i32
      %dma_start3A_72 = arith.constant 0 : i32
      %dma_start3A_73 = tpu.memref_slice %arg4[%arg0, %arg1, %run_scoped3A, %dma_start3A_71, %dma_start3A_72] : memref<2x16x125x2x80xi32, #tpu.memory_space<hbm>> -> memref<1x1x1x2x80xi32, #tpu.memory_space<hbm>>
      %dma_start3A_74 = tpu.memref_squeeze %dma_start3A_73 : memref<1x1x1x2x80xi32, #tpu.memory_space<hbm>> -> memref<2x80xi32, #tpu.memory_space<hbm>>
      %dma_start3A_75 = arith.constant 0 : i32
      %dma_start3A_76 = arith.constant 0 : i32
      %dma_start3A_77 = tpu.memref_slice %arg4[%arg0, %arg1, %run_scoped3A, %dma_start3A_75, %dma_start3A_76] : memref<2x16x125x2x80xi32, #tpu.memory_space<hbm>> -> memref<1x1x1x2x80xi32, #tpu.memory_space<hbm>>
      %dma_start3A_78 = tpu.memref_squeeze %dma_start3A_77 : memref<1x1x1x2x80xi32, #tpu.memory_space<hbm>> -> memref<2x80xi32, #tpu.memory_space<hbm>>
      tpu.enqueue_dma source(%dma_start3A_78 : memref<2x80xi32, #tpu.memory_space<hbm>>) target(%arg7 : memref<2x80xi32, #tpu.memory_space<vmem>>) target_semaphore(%run_scoped3A_70 : memref<!tpu.dma_semaphore, #tpu.memory_space<semaphore_mem>>)
      %dma_wait3A_79 = arith.constant 0 : i32
      %dma_wait3A_80 = arith.constant 0 : i32
      %dma_wait3A_81 = tpu.memref_slice %arg4[%arg0, %arg1, %run_scoped3A, %dma_wait3A_79, %dma_wait3A_80] : memref<2x16x125x2x80xi32, #tpu.memory_space<hbm>> -> memref<1x1x1x2x80xi32, #tpu.memory_space<hbm>>
      %dma_wait3A_82 = tpu.memref_squeeze %dma_wait3A_81 : memref<1x1x1x2x80xi32, #tpu.memory_space<hbm>> -> memref<2x80xi32, #tpu.memory_space<hbm>>
      %dma_wait3A_83 = arith.constant 0 : i32
      %dma_wait3A_84 = arith.constant 0 : i32
      %dma_wait3A_85 = tpu.memref_slice %arg4[%arg0, %arg1, %run_scoped3A, %dma_wait3A_83, %dma_wait3A_84] : memref<2x16x125x2x80xi32, #tpu.memory_space<hbm>> -> memref<1x1x1x2x80xi32, #tpu.memory_space<hbm>>
      %dma_wait3A_86 = tpu.memref_squeeze %dma_wait3A_85 : memref<1x1x1x2x80xi32, #tpu.memory_space<hbm>> -> memref<2x80xi32, #tpu.memory_space<hbm>>
      tpu.wait_dma2 semaphore(%run_scoped3A_70 : memref<!tpu.dma_semaphore, #tpu.memory_space<semaphore_mem>>) src(%dma_wait3A_86 : memref<2x80xi32, #tpu.memory_space<hbm>>) dst(%arg7 : memref<2x80xi32, #tpu.memory_space<vmem>>)
      tpu.yield
    }) : () -> ()
    %dma_start3A = arith.constant 0 : i32
    %dma_start3A_5 = arith.constant 0 : i32
    %dma_start3A_6 = tpu.memref_slice %arg7[%dma_start3A, %dma_start3A_5] : memref<2x80xi32, #tpu.memory_space<vmem>> -> memref<1x80xi32, #tpu.memory_space<vmem>>
    %dma_start3A_7 = tpu.memref_squeeze %dma_start3A_6 : memref<1x80xi32, #tpu.memory_space<vmem>> -> memref<80xi32, #tpu.memory_space<vmem>>
    %dma_start3A_8 = arith.constant 0 : i32
    %dma_start3A_9 = arith.constant 0 : i32
    %dma_start3A_10 = tpu.memref_slice %arg2[%dma_start3A_8, %dma_start3A_9] : memref<20000x128xf32, #tpu.memory_space<hbm>> -> memref<20000x128xf32, #tpu.memory_space<hbm>>
    tpu.enqueue_indirect_dma source(%dma_start3A_10 : memref<20000x128xf32, #tpu.memory_space<hbm>>) target(%arg9 : memref<80x128xf32, #tpu.memory_space<vmem>>) offsets(%dma_start3A_7 : memref<80xi32, #tpu.memory_space<vmem>>) semaphore(%arg14 : memref<!tpu.dma_semaphore, #tpu.memory_space<semaphore_mem>>)
    %add3A_11 = arith.constant 0 : i32
    %add3A_12 = arith.addi %add3A, %add3A_11 : i32
    %dma_start3A_13 = arith.constant 0 : i32
    %dma_start3A_14 = tpu.memref_slice %arg3[%add3A_12, %dma_start3A_13] : memref<320000x64xi32, #tpu.memory_space<hbm>> -> memref<80x64xi32, #tpu.memory_space<hbm>>
    %dma_start3A_15 = arith.constant 0 : i32
    %dma_start3A_16 = tpu.memref_slice %arg3[%add3A_12, %dma_start3A_15] : memref<320000x64xi32, #tpu.memory_space<hbm>> -> memref<80x64xi32, #tpu.memory_space<hbm>>
    tpu.enqueue_dma source(%dma_start3A_16 : memref<80x64xi32, #tpu.memory_space<hbm>>) target(%arg11 : memref<80x64xi32, #tpu.memory_space<vmem>>) target_semaphore(%arg16 : memref<!tpu.dma_semaphore, #tpu.memory_space<semaphore_mem>>)
    %scan3A = arith.constant 0 : i32
    %scan3A_17 = arith.constant 0 : i32
    %scan3A_18 = arith.constant 62 : i32
    %scan3A_19 = arith.addi %scan3A_17, %scan3A_18 : i32
    %scan3A_20 = arith.constant 1 : i32
    %scan3A_21 = scf.for %scan3A_70 = %scan3A_17 to %scan3A_19 step %scan3A_20 iter_args(%scan3A_71 = %scan3A) -> (i32)  : i32 {
      %mul3A_72 = arith.constant 2 : i32
      %mul3A_73 = arith.muli %mul3A_72, %scan3A_70 : i32
      %ge3A = arith.constant 1 : i32
      %ge3A_74 = arith.cmpi sge, %mul3A_73, %ge3A : i32
      %convert_element_type3A_75 = arith.extui %ge3A_74 : i1 to i32
      %cond3A_76 = arith.constant 0 : i32
      %cond3A_77 = arith.cmpi ne, %convert_element_type3A_75, %cond3A_76 : i32
      scf.if %cond3A_77 {
        %dma_wait3A_176 = arith.constant 1 : i32
        %dma_wait3A_177 = arith.constant 0 : i32
        %dma_wait3A_178 = tpu.memref_slice %arg8[%dma_wait3A_176, %dma_wait3A_177] : memref<2x80xi32, #tpu.memory_space<vmem>> -> memref<1x80xi32, #tpu.memory_space<vmem>>
        %dma_wait3A_179 = tpu.memref_squeeze %dma_wait3A_178 : memref<1x80xi32, #tpu.memory_space<vmem>> -> memref<80xi32, #tpu.memory_space<vmem>>
        %dma_wait3A_180 = arith.constant 0 : i32
        %dma_wait3A_181 = arith.constant 0 : i32
        %dma_wait3A_182 = tpu.memref_slice %arg13[%dma_wait3A_180, %dma_wait3A_181] : memref<10000x128xf32, #tpu.memory_space<vmem_shared>> -> memref<10000x128xf32, #tpu.memory_space<vmem_shared>>
        tpu.wait_indirect_dma semaphore(%arg19 : memref<!tpu.dma_semaphore, #tpu.memory_space<semaphore_mem>>) src(%arg10 : memref<80x128xf32, #tpu.memory_space<vmem>>) dst(%dma_wait3A_182 : memref<10000x128xf32, #tpu.memory_space<vmem_shared>>)
      } else {
      }
      %add3A_78 = arith.constant 1 : i32
      %add3A_79 = arith.addi %mul3A_73, %add3A_78 : i32
      %lt3A_80 = arith.constant 125 : i32
      %lt3A_81 = arith.cmpi slt, %add3A_79, %lt3A_80 : i32
      %convert_element_type3A_82 = arith.extui %lt3A_81 : i1 to i32
      %cond3A_83 = arith.constant 0 : i32
      %cond3A_84 = arith.cmpi ne, %convert_element_type3A_82, %cond3A_83 : i32
      scf.if %cond3A_84 {
        %add3A_176 = arith.constant 1 : i32
        %add3A_177 = arith.addi %mul3A_73, %add3A_176 : i32
        %dma_start3A_178 = arith.constant 0 : i32
        %dma_start3A_179 = arith.constant 0 : i32
        %dma_start3A_180 = tpu.memref_slice %arg4[%arg0, %arg1, %add3A_177, %dma_start3A_178, %dma_start3A_179] : memref<2x16x125x2x80xi32, #tpu.memory_space<hbm>> -> memref<1x1x1x2x80xi32, #tpu.memory_space<hbm>>
        %dma_start3A_181 = tpu.memref_squeeze %dma_start3A_180 : memref<1x1x1x2x80xi32, #tpu.memory_space<hbm>> -> memref<2x80xi32, #tpu.memory_space<hbm>>
        %dma_start3A_182 = arith.constant 0 : i32
        %dma_start3A_183 = arith.constant 0 : i32
        %dma_start3A_184 = tpu.memref_slice %arg4[%arg0, %arg1, %add3A_177, %dma_start3A_182, %dma_start3A_183] : memref<2x16x125x2x80xi32, #tpu.memory_space<hbm>> -> memref<1x1x1x2x80xi32, #tpu.memory_space<hbm>>
        %dma_start3A_185 = tpu.memref_squeeze %dma_start3A_184 : memref<1x1x1x2x80xi32, #tpu.memory_space<hbm>> -> memref<2x80xi32, #tpu.memory_space<hbm>>
        tpu.enqueue_dma source(%dma_start3A_185 : memref<2x80xi32, #tpu.memory_space<hbm>>) target(%arg8 : memref<2x80xi32, #tpu.memory_space<vmem>>) target_semaphore(%arg20 : memref<!tpu.dma_semaphore, #tpu.memory_space<semaphore_mem>>)
      } else {
      }
      %dma_wait3A_85 = arith.constant 0 : i32
      %dma_wait3A_86 = arith.constant 0 : i32
      %dma_wait3A_87 = tpu.memref_slice %arg7[%dma_wait3A_85, %dma_wait3A_86] : memref<2x80xi32, #tpu.memory_space<vmem>> -> memref<1x80xi32, #tpu.memory_space<vmem>>
      %dma_wait3A_88 = tpu.memref_squeeze %dma_wait3A_87 : memref<1x80xi32, #tpu.memory_space<vmem>> -> memref<80xi32, #tpu.memory_space<vmem>>
      %dma_wait3A_89 = arith.constant 0 : i32
      %dma_wait3A_90 = arith.constant 0 : i32
      %dma_wait3A_91 = tpu.memref_slice %arg2[%dma_wait3A_89, %dma_wait3A_90] : memref<20000x128xf32, #tpu.memory_space<hbm>> -> memref<20000x128xf32, #tpu.memory_space<hbm>>
      tpu.wait_indirect_dma semaphore(%arg14 : memref<!tpu.dma_semaphore, #tpu.memory_space<semaphore_mem>>) src(%dma_wait3A_91 : memref<20000x128xf32, #tpu.memory_space<hbm>>) dst(%arg9 : memref<80x128xf32, #tpu.memory_space<vmem>>)
      %mul3A_92 = arith.constant 80 : i32
      %mul3A_93 = arith.muli %mul3A_73, %mul3A_92 : i32
      %add3A_94 = arith.addi %add3A, %mul3A_93 : i32
      %dma_wait3A_95 = arith.constant 0 : i32
      %dma_wait3A_96 = tpu.memref_slice %arg3[%add3A_94, %dma_wait3A_95] : memref<320000x64xi32, #tpu.memory_space<hbm>> -> memref<80x64xi32, #tpu.memory_space<hbm>>
      %dma_wait3A_97 = arith.constant 0 : i32
      %dma_wait3A_98 = tpu.memref_slice %arg3[%add3A_94, %dma_wait3A_97] : memref<320000x64xi32, #tpu.memory_space<hbm>> -> memref<80x64xi32, #tpu.memory_space<hbm>>
      tpu.wait_dma2 semaphore(%arg16 : memref<!tpu.dma_semaphore, #tpu.memory_space<semaphore_mem>>) src(%dma_wait3A_98 : memref<80x64xi32, #tpu.memory_space<hbm>>) dst(%arg11 : memref<80x64xi32, #tpu.memory_space<vmem>>)
      %add3A_99 = arith.constant 1 : i32
      %add3A_100 = arith.addi %mul3A_73, %add3A_99 : i32
      %lt3A_101 = arith.constant 125 : i32
      %lt3A_102 = arith.cmpi slt, %add3A_100, %lt3A_101 : i32
      %convert_element_type3A_103 = arith.extui %lt3A_102 : i1 to i32
      %cond3A_104 = arith.constant 0 : i32
      %cond3A_105 = arith.cmpi ne, %convert_element_type3A_103, %cond3A_104 : i32
      scf.if %cond3A_105 {
        %dma_wait3A_176 = arith.constant 0 : i32
        %dma_wait3A_177 = arith.constant 0 : i32
        %dma_wait3A_178 = arith.constant 0 : i32
        %dma_wait3A_179 = tpu.memref_slice %arg4[%arg0, %arg1, %dma_wait3A_176, %dma_wait3A_177, %dma_wait3A_178] : memref<2x16x125x2x80xi32, #tpu.memory_space<hbm>> -> memref<1x1x1x2x80xi32, #tpu.memory_space<hbm>>
        %dma_wait3A_180 = tpu.memref_squeeze %dma_wait3A_179 : memref<1x1x1x2x80xi32, #tpu.memory_space<hbm>> -> memref<2x80xi32, #tpu.memory_space<hbm>>
        %dma_wait3A_181 = arith.constant 0 : i32
        %dma_wait3A_182 = arith.constant 0 : i32
        %dma_wait3A_183 = tpu.memref_slice %arg4[%arg0, %arg1, %dma_wait3A_176, %dma_wait3A_181, %dma_wait3A_182] : memref<2x16x125x2x80xi32, #tpu.memory_space<hbm>> -> memref<1x1x1x2x80xi32, #tpu.memory_space<hbm>>
        %dma_wait3A_184 = tpu.memref_squeeze %dma_wait3A_183 : memref<1x1x1x2x80xi32, #tpu.memory_space<hbm>> -> memref<2x80xi32, #tpu.memory_space<hbm>>
        tpu.wait_dma2 semaphore(%arg20 : memref<!tpu.dma_semaphore, #tpu.memory_space<semaphore_mem>>) src(%dma_wait3A_184 : memref<2x80xi32, #tpu.memory_space<hbm>>) dst(%arg8 : memref<2x80xi32, #tpu.memory_space<vmem>>)
        %dma_start3A_185 = arith.constant 0 : i32
        %dma_start3A_186 = arith.constant 0 : i32
        %dma_start3A_187 = tpu.memref_slice %arg8[%dma_start3A_185, %dma_start3A_186] : memref<2x80xi32, #tpu.memory_space<vmem>> -> memref<1x80xi32, #tpu.memory_space<vmem>>
        %dma_start3A_188 = tpu.memref_squeeze %dma_start3A_187 : memref<1x80xi32, #tpu.memory_space<vmem>> -> memref<80xi32, #tpu.memory_space<vmem>>
        %dma_start3A_189 = arith.constant 0 : i32
        %dma_start3A_190 = arith.constant 0 : i32
        %dma_start3A_191 = tpu.memref_slice %arg2[%dma_start3A_189, %dma_start3A_190] : memref<20000x128xf32, #tpu.memory_space<hbm>> -> memref<20000x128xf32, #tpu.memory_space<hbm>>
        tpu.enqueue_indirect_dma source(%dma_start3A_191 : memref<20000x128xf32, #tpu.memory_space<hbm>>) target(%arg10 : memref<80x128xf32, #tpu.memory_space<vmem>>) offsets(%dma_start3A_188 : memref<80xi32, #tpu.memory_space<vmem>>) semaphore(%arg15 : memref<!tpu.dma_semaphore, #tpu.memory_space<semaphore_mem>>)
        %add3A_192 = arith.constant 1 : i32
        %add3A_193 = arith.addi %mul3A_73, %add3A_192 : i32
        %mul3A_194 = arith.constant 80 : i32
        %mul3A_195 = arith.muli %add3A_193, %mul3A_194 : i32
        %add3A_196 = arith.addi %add3A, %mul3A_195 : i32
        %dma_start3A_197 = arith.constant 0 : i32
        %dma_start3A_198 = tpu.memref_slice %arg3[%add3A_196, %dma_start3A_197] : memref<320000x64xi32, #tpu.memory_space<hbm>> -> memref<80x64xi32, #tpu.memory_space<hbm>>
        %dma_start3A_199 = arith.constant 0 : i32
        %dma_start3A_200 = tpu.memref_slice %arg3[%add3A_196, %dma_start3A_199] : memref<320000x64xi32, #tpu.memory_space<hbm>> -> memref<80x64xi32, #tpu.memory_space<hbm>>
        tpu.enqueue_dma source(%dma_start3A_200 : memref<80x64xi32, #tpu.memory_space<hbm>>) target(%arg12 : memref<80x64xi32, #tpu.memory_space<vmem>>) target_semaphore(%arg17 : memref<!tpu.dma_semaphore, #tpu.memory_space<semaphore_mem>>)
      } else {
      }
      %broadcast_in_dim3A_106 = arith.constant -65536 : i32
      %broadcast_in_dim3A_107 = vector.broadcast %broadcast_in_dim3A_106 : i32 to vector<16xi32>
      %scan3A_108 = arith.constant 0 : i32
      %scan3A_109 = arith.constant 0 : i32
      %scan3A_110 = arith.constant 80 : i32
      %scan3A_111 = arith.addi %scan3A_109, %scan3A_110 : i32
      %scan3A_112 = arith.constant 1 : i32
      %scan3A_113 = scf.for %scan3A_176 = %scan3A_109 to %scan3A_111 step %scan3A_112 iter_args(%scan3A_177 = %scan3A_108) -> (i32)  : i32 {
        %get3A = arith.index_cast %scan3A_176 : i32 to index
        %get3A_178 = arith.constant 0 : index
        %get3A_179 = tpu.vector_load %arg11[%get3A, %get3A_178] {strides = array<i32>} : memref<80x64xi32, #tpu.memory_space<vmem>>, vector<16xi32>,
        %shift_left3A = arith.constant 16 : i32
        %shift_left3A_180 = vector.broadcast %shift_left3A : i32 to vector<16xi32>
        %shift_left3A_181 = arith.shli %get3A_179, %shift_left3A_180 : vector<16xi32>
        %bitcast3A = vector.bitcast %shift_left3A_181 : vector<16xi32> to vector<16xf32>
        %and3A = arith.andi %get3A_179, %broadcast_in_dim3A_107 : vector<16xi32>
        %bitcast3A_182 = vector.bitcast %and3A : vector<16xi32> to vector<16xf32>
        %get3A_183 = arith.index_cast %scan3A_176 : i32 to index
        %get3A_184 = arith.constant 0 : index
        %get3A_185 = tpu.vector_load %arg9[%get3A_183, %get3A_184] {strides = array<i32>} : memref<80x128xf32, #tpu.memory_space<vmem>>, vector<16xf32>,
        %add3A_186 = arith.addf %get3A_185, %bitcast3A : vector<16xf32>
        %max3A = arith.constant 0.000000e+00 : f32
        %max3A_187 = vector.broadcast %max3A : f32 to vector<16xf32>
        %max3A_188 = arith.maximumf %add3A_186, %max3A_187 : vector<16xf32>
        %swap3A = arith.index_cast %scan3A_176 : i32 to index
        %swap3A_189 = arith.constant 0 : index
        %swap3A_190 = tpu.vector_load %arg9[%swap3A, %swap3A_189] {strides = array<i32>} : memref<80x128xf32, #tpu.memory_space<vmem>>, vector<16xf32>,
        tpu.vector_store %arg9[%swap3A, %swap3A_189], %max3A_188 {strides = array<i32>} : memref<80x128xf32, #tpu.memory_space<vmem>>, vector<16xf32>,
        %get3A_191 = arith.index_cast %scan3A_176 : i32 to index
        %get3A_192 = arith.constant 16 : index
        %get3A_193 = tpu.vector_load %arg9[%get3A_191, %get3A_192] {strides = array<i32>} : memref<80x128xf32, #tpu.memory_space<vmem>>, vector<16xf32>,
        %add3A_194 = arith.addf %get3A_193, %bitcast3A_182 : vector<16xf32>
        %max3A_195 = arith.constant 0.000000e+00 : f32
        %max3A_196 = vector.broadcast %max3A_195 : f32 to vector<16xf32>
        %max3A_197 = arith.maximumf %add3A_194, %max3A_196 : vector<16xf32>
        %swap3A_198 = arith.index_cast %scan3A_176 : i32 to index
        %swap3A_199 = arith.constant 16 : index
        %swap3A_200 = tpu.vector_load %arg9[%swap3A_198, %swap3A_199] {strides = array<i32>} : memref<80x128xf32, #tpu.memory_space<vmem>>, vector<16xf32>,
        tpu.vector_store %arg9[%swap3A_198, %swap3A_199], %max3A_197 {strides = array<i32>} : memref<80x128xf32, #tpu.memory_space<vmem>>, vector<16xf32>,
        %get3A_201 = arith.index_cast %scan3A_176 : i32 to index
        %get3A_202 = arith.constant 16 : index
        %get3A_203 = tpu.vector_load %arg11[%get3A_201, %get3A_202] {strides = array<i32>} : memref<80x64xi32, #tpu.memory_space<vmem>>, vector<16xi32>,
        %shift_left3A_204 = arith.constant 16 : i32
        %shift_left3A_205 = vector.broadcast %shift_left3A_204 : i32 to vector<16xi32>
        %shift_left3A_206 = arith.shli %get3A_203, %shift_left3A_205 : vector<16xi32>
        %bitcast3A_207 = vector.bitcast %shift_left3A_206 : vector<16xi32> to vector<16xf32>
        %and3A_208 = arith.andi %get3A_203, %broadcast_in_dim3A_107 : vector<16xi32>
        %bitcast3A_209 = vector.bitcast %and3A_208 : vector<16xi32> to vector<16xf32>
        %get3A_210 = arith.index_cast %scan3A_176 : i32 to index
        %get3A_211 = arith.constant 32 : index
        %get3A_212 = tpu.vector_load %arg9[%get3A_210, %get3A_211] {strides = array<i32>} : memref<80x128xf32, #tpu.memory_space<vmem>>, vector<16xf32>,
        %add3A_213 = arith.addf %get3A_212, %bitcast3A_207 : vector<16xf32>
        %max3A_214 = arith.constant 0.000000e+00 : f32
        %max3A_215 = vector.broadcast %max3A_214 : f32 to vector<16xf32>
        %max3A_216 = arith.maximumf %add3A_213, %max3A_215 : vector<16xf32>
        %swap3A_217 = arith.index_cast %scan3A_176 : i32 to index
        %swap3A_218 = arith.constant 32 : index
        %swap3A_219 = tpu.vector_load %arg9[%swap3A_217, %swap3A_218] {strides = array<i32>} : memref<80x128xf32, #tpu.memory_space<vmem>>, vector<16xf32>,
        tpu.vector_store %arg9[%swap3A_217, %swap3A_218], %max3A_216 {strides = array<i32>} : memref<80x128xf32, #tpu.memory_space<vmem>>, vector<16xf32>,
        %get3A_220 = arith.index_cast %scan3A_176 : i32 to index
        %get3A_221 = arith.constant 48 : index
        %get3A_222 = tpu.vector_load %arg9[%get3A_220, %get3A_221] {strides = array<i32>} : memref<80x128xf32, #tpu.memory_space<vmem>>, vector<16xf32>,
        %add3A_223 = arith.addf %get3A_222, %bitcast3A_209 : vector<16xf32>
        %max3A_224 = arith.constant 0.000000e+00 : f32
        %max3A_225 = vector.broadcast %max3A_224 : f32 to vector<16xf32>
        %max3A_226 = arith.maximumf %add3A_223, %max3A_225 : vector<16xf32>
        %swap3A_227 = arith.index_cast %scan3A_176 : i32 to index
        %swap3A_228 = arith.constant 48 : index
        %swap3A_229 = tpu.vector_load %arg9[%swap3A_227, %swap3A_228] {strides = array<i32>} : memref<80x128xf32, #tpu.memory_space<vmem>>, vector<16xf32>,
        tpu.vector_store %arg9[%swap3A_227, %swap3A_228], %max3A_226 {strides = array<i32>} : memref<80x128xf32, #tpu.memory_space<vmem>>, vector<16xf32>,
        %get3A_230 = arith.index_cast %scan3A_176 : i32 to index
        %get3A_231 = arith.constant 32 : index
        %get3A_232 = tpu.vector_load %arg11[%get3A_230, %get3A_231] {strides = array<i32>} : memref<80x64xi32, #tpu.memory_space<vmem>>, vector<16xi32>,
        %shift_left3A_233 = arith.constant 16 : i32
        %shift_left3A_234 = vector.broadcast %shift_left3A_233 : i32 to vector<16xi32>
        %shift_left3A_235 = arith.shli %get3A_232, %shift_left3A_234 : vector<16xi32>
        %bitcast3A_236 = vector.bitcast %shift_left3A_235 : vector<16xi32> to vector<16xf32>
        %and3A_237 = arith.andi %get3A_232, %broadcast_in_dim3A_107 : vector<16xi32>
        %bitcast3A_238 = vector.bitcast %and3A_237 : vector<16xi32> to vector<16xf32>
        %get3A_239 = arith.index_cast %scan3A_176 : i32 to index
        %get3A_240 = arith.constant 64 : index
        %get3A_241 = tpu.vector_load %arg9[%get3A_239, %get3A_240] {strides = array<i32>} : memref<80x128xf32, #tpu.memory_space<vmem>>, vector<16xf32>,
        %add3A_242 = arith.addf %get3A_241, %bitcast3A_236 : vector<16xf32>
        %max3A_243 = arith.constant 0.000000e+00 : f32
        %max3A_244 = vector.broadcast %max3A_243 : f32 to vector<16xf32>
        %max3A_245 = arith.maximumf %add3A_242, %max3A_244 : vector<16xf32>
        %swap3A_246 = arith.index_cast %scan3A_176 : i32 to index
        %swap3A_247 = arith.constant 64 : index
        %swap3A_248 = tpu.vector_load %arg9[%swap3A_246, %swap3A_247] {strides = array<i32>} : memref<80x128xf32, #tpu.memory_space<vmem>>, vector<16xf32>,
        tpu.vector_store %arg9[%swap3A_246, %swap3A_247], %max3A_245 {strides = array<i32>} : memref<80x128xf32, #tpu.memory_space<vmem>>, vector<16xf32>,
        %get3A_249 = arith.index_cast %scan3A_176 : i32 to index
        %get3A_250 = arith.constant 80 : index
        %get3A_251 = tpu.vector_load %arg9[%get3A_249, %get3A_250] {strides = array<i32>} : memref<80x128xf32, #tpu.memory_space<vmem>>, vector<16xf32>,
        %add3A_252 = arith.addf %get3A_251, %bitcast3A_238 : vector<16xf32>
        %max3A_253 = arith.constant 0.000000e+00 : f32
        %max3A_254 = vector.broadcast %max3A_253 : f32 to vector<16xf32>
        %max3A_255 = arith.maximumf %add3A_252, %max3A_254 : vector<16xf32>
        %swap3A_256 = arith.index_cast %scan3A_176 : i32 to index
        %swap3A_257 = arith.constant 80 : index
        %swap3A_258 = tpu.vector_load %arg9[%swap3A_256, %swap3A_257] {strides = array<i32>} : memref<80x128xf32, #tpu.memory_space<vmem>>, vector<16xf32>,
        tpu.vector_store %arg9[%swap3A_256, %swap3A_257], %max3A_255 {strides = array<i32>} : memref<80x128xf32, #tpu.memory_space<vmem>>, vector<16xf32>,
        %get3A_259 = arith.index_cast %scan3A_176 : i32 to index
        %get3A_260 = arith.constant 48 : index
        %get3A_261 = tpu.vector_load %arg11[%get3A_259, %get3A_260] {strides = array<i32>} : memref<80x64xi32, #tpu.memory_space<vmem>>, vector<16xi32>,
        %shift_left3A_262 = arith.constant 16 : i32
        %shift_left3A_263 = vector.broadcast %shift_left3A_262 : i32 to vector<16xi32>
        %shift_left3A_264 = arith.shli %get3A_261, %shift_left3A_263 : vector<16xi32>
        %bitcast3A_265 = vector.bitcast %shift_left3A_264 : vector<16xi32> to vector<16xf32>
        %and3A_266 = arith.andi %get3A_261, %broadcast_in_dim3A_107 : vector<16xi32>
        %bitcast3A_267 = vector.bitcast %and3A_266 : vector<16xi32> to vector<16xf32>
        %get3A_268 = arith.index_cast %scan3A_176 : i32 to index
        %get3A_269 = arith.constant 96 : index
        %get3A_270 = tpu.vector_load %arg9[%get3A_268, %get3A_269] {strides = array<i32>} : memref<80x128xf32, #tpu.memory_space<vmem>>, vector<16xf32>,
        %add3A_271 = arith.addf %get3A_270, %bitcast3A_265 : vector<16xf32>
        %max3A_272 = arith.constant 0.000000e+00 : f32
        %max3A_273 = vector.broadcast %max3A_272 : f32 to vector<16xf32>
        %max3A_274 = arith.maximumf %add3A_271, %max3A_273 : vector<16xf32>
        %swap3A_275 = arith.index_cast %scan3A_176 : i32 to index
        %swap3A_276 = arith.constant 96 : index
        %swap3A_277 = tpu.vector_load %arg9[%swap3A_275, %swap3A_276] {strides = array<i32>} : memref<80x128xf32, #tpu.memory_space<vmem>>, vector<16xf32>,
        tpu.vector_store %arg9[%swap3A_275, %swap3A_276], %max3A_274 {strides = array<i32>} : memref<80x128xf32, #tpu.memory_space<vmem>>, vector<16xf32>,
        %get3A_278 = arith.index_cast %scan3A_176 : i32 to index
        %get3A_279 = arith.constant 112 : index
        %get3A_280 = tpu.vector_load %arg9[%get3A_278, %get3A_279] {strides = array<i32>} : memref<80x128xf32, #tpu.memory_space<vmem>>, vector<16xf32>,
        %add3A_281 = arith.addf %get3A_280, %bitcast3A_267 : vector<16xf32>
        %max3A_282 = arith.constant 0.000000e+00 : f32
        %max3A_283 = vector.broadcast %max3A_282 : f32 to vector<16xf32>
        %max3A_284 = arith.maximumf %add3A_281, %max3A_283 : vector<16xf32>
        %swap3A_285 = arith.index_cast %scan3A_176 : i32 to index
        %swap3A_286 = arith.constant 112 : index
        %swap3A_287 = tpu.vector_load %arg9[%swap3A_285, %swap3A_286] {strides = array<i32>} : memref<80x128xf32, #tpu.memory_space<vmem>>, vector<16xf32>,
        tpu.vector_store %arg9[%swap3A_285, %swap3A_286], %max3A_284 {strides = array<i32>} : memref<80x128xf32, #tpu.memory_space<vmem>>, vector<16xf32>,
        %scan3A_288 = arith.constant 0 : i32
        scf.yield %scan3A_288 : i32
      }
      %scan3A_114 = arith.constant 80 : i32
      %dma_start3A_115 = arith.constant 1 : i32
      %dma_start3A_116 = arith.constant 0 : i32
      %dma_start3A_117 = tpu.memref_slice %arg7[%dma_start3A_115, %dma_start3A_116] : memref<2x80xi32, #tpu.memory_space<vmem>> -> memref<1x80xi32, #tpu.memory_space<vmem>>
      %dma_start3A_118 = tpu.memref_squeeze %dma_start3A_117 : memref<1x80xi32, #tpu.memory_space<vmem>> -> memref<80xi32, #tpu.memory_space<vmem>>
      %dma_start3A_119 = arith.constant 0 : i32
      %dma_start3A_120 = arith.constant 0 : i32
      %dma_start3A_121 = tpu.memref_slice %arg13[%dma_start3A_119, %dma_start3A_120] : memref<10000x128xf32, #tpu.memory_space<vmem_shared>> -> memref<10000x128xf32, #tpu.memory_space<vmem_shared>>
      tpu.enqueue_indirect_dma source(%arg9 : memref<80x128xf32, #tpu.memory_space<vmem>>) target(%dma_start3A_121 : memref<10000x128xf32, #tpu.memory_space<vmem_shared>>) offsets(%dma_start3A_118 : memref<80xi32, #tpu.memory_space<vmem>>) semaphore(%arg18 : memref<!tpu.dma_semaphore, #tpu.memory_space<semaphore_mem>>) {add = true}
      %mul3A_122 = arith.constant 2 : i32
      %mul3A_123 = arith.muli %mul3A_122, %scan3A_70 : i32
      %add3A_124 = arith.constant 1 : i32
      %add3A_125 = arith.addi %mul3A_123, %add3A_124 : i32
      %ge3A_126 = arith.constant 1 : i32
      %ge3A_127 = arith.cmpi sge, %add3A_125, %ge3A_126 : i32
      %convert_element_type3A_128 = arith.extui %ge3A_127 : i1 to i32
      %cond3A_129 = arith.constant 0 : i32
      %cond3A_130 = arith.cmpi ne, %convert_element_type3A_128, %cond3A_129 : i32
      scf.if %cond3A_130 {
        %dma_wait3A_176 = arith.constant 1 : i32
        %dma_wait3A_177 = arith.constant 0 : i32
        %dma_wait3A_178 = tpu.memref_slice %arg7[%dma_wait3A_176, %dma_wait3A_177] : memref<2x80xi32, #tpu.memory_space<vmem>> -> memref<1x80xi32, #tpu.memory_space<vmem>>
        %dma_wait3A_179 = tpu.memref_squeeze %dma_wait3A_178 : memref<1x80xi32, #tpu.memory_space<vmem>> -> memref<80xi32, #tpu.memory_space<vmem>>
        %dma_wait3A_180 = arith.constant 0 : i32
        %dma_wait3A_181 = arith.constant 0 : i32
        %dma_wait3A_182 = tpu.memref_slice %arg13[%dma_wait3A_180, %dma_wait3A_181] : memref<10000x128xf32, #tpu.memory_space<vmem_shared>> -> memref<10000x128xf32, #tpu.memory_space<vmem_shared>>
        tpu.wait_indirect_dma semaphore(%arg18 : memref<!tpu.dma_semaphore, #tpu.memory_space<semaphore_mem>>) src(%arg9 : memref<80x128xf32, #tpu.memory_space<vmem>>) dst(%dma_wait3A_182 : memref<10000x128xf32, #tpu.memory_space<vmem_shared>>)
      } else {
      }
      %add3A_131 = arith.constant 1 : i32
      %add3A_132 = arith.addi %add3A_125, %add3A_131 : i32
      %lt3A_133 = arith.constant 125 : i32
      %lt3A_134 = arith.cmpi slt, %add3A_132, %lt3A_133 : i32
      %convert_element_type3A_135 = arith.extui %lt3A_134 : i1 to i32
      %cond3A_136 = arith.constant 0 : i32
      %cond3A_137 = arith.cmpi ne, %convert_element_type3A_135, %cond3A_136 : i32
      scf.if %cond3A_137 {
        %add3A_176 = arith.constant 1 : i32
        %add3A_177 = arith.addi %add3A_125, %add3A_176 : i32
        %dma_start3A_178 = arith.constant 0 : i32
        %dma_start3A_179 = arith.constant 0 : i32
        %dma_start3A_180 = tpu.memref_slice %arg4[%arg0, %arg1, %add3A_177, %dma_start3A_178, %dma_start3A_179] : memref<2x16x125x2x80xi32, #tpu.memory_space<hbm>> -> memref<1x1x1x2x80xi32, #tpu.memory_space<hbm>>
        %dma_start3A_181 = tpu.memref_squeeze %dma_start3A_180 : memref<1x1x1x2x80xi32, #tpu.memory_space<hbm>> -> memref<2x80xi32, #tpu.memory_space<hbm>>
        %dma_start3A_182 = arith.constant 0 : i32
        %dma_start3A_183 = arith.constant 0 : i32
        %dma_start3A_184 = tpu.memref_slice %arg4[%arg0, %arg1, %add3A_177, %dma_start3A_182, %dma_start3A_183] : memref<2x16x125x2x80xi32, #tpu.memory_space<hbm>> -> memref<1x1x1x2x80xi32, #tpu.memory_space<hbm>>
        %dma_start3A_185 = tpu.memref_squeeze %dma_start3A_184 : memref<1x1x1x2x80xi32, #tpu.memory_space<hbm>> -> memref<2x80xi32, #tpu.memory_space<hbm>>
        tpu.enqueue_dma source(%dma_start3A_185 : memref<2x80xi32, #tpu.memory_space<hbm>>) target(%arg7 : memref<2x80xi32, #tpu.memory_space<vmem>>) target_semaphore(%arg20 : memref<!tpu.dma_semaphore, #tpu.memory_space<semaphore_mem>>)
      } else {
      }
      %dma_wait3A_138 = arith.constant 0 : i32
      %dma_wait3A_139 = arith.constant 0 : i32
      %dma_wait3A_140 = tpu.memref_slice %arg8[%dma_wait3A_138, %dma_wait3A_139] : memref<2x80xi32, #tpu.memory_space<vmem>> -> memref<1x80xi32, #tpu.memory_space<vmem>>
      %dma_wait3A_141 = tpu.memref_squeeze %dma_wait3A_140 : memref<1x80xi32, #tpu.memory_space<vmem>> -> memref<80xi32, #tpu.memory_space<vmem>>
      %dma_wait3A_142 = arith.constant 0 : i32
      %dma_wait3A_143 = arith.constant 0 : i32
      %dma_wait3A_144 = tpu.memref_slice %arg2[%dma_wait3A_142, %dma_wait3A_143] : memref<20000x128xf32, #tpu.memory_space<hbm>> -> memref<20000x128xf32, #tpu.memory_space<hbm>>
      tpu.wait_indirect_dma semaphore(%arg15 : memref<!tpu.dma_semaphore, #tpu.memory_space<semaphore_mem>>) src(%dma_wait3A_144 : memref<20000x128xf32, #tpu.memory_space<hbm>>) dst(%arg10 : memref<80x128xf32, #tpu.memory_space<vmem>>)
      %mul3A_145 = arith.constant 80 : i32
      %mul3A_146 = arith.muli %add3A_125, %mul3A_145 : i32
      %add3A_147 = arith.addi %add3A, %mul3A_146 : i32
      %dma_wait3A_148 = arith.constant 0 : i32
      %dma_wait3A_149 = tpu.memref_slice %arg3[%add3A_147, %dma_wait3A_148] : memref<320000x64xi32, #tpu.memory_space<hbm>> -> memref<80x64xi32, #tpu.memory_space<hbm>>
      %dma_wait3A_150 = arith.constant 0 : i32
      %dma_wait3A_151 = tpu.memref_slice %arg3[%add3A_147, %dma_wait3A_150] : memref<320000x64xi32, #tpu.memory_space<hbm>> -> memref<80x64xi32, #tpu.memory_space<hbm>>
      tpu.wait_dma2 semaphore(%arg17 : memref<!tpu.dma_semaphore, #tpu.memory_space<semaphore_mem>>) src(%dma_wait3A_151 : memref<80x64xi32, #tpu.memory_space<hbm>>) dst(%arg12 : memref<80x64xi32, #tpu.memory_space<vmem>>)
      %add3A_152 = arith.constant 1 : i32
      %add3A_153 = arith.addi %add3A_125, %add3A_152 : i32
      %lt3A_154 = arith.constant 125 : i32
      %lt3A_155 = arith.cmpi slt, %add3A_153, %lt3A_154 : i32
      %convert_element_type3A_156 = arith.extui %lt3A_155 : i1 to i32
      %cond3A_157 = arith.constant 0 : i32
      %cond3A_158 = arith.cmpi ne, %convert_element_type3A_156, %cond3A_157 : i32
      scf.if %cond3A_158 {
        %dma_wait3A_176 = arith.constant 0 : i32
        %dma_wait3A_177 = arith.constant 0 : i32
        %dma_wait3A_178 = arith.constant 0 : i32
        %dma_wait3A_179 = tpu.memref_slice %arg4[%arg0, %arg1, %dma_wait3A_176, %dma_wait3A_177, %dma_wait3A_178] : memref<2x16x125x2x80xi32, #tpu.memory_space<hbm>> -> memref<1x1x1x2x80xi32, #tpu.memory_space<hbm>>
        %dma_wait3A_180 = tpu.memref_squeeze %dma_wait3A_179 : memref<1x1x1x2x80xi32, #tpu.memory_space<hbm>> -> memref<2x80xi32, #tpu.memory_space<hbm>>
        %dma_wait3A_181 = arith.constant 0 : i32
        %dma_wait3A_182 = arith.constant 0 : i32
        %dma_wait3A_183 = tpu.memref_slice %arg4[%arg0, %arg1, %dma_wait3A_176, %dma_wait3A_181, %dma_wait3A_182] : memref<2x16x125x2x80xi32, #tpu.memory_space<hbm>> -> memref<1x1x1x2x80xi32, #tpu.memory_space<hbm>>
        %dma_wait3A_184 = tpu.memref_squeeze %dma_wait3A_183 : memref<1x1x1x2x80xi32, #tpu.memory_space<hbm>> -> memref<2x80xi32, #tpu.memory_space<hbm>>
        tpu.wait_dma2 semaphore(%arg20 : memref<!tpu.dma_semaphore, #tpu.memory_space<semaphore_mem>>) src(%dma_wait3A_184 : memref<2x80xi32, #tpu.memory_space<hbm>>) dst(%arg7 : memref<2x80xi32, #tpu.memory_space<vmem>>)
        %dma_start3A_185 = arith.constant 0 : i32
        %dma_start3A_186 = arith.constant 0 : i32
        %dma_start3A_187 = tpu.memref_slice %arg7[%dma_start3A_185, %dma_start3A_186] : memref<2x80xi32, #tpu.memory_space<vmem>> -> memref<1x80xi32, #tpu.memory_space<vmem>>
        %dma_start3A_188 = tpu.memref_squeeze %dma_start3A_187 : memref<1x80xi32, #tpu.memory_space<vmem>> -> memref<80xi32, #tpu.memory_space<vmem>>
        %dma_start3A_189 = arith.constant 0 : i32
        %dma_start3A_190 = arith.constant 0 : i32
        %dma_start3A_191 = tpu.memref_slice %arg2[%dma_start3A_189, %dma_start3A_190] : memref<20000x128xf32, #tpu.memory_space<hbm>> -> memref<20000x128xf32, #tpu.memory_space<hbm>>
        tpu.enqueue_indirect_dma source(%dma_start3A_191 : memref<20000x128xf32, #tpu.memory_space<hbm>>) target(%arg9 : memref<80x128xf32, #tpu.memory_space<vmem>>) offsets(%dma_start3A_188 : memref<80xi32, #tpu.memory_space<vmem>>) semaphore(%arg14 : memref<!tpu.dma_semaphore, #tpu.memory_space<semaphore_mem>>)
        %add3A_192 = arith.constant 1 : i32
        %add3A_193 = arith.addi %add3A_125, %add3A_192 : i32
        %mul3A_194 = arith.constant 80 : i32
        %mul3A_195 = arith.muli %add3A_193, %mul3A_194 : i32
        %add3A_196 = arith.addi %add3A, %mul3A_195 : i32
        %dma_start3A_197 = arith.constant 0 : i32
        %dma_start3A_198 = tpu.memref_slice %arg3[%add3A_196, %dma_start3A_197] : memref<320000x64xi32, #tpu.memory_space<hbm>> -> memref<80x64xi32, #tpu.memory_space<hbm>>
        %dma_start3A_199 = arith.constant 0 : i32
        %dma_start3A_200 = tpu.memref_slice %arg3[%add3A_196, %dma_start3A_199] : memref<320000x64xi32, #tpu.memory_space<hbm>> -> memref<80x64xi32, #tpu.memory_space<hbm>>
        tpu.enqueue_dma source(%dma_start3A_200 : memref<80x64xi32, #tpu.memory_space<hbm>>) target(%arg11 : memref<80x64xi32, #tpu.memory_space<vmem>>) target_semaphore(%arg16 : memref<!tpu.dma_semaphore, #tpu.memory_space<semaphore_mem>>)
      } else {
      }
      %broadcast_in_dim3A_159 = arith.constant -65536 : i32
      %broadcast_in_dim3A_160 = vector.broadcast %broadcast_in_dim3A_159 : i32 to vector<16xi32>
      %scan3A_161 = arith.constant 0 : i32
      %scan3A_162 = arith.constant 0 : i32
      %scan3A_163 = arith.constant 80 : i32
      %scan3A_164 = arith.addi %scan3A_162, %scan3A_163 : i32
      %scan3A_165 = arith.constant 1 : i32
      %scan3A_166 = scf.for %scan3A_176 = %scan3A_162 to %scan3A_164 step %scan3A_165 iter_args(%scan3A_177 = %scan3A_161) -> (i32)  : i32 {
        %get3A = arith.index_cast %scan3A_176 : i32 to index
        %get3A_178 = arith.constant 0 : index
        %get3A_179 = tpu.vector_load %arg12[%get3A, %get3A_178] {strides = array<i32>} : memref<80x64xi32, #tpu.memory_space<vmem>>, vector<16xi32>,
        %shift_left3A = arith.constant 16 : i32
        %shift_left3A_180 = vector.broadcast %shift_left3A : i32 to vector<16xi32>
        %shift_left3A_181 = arith.shli %get3A_179, %shift_left3A_180 : vector<16xi32>
        %bitcast3A = vector.bitcast %shift_left3A_181 : vector<16xi32> to vector<16xf32>
        %and3A = arith.andi %get3A_179, %broadcast_in_dim3A_160 : vector<16xi32>
        %bitcast3A_182 = vector.bitcast %and3A : vector<16xi32> to vector<16xf32>
        %get3A_183 = arith.index_cast %scan3A_176 : i32 to index
        %get3A_184 = arith.constant 0 : index
        %get3A_185 = tpu.vector_load %arg10[%get3A_183, %get3A_184] {strides = array<i32>} : memref<80x128xf32, #tpu.memory_space<vmem>>, vector<16xf32>,
        %add3A_186 = arith.addf %get3A_185, %bitcast3A : vector<16xf32>
        %max3A = arith.constant 0.000000e+00 : f32
        %max3A_187 = vector.broadcast %max3A : f32 to vector<16xf32>
        %max3A_188 = arith.maximumf %add3A_186, %max3A_187 : vector<16xf32>
        %swap3A = arith.index_cast %scan3A_176 : i32 to index
        %swap3A_189 = arith.constant 0 : index
        %swap3A_190 = tpu.vector_load %arg10[%swap3A, %swap3A_189] {strides = array<i32>} : memref<80x128xf32, #tpu.memory_space<vmem>>, vector<16xf32>,
        tpu.vector_store %arg10[%swap3A, %swap3A_189], %max3A_188 {strides = array<i32>} : memref<80x128xf32, #tpu.memory_space<vmem>>, vector<16xf32>,
        %get3A_191 = arith.index_cast %scan3A_176 : i32 to index
        %get3A_192 = arith.constant 16 : index
        %get3A_193 = tpu.vector_load %arg10[%get3A_191, %get3A_192] {strides = array<i32>} : memref<80x128xf32, #tpu.memory_space<vmem>>, vector<16xf32>,
        %add3A_194 = arith.addf %get3A_193, %bitcast3A_182 : vector<16xf32>
        %max3A_195 = arith.constant 0.000000e+00 : f32
        %max3A_196 = vector.broadcast %max3A_195 : f32 to vector<16xf32>
        %max3A_197 = arith.maximumf %add3A_194, %max3A_196 : vector<16xf32>
        %swap3A_198 = arith.index_cast %scan3A_176 : i32 to index
        %swap3A_199 = arith.constant 16 : index
        %swap3A_200 = tpu.vector_load %arg10[%swap3A_198, %swap3A_199] {strides = array<i32>} : memref<80x128xf32, #tpu.memory_space<vmem>>, vector<16xf32>,
        tpu.vector_store %arg10[%swap3A_198, %swap3A_199], %max3A_197 {strides = array<i32>} : memref<80x128xf32, #tpu.memory_space<vmem>>, vector<16xf32>,
        %get3A_201 = arith.index_cast %scan3A_176 : i32 to index
        %get3A_202 = arith.constant 16 : index
        %get3A_203 = tpu.vector_load %arg12[%get3A_201, %get3A_202] {strides = array<i32>} : memref<80x64xi32, #tpu.memory_space<vmem>>, vector<16xi32>,
        %shift_left3A_204 = arith.constant 16 : i32
        %shift_left3A_205 = vector.broadcast %shift_left3A_204 : i32 to vector<16xi32>
        %shift_left3A_206 = arith.shli %get3A_203, %shift_left3A_205 : vector<16xi32>
        %bitcast3A_207 = vector.bitcast %shift_left3A_206 : vector<16xi32> to vector<16xf32>
        %and3A_208 = arith.andi %get3A_203, %broadcast_in_dim3A_160 : vector<16xi32>
        %bitcast3A_209 = vector.bitcast %and3A_208 : vector<16xi32> to vector<16xf32>
        %get3A_210 = arith.index_cast %scan3A_176 : i32 to index
        %get3A_211 = arith.constant 32 : index
        %get3A_212 = tpu.vector_load %arg10[%get3A_210, %get3A_211] {strides = array<i32>} : memref<80x128xf32, #tpu.memory_space<vmem>>, vector<16xf32>,
        %add3A_213 = arith.addf %get3A_212, %bitcast3A_207 : vector<16xf32>
        %max3A_214 = arith.constant 0.000000e+00 : f32
        %max3A_215 = vector.broadcast %max3A_214 : f32 to vector<16xf32>
        %max3A_216 = arith.maximumf %add3A_213, %max3A_215 : vector<16xf32>
        %swap3A_217 = arith.index_cast %scan3A_176 : i32 to index
        %swap3A_218 = arith.constant 32 : index
        %swap3A_219 = tpu.vector_load %arg10[%swap3A_217, %swap3A_218] {strides = array<i32>} : memref<80x128xf32, #tpu.memory_space<vmem>>, vector<16xf32>,
        tpu.vector_store %arg10[%swap3A_217, %swap3A_218], %max3A_216 {strides = array<i32>} : memref<80x128xf32, #tpu.memory_space<vmem>>, vector<16xf32>,
        %get3A_220 = arith.index_cast %scan3A_176 : i32 to index
        %get3A_221 = arith.constant 48 : index
        %get3A_222 = tpu.vector_load %arg10[%get3A_220, %get3A_221] {strides = array<i32>} : memref<80x128xf32, #tpu.memory_space<vmem>>, vector<16xf32>,
        %add3A_223 = arith.addf %get3A_222, %bitcast3A_209 : vector<16xf32>
        %max3A_224 = arith.constant 0.000000e+00 : f32
        %max3A_225 = vector.broadcast %max3A_224 : f32 to vector<16xf32>
        %max3A_226 = arith.maximumf %add3A_223, %max3A_225 : vector<16xf32>
        %swap3A_227 = arith.index_cast %scan3A_176 : i32 to index
        %swap3A_228 = arith.constant 48 : index
        %swap3A_229 = tpu.vector_load %arg10[%swap3A_227, %swap3A_228] {strides = array<i32>} : memref<80x128xf32, #tpu.memory_space<vmem>>, vector<16xf32>,
        tpu.vector_store %arg10[%swap3A_227, %swap3A_228], %max3A_226 {strides = array<i32>} : memref<80x128xf32, #tpu.memory_space<vmem>>, vector<16xf32>,
        %get3A_230 = arith.index_cast %scan3A_176 : i32 to index
        %get3A_231 = arith.constant 32 : index
        %get3A_232 = tpu.vector_load %arg12[%get3A_230, %get3A_231] {strides = array<i32>} : memref<80x64xi32, #tpu.memory_space<vmem>>, vector<16xi32>,
        %shift_left3A_233 = arith.constant 16 : i32
        %shift_left3A_234 = vector.broadcast %shift_left3A_233 : i32 to vector<16xi32>
        %shift_left3A_235 = arith.shli %get3A_232, %shift_left3A_234 : vector<16xi32>
        %bitcast3A_236 = vector.bitcast %shift_left3A_235 : vector<16xi32> to vector<16xf32>
        %and3A_237 = arith.andi %get3A_232, %broadcast_in_dim3A_160 : vector<16xi32>
        %bitcast3A_238 = vector.bitcast %and3A_237 : vector<16xi32> to vector<16xf32>
        %get3A_239 = arith.index_cast %scan3A_176 : i32 to index
        %get3A_240 = arith.constant 64 : index
        %get3A_241 = tpu.vector_load %arg10[%get3A_239, %get3A_240] {strides = array<i32>} : memref<80x128xf32, #tpu.memory_space<vmem>>, vector<16xf32>,
        %add3A_242 = arith.addf %get3A_241, %bitcast3A_236 : vector<16xf32>
        %max3A_243 = arith.constant 0.000000e+00 : f32
        %max3A_244 = vector.broadcast %max3A_243 : f32 to vector<16xf32>
        %max3A_245 = arith.maximumf %add3A_242, %max3A_244 : vector<16xf32>
        %swap3A_246 = arith.index_cast %scan3A_176 : i32 to index
        %swap3A_247 = arith.constant 64 : index
        %swap3A_248 = tpu.vector_load %arg10[%swap3A_246, %swap3A_247] {strides = array<i32>} : memref<80x128xf32, #tpu.memory_space<vmem>>, vector<16xf32>,
        tpu.vector_store %arg10[%swap3A_246, %swap3A_247], %max3A_245 {strides = array<i32>} : memref<80x128xf32, #tpu.memory_space<vmem>>, vector<16xf32>,
        %get3A_249 = arith.index_cast %scan3A_176 : i32 to index
        %get3A_250 = arith.constant 80 : index
        %get3A_251 = tpu.vector_load %arg10[%get3A_249, %get3A_250] {strides = array<i32>} : memref<80x128xf32, #tpu.memory_space<vmem>>, vector<16xf32>,
        %add3A_252 = arith.addf %get3A_251, %bitcast3A_238 : vector<16xf32>
        %max3A_253 = arith.constant 0.000000e+00 : f32
        %max3A_254 = vector.broadcast %max3A_253 : f32 to vector<16xf32>
        %max3A_255 = arith.maximumf %add3A_252, %max3A_254 : vector<16xf32>
        %swap3A_256 = arith.index_cast %scan3A_176 : i32 to index
        %swap3A_257 = arith.constant 80 : index
        %swap3A_258 = tpu.vector_load %arg10[%swap3A_256, %swap3A_257] {strides = array<i32>} : memref<80x128xf32, #tpu.memory_space<vmem>>, vector<16xf32>,
        tpu.vector_store %arg10[%swap3A_256, %swap3A_257], %max3A_255 {strides = array<i32>} : memref<80x128xf32, #tpu.memory_space<vmem>>, vector<16xf32>,
        %get3A_259 = arith.index_cast %scan3A_176 : i32 to index
        %get3A_260 = arith.constant 48 : index
        %get3A_261 = tpu.vector_load %arg12[%get3A_259, %get3A_260] {strides = array<i32>} : memref<80x64xi32, #tpu.memory_space<vmem>>, vector<16xi32>,
        %shift_left3A_262 = arith.constant 16 : i32
        %shift_left3A_263 = vector.broadcast %shift_left3A_262 : i32 to vector<16xi32>
        %shift_left3A_264 = arith.shli %get3A_261, %shift_left3A_263 : vector<16xi32>
        %bitcast3A_265 = vector.bitcast %shift_left3A_264 : vector<16xi32> to vector<16xf32>
        %and3A_266 = arith.andi %get3A_261, %broadcast_in_dim3A_160 : vector<16xi32>
        %bitcast3A_267 = vector.bitcast %and3A_266 : vector<16xi32> to vector<16xf32>
        %get3A_268 = arith.index_cast %scan3A_176 : i32 to index
        %get3A_269 = arith.constant 96 : index
        %get3A_270 = tpu.vector_load %arg10[%get3A_268, %get3A_269] {strides = array<i32>} : memref<80x128xf32, #tpu.memory_space<vmem>>, vector<16xf32>,
        %add3A_271 = arith.addf %get3A_270, %bitcast3A_265 : vector<16xf32>
        %max3A_272 = arith.constant 0.000000e+00 : f32
        %max3A_273 = vector.broadcast %max3A_272 : f32 to vector<16xf32>
        %max3A_274 = arith.maximumf %add3A_271, %max3A_273 : vector<16xf32>
        %swap3A_275 = arith.index_cast %scan3A_176 : i32 to index
        %swap3A_276 = arith.constant 96 : index
        %swap3A_277 = tpu.vector_load %arg10[%swap3A_275, %swap3A_276] {strides = array<i32>} : memref<80x128xf32, #tpu.memory_space<vmem>>, vector<16xf32>,
        tpu.vector_store %arg10[%swap3A_275, %swap3A_276], %max3A_274 {strides = array<i32>} : memref<80x128xf32, #tpu.memory_space<vmem>>, vector<16xf32>,
        %get3A_278 = arith.index_cast %scan3A_176 : i32 to index
        %get3A_279 = arith.constant 112 : index
        %get3A_280 = tpu.vector_load %arg10[%get3A_278, %get3A_279] {strides = array<i32>} : memref<80x128xf32, #tpu.memory_space<vmem>>, vector<16xf32>,
        %add3A_281 = arith.addf %get3A_280, %bitcast3A_267 : vector<16xf32>
        %max3A_282 = arith.constant 0.000000e+00 : f32
        %max3A_283 = vector.broadcast %max3A_282 : f32 to vector<16xf32>
        %max3A_284 = arith.maximumf %add3A_281, %max3A_283 : vector<16xf32>
        %swap3A_285 = arith.index_cast %scan3A_176 : i32 to index
        %swap3A_286 = arith.constant 112 : index
        %swap3A_287 = tpu.vector_load %arg10[%swap3A_285, %swap3A_286] {strides = array<i32>} : memref<80x128xf32, #tpu.memory_space<vmem>>, vector<16xf32>,
        tpu.vector_store %arg10[%swap3A_285, %swap3A_286], %max3A_284 {strides = array<i32>} : memref<80x128xf32, #tpu.memory_space<vmem>>, vector<16xf32>,
        %scan3A_288 = arith.constant 0 : i32
        scf.yield %scan3A_288 : i32
      }
      %scan3A_167 = arith.constant 80 : i32
      %dma_start3A_168 = arith.constant 1 : i32
      %dma_start3A_169 = arith.constant 0 : i32
      %dma_start3A_170 = tpu.memref_slice %arg8[%dma_start3A_168, %dma_start3A_169] : memref<2x80xi32, #tpu.memory_space<vmem>> -> memref<1x80xi32, #tpu.memory_space<vmem>>
      %dma_start3A_171 = tpu.memref_squeeze %dma_start3A_170 : memref<1x80xi32, #tpu.memory_space<vmem>> -> memref<80xi32, #tpu.memory_space<vmem>>
      %dma_start3A_172 = arith.constant 0 : i32
      %dma_start3A_173 = arith.constant 0 : i32
      %dma_start3A_174 = tpu.memref_slice %arg13[%dma_start3A_172, %dma_start3A_173] : memref<10000x128xf32, #tpu.memory_space<vmem_shared>> -> memref<10000x128xf32, #tpu.memory_space<vmem_shared>>
      tpu.enqueue_indirect_dma source(%arg10 : memref<80x128xf32, #tpu.memory_space<vmem>>) target(%dma_start3A_174 : memref<10000x128xf32, #tpu.memory_space<vmem_shared>>) offsets(%dma_start3A_171 : memref<80xi32, #tpu.memory_space<vmem>>) semaphore(%arg19 : memref<!tpu.dma_semaphore, #tpu.memory_space<semaphore_mem>>) {add = true}
      %scan3A_175 = arith.constant 0 : i32
      scf.yield %scan3A_175 : i32
    }
    %scan3A_22 = arith.constant 62 : i32
    %dma_wait3A = arith.constant 1 : i32
    %dma_wait3A_23 = arith.constant 0 : i32
    %dma_wait3A_24 = tpu.memref_slice %arg8[%dma_wait3A, %dma_wait3A_23] : memref<2x80xi32, #tpu.memory_space<vmem>> -> memref<1x80xi32, #tpu.memory_space<vmem>>
    %dma_wait3A_25 = tpu.memref_squeeze %dma_wait3A_24 : memref<1x80xi32, #tpu.memory_space<vmem>> -> memref<80xi32, #tpu.memory_space<vmem>>
    %dma_wait3A_26 = arith.constant 0 : i32
    %dma_wait3A_27 = arith.constant 0 : i32
    %dma_wait3A_28 = tpu.memref_slice %arg13[%dma_wait3A_26, %dma_wait3A_27] : memref<10000x128xf32, #tpu.memory_space<vmem_shared>> -> memref<10000x128xf32, #tpu.memory_space<vmem_shared>>
    tpu.wait_indirect_dma semaphore(%arg19 : memref<!tpu.dma_semaphore, #tpu.memory_space<semaphore_mem>>) src(%arg10 : memref<80x128xf32, #tpu.memory_space<vmem>>) dst(%dma_wait3A_28 : memref<10000x128xf32, #tpu.memory_space<vmem_shared>>)
    %dma_wait3A_29 = arith.constant 0 : i32
    %dma_wait3A_30 = arith.constant 0 : i32
    %dma_wait3A_31 = tpu.memref_slice %arg7[%dma_wait3A_29, %dma_wait3A_30] : memref<2x80xi32, #tpu.memory_space<vmem>> -> memref<1x80xi32, #tpu.memory_space<vmem>>
    %dma_wait3A_32 = tpu.memref_squeeze %dma_wait3A_31 : memref<1x80xi32, #tpu.memory_space<vmem>> -> memref<80xi32, #tpu.memory_space<vmem>>
    %dma_wait3A_33 = arith.constant 0 : i32
    %dma_wait3A_34 = arith.constant 0 : i32
    %dma_wait3A_35 = tpu.memref_slice %arg2[%dma_wait3A_33, %dma_wait3A_34] : memref<20000x128xf32, #tpu.memory_space<hbm>> -> memref<20000x128xf32, #tpu.memory_space<hbm>>
    tpu.wait_indirect_dma semaphore(%arg14 : memref<!tpu.dma_semaphore, #tpu.memory_space<semaphore_mem>>) src(%dma_wait3A_35 : memref<20000x128xf32, #tpu.memory_space<hbm>>) dst(%arg9 : memref<80x128xf32, #tpu.memory_space<vmem>>)
    %add3A_36 = arith.constant 9920 : i32
    %add3A_37 = arith.addi %add3A, %add3A_36 : i32
    %dma_wait3A_38 = arith.constant 0 : i32
    %dma_wait3A_39 = tpu.memref_slice %arg3[%add3A_37, %dma_wait3A_38] : memref<320000x64xi32, #tpu.memory_space<hbm>> -> memref<80x64xi32, #tpu.memory_space<hbm>>
    %dma_wait3A_40 = arith.constant 0 : i32
    %dma_wait3A_41 = tpu.memref_slice %arg3[%add3A_37, %dma_wait3A_40] : memref<320000x64xi32, #tpu.memory_space<hbm>> -> memref<80x64xi32, #tpu.memory_space<hbm>>
    tpu.wait_dma2 semaphore(%arg16 : memref<!tpu.dma_semaphore, #tpu.memory_space<semaphore_mem>>) src(%dma_wait3A_41 : memref<80x64xi32, #tpu.memory_space<hbm>>) dst(%arg11 : memref<80x64xi32, #tpu.memory_space<vmem>>)
    %broadcast_in_dim3A = arith.constant -65536 : i32
    %broadcast_in_dim3A_42 = vector.broadcast %broadcast_in_dim3A : i32 to vector<16xi32>
    %scan3A_43 = arith.constant 0 : i32
    %scan3A_44 = arith.constant 0 : i32
    %scan3A_45 = arith.constant 80 : i32
    %scan3A_46 = arith.addi %scan3A_44, %scan3A_45 : i32
    %scan3A_47 = arith.constant 1 : i32
    %scan3A_48 = scf.for %scan3A_70 = %scan3A_44 to %scan3A_46 step %scan3A_47 iter_args(%scan3A_71 = %scan3A_43) -> (i32)  : i32 {
      %get3A = arith.index_cast %scan3A_70 : i32 to index
      %get3A_72 = arith.constant 0 : index
      %get3A_73 = tpu.vector_load %arg11[%get3A, %get3A_72] {strides = array<i32>} : memref<80x64xi32, #tpu.memory_space<vmem>>, vector<16xi32>,
      %shift_left3A = arith.constant 16 : i32
      %shift_left3A_74 = vector.broadcast %shift_left3A : i32 to vector<16xi32>
      %shift_left3A_75 = arith.shli %get3A_73, %shift_left3A_74 : vector<16xi32>
      %bitcast3A = vector.bitcast %shift_left3A_75 : vector<16xi32> to vector<16xf32>
      %and3A = arith.andi %get3A_73, %broadcast_in_dim3A_42 : vector<16xi32>
      %bitcast3A_76 = vector.bitcast %and3A : vector<16xi32> to vector<16xf32>
      %get3A_77 = arith.index_cast %scan3A_70 : i32 to index
      %get3A_78 = arith.constant 0 : index
      %get3A_79 = tpu.vector_load %arg9[%get3A_77, %get3A_78] {strides = array<i32>} : memref<80x128xf32, #tpu.memory_space<vmem>>, vector<16xf32>,
      %add3A_80 = arith.addf %get3A_79, %bitcast3A : vector<16xf32>
      %max3A = arith.constant 0.000000e+00 : f32
      %max3A_81 = vector.broadcast %max3A : f32 to vector<16xf32>
      %max3A_82 = arith.maximumf %add3A_80, %max3A_81 : vector<16xf32>
      %swap3A = arith.index_cast %scan3A_70 : i32 to index
      %swap3A_83 = arith.constant 0 : index
      %swap3A_84 = tpu.vector_load %arg9[%swap3A, %swap3A_83] {strides = array<i32>} : memref<80x128xf32, #tpu.memory_space<vmem>>, vector<16xf32>,
      tpu.vector_store %arg9[%swap3A, %swap3A_83], %max3A_82 {strides = array<i32>} : memref<80x128xf32, #tpu.memory_space<vmem>>, vector<16xf32>,
      %get3A_85 = arith.index_cast %scan3A_70 : i32 to index
      %get3A_86 = arith.constant 16 : index
      %get3A_87 = tpu.vector_load %arg9[%get3A_85, %get3A_86] {strides = array<i32>} : memref<80x128xf32, #tpu.memory_space<vmem>>, vector<16xf32>,
      %add3A_88 = arith.addf %get3A_87, %bitcast3A_76 : vector<16xf32>
      %max3A_89 = arith.constant 0.000000e+00 : f32
      %max3A_90 = vector.broadcast %max3A_89 : f32 to vector<16xf32>
      %max3A_91 = arith.maximumf %add3A_88, %max3A_90 : vector<16xf32>
      %swap3A_92 = arith.index_cast %scan3A_70 : i32 to index
      %swap3A_93 = arith.constant 16 : index
      %swap3A_94 = tpu.vector_load %arg9[%swap3A_92, %swap3A_93] {strides = array<i32>} : memref<80x128xf32, #tpu.memory_space<vmem>>, vector<16xf32>,
      tpu.vector_store %arg9[%swap3A_92, %swap3A_93], %max3A_91 {strides = array<i32>} : memref<80x128xf32, #tpu.memory_space<vmem>>, vector<16xf32>,
      %get3A_95 = arith.index_cast %scan3A_70 : i32 to index
      %get3A_96 = arith.constant 16 : index
      %get3A_97 = tpu.vector_load %arg11[%get3A_95, %get3A_96] {strides = array<i32>} : memref<80x64xi32, #tpu.memory_space<vmem>>, vector<16xi32>,
      %shift_left3A_98 = arith.constant 16 : i32
      %shift_left3A_99 = vector.broadcast %shift_left3A_98 : i32 to vector<16xi32>
      %shift_left3A_100 = arith.shli %get3A_97, %shift_left3A_99 : vector<16xi32>
      %bitcast3A_101 = vector.bitcast %shift_left3A_100 : vector<16xi32> to vector<16xf32>
      %and3A_102 = arith.andi %get3A_97, %broadcast_in_dim3A_42 : vector<16xi32>
      %bitcast3A_103 = vector.bitcast %and3A_102 : vector<16xi32> to vector<16xf32>
      %get3A_104 = arith.index_cast %scan3A_70 : i32 to index
      %get3A_105 = arith.constant 32 : index
      %get3A_106 = tpu.vector_load %arg9[%get3A_104, %get3A_105] {strides = array<i32>} : memref<80x128xf32, #tpu.memory_space<vmem>>, vector<16xf32>,
      %add3A_107 = arith.addf %get3A_106, %bitcast3A_101 : vector<16xf32>
      %max3A_108 = arith.constant 0.000000e+00 : f32
      %max3A_109 = vector.broadcast %max3A_108 : f32 to vector<16xf32>
      %max3A_110 = arith.maximumf %add3A_107, %max3A_109 : vector<16xf32>
      %swap3A_111 = arith.index_cast %scan3A_70 : i32 to index
      %swap3A_112 = arith.constant 32 : index
      %swap3A_113 = tpu.vector_load %arg9[%swap3A_111, %swap3A_112] {strides = array<i32>} : memref<80x128xf32, #tpu.memory_space<vmem>>, vector<16xf32>,
      tpu.vector_store %arg9[%swap3A_111, %swap3A_112], %max3A_110 {strides = array<i32>} : memref<80x128xf32, #tpu.memory_space<vmem>>, vector<16xf32>,
      %get3A_114 = arith.index_cast %scan3A_70 : i32 to index
      %get3A_115 = arith.constant 48 : index
      %get3A_116 = tpu.vector_load %arg9[%get3A_114, %get3A_115] {strides = array<i32>} : memref<80x128xf32, #tpu.memory_space<vmem>>, vector<16xf32>,
      %add3A_117 = arith.addf %get3A_116, %bitcast3A_103 : vector<16xf32>
      %max3A_118 = arith.constant 0.000000e+00 : f32
      %max3A_119 = vector.broadcast %max3A_118 : f32 to vector<16xf32>
      %max3A_120 = arith.maximumf %add3A_117, %max3A_119 : vector<16xf32>
      %swap3A_121 = arith.index_cast %scan3A_70 : i32 to index
      %swap3A_122 = arith.constant 48 : index
      %swap3A_123 = tpu.vector_load %arg9[%swap3A_121, %swap3A_122] {strides = array<i32>} : memref<80x128xf32, #tpu.memory_space<vmem>>, vector<16xf32>,
      tpu.vector_store %arg9[%swap3A_121, %swap3A_122], %max3A_120 {strides = array<i32>} : memref<80x128xf32, #tpu.memory_space<vmem>>, vector<16xf32>,
      %get3A_124 = arith.index_cast %scan3A_70 : i32 to index
      %get3A_125 = arith.constant 32 : index
      %get3A_126 = tpu.vector_load %arg11[%get3A_124, %get3A_125] {strides = array<i32>} : memref<80x64xi32, #tpu.memory_space<vmem>>, vector<16xi32>,
      %shift_left3A_127 = arith.constant 16 : i32
      %shift_left3A_128 = vector.broadcast %shift_left3A_127 : i32 to vector<16xi32>
      %shift_left3A_129 = arith.shli %get3A_126, %shift_left3A_128 : vector<16xi32>
      %bitcast3A_130 = vector.bitcast %shift_left3A_129 : vector<16xi32> to vector<16xf32>
      %and3A_131 = arith.andi %get3A_126, %broadcast_in_dim3A_42 : vector<16xi32>
      %bitcast3A_132 = vector.bitcast %and3A_131 : vector<16xi32> to vector<16xf32>
      %get3A_133 = arith.index_cast %scan3A_70 : i32 to index
      %get3A_134 = arith.constant 64 : index
      %get3A_135 = tpu.vector_load %arg9[%get3A_133, %get3A_134] {strides = array<i32>} : memref<80x128xf32, #tpu.memory_space<vmem>>, vector<16xf32>,
      %add3A_136 = arith.addf %get3A_135, %bitcast3A_130 : vector<16xf32>
      %max3A_137 = arith.constant 0.000000e+00 : f32
      %max3A_138 = vector.broadcast %max3A_137 : f32 to vector<16xf32>
      %max3A_139 = arith.maximumf %add3A_136, %max3A_138 : vector<16xf32>
      %swap3A_140 = arith.index_cast %scan3A_70 : i32 to index
      %swap3A_141 = arith.constant 64 : index
      %swap3A_142 = tpu.vector_load %arg9[%swap3A_140, %swap3A_141] {strides = array<i32>} : memref<80x128xf32, #tpu.memory_space<vmem>>, vector<16xf32>,
      tpu.vector_store %arg9[%swap3A_140, %swap3A_141], %max3A_139 {strides = array<i32>} : memref<80x128xf32, #tpu.memory_space<vmem>>, vector<16xf32>,
      %get3A_143 = arith.index_cast %scan3A_70 : i32 to index
      %get3A_144 = arith.constant 80 : index
      %get3A_145 = tpu.vector_load %arg9[%get3A_143, %get3A_144] {strides = array<i32>} : memref<80x128xf32, #tpu.memory_space<vmem>>, vector<16xf32>,
      %add3A_146 = arith.addf %get3A_145, %bitcast3A_132 : vector<16xf32>
      %max3A_147 = arith.constant 0.000000e+00 : f32
      %max3A_148 = vector.broadcast %max3A_147 : f32 to vector<16xf32>
      %max3A_149 = arith.maximumf %add3A_146, %max3A_148 : vector<16xf32>
      %swap3A_150 = arith.index_cast %scan3A_70 : i32 to index
      %swap3A_151 = arith.constant 80 : index
      %swap3A_152 = tpu.vector_load %arg9[%swap3A_150, %swap3A_151] {strides = array<i32>} : memref<80x128xf32, #tpu.memory_space<vmem>>, vector<16xf32>,
      tpu.vector_store %arg9[%swap3A_150, %swap3A_151], %max3A_149 {strides = array<i32>} : memref<80x128xf32, #tpu.memory_space<vmem>>, vector<16xf32>,
      %get3A_153 = arith.index_cast %scan3A_70 : i32 to index
      %get3A_154 = arith.constant 48 : index
      %get3A_155 = tpu.vector_load %arg11[%get3A_153, %get3A_154] {strides = array<i32>} : memref<80x64xi32, #tpu.memory_space<vmem>>, vector<16xi32>,
      %shift_left3A_156 = arith.constant 16 : i32
      %shift_left3A_157 = vector.broadcast %shift_left3A_156 : i32 to vector<16xi32>
      %shift_left3A_158 = arith.shli %get3A_155, %shift_left3A_157 : vector<16xi32>
      %bitcast3A_159 = vector.bitcast %shift_left3A_158 : vector<16xi32> to vector<16xf32>
      %and3A_160 = arith.andi %get3A_155, %broadcast_in_dim3A_42 : vector<16xi32>
      %bitcast3A_161 = vector.bitcast %and3A_160 : vector<16xi32> to vector<16xf32>
      %get3A_162 = arith.index_cast %scan3A_70 : i32 to index
      %get3A_163 = arith.constant 96 : index
      %get3A_164 = tpu.vector_load %arg9[%get3A_162, %get3A_163] {strides = array<i32>} : memref<80x128xf32, #tpu.memory_space<vmem>>, vector<16xf32>,
      %add3A_165 = arith.addf %get3A_164, %bitcast3A_159 : vector<16xf32>
      %max3A_166 = arith.constant 0.000000e+00 : f32
      %max3A_167 = vector.broadcast %max3A_166 : f32 to vector<16xf32>
      %max3A_168 = arith.maximumf %add3A_165, %max3A_167 : vector<16xf32>
      %swap3A_169 = arith.index_cast %scan3A_70 : i32 to index
      %swap3A_170 = arith.constant 96 : index
      %swap3A_171 = tpu.vector_load %arg9[%swap3A_169, %swap3A_170] {strides = array<i32>} : memref<80x128xf32, #tpu.memory_space<vmem>>, vector<16xf32>,
      tpu.vector_store %arg9[%swap3A_169, %swap3A_170], %max3A_168 {strides = array<i32>} : memref<80x128xf32, #tpu.memory_space<vmem>>, vector<16xf32>,
      %get3A_172 = arith.index_cast %scan3A_70 : i32 to index
      %get3A_173 = arith.constant 112 : index
      %get3A_174 = tpu.vector_load %arg9[%get3A_172, %get3A_173] {strides = array<i32>} : memref<80x128xf32, #tpu.memory_space<vmem>>, vector<16xf32>,
      %add3A_175 = arith.addf %get3A_174, %bitcast3A_161 : vector<16xf32>
      %max3A_176 = arith.constant 0.000000e+00 : f32
      %max3A_177 = vector.broadcast %max3A_176 : f32 to vector<16xf32>
      %max3A_178 = arith.maximumf %add3A_175, %max3A_177 : vector<16xf32>
      %swap3A_179 = arith.index_cast %scan3A_70 : i32 to index
      %swap3A_180 = arith.constant 112 : index
      %swap3A_181 = tpu.vector_load %arg9[%swap3A_179, %swap3A_180] {strides = array<i32>} : memref<80x128xf32, #tpu.memory_space<vmem>>, vector<16xf32>,
      tpu.vector_store %arg9[%swap3A_179, %swap3A_180], %max3A_178 {strides = array<i32>} : memref<80x128xf32, #tpu.memory_space<vmem>>, vector<16xf32>,
      %scan3A_182 = arith.constant 0 : i32
      scf.yield %scan3A_182 : i32
    }
    %scan3A_49 = arith.constant 80 : i32
    %dma_start3A_50 = arith.constant 1 : i32
    %dma_start3A_51 = arith.constant 0 : i32
    %dma_start3A_52 = tpu.memref_slice %arg7[%dma_start3A_50, %dma_start3A_51] : memref<2x80xi32, #tpu.memory_space<vmem>> -> memref<1x80xi32, #tpu.memory_space<vmem>>
    %dma_start3A_53 = tpu.memref_squeeze %dma_start3A_52 : memref<1x80xi32, #tpu.memory_space<vmem>> -> memref<80xi32, #tpu.memory_space<vmem>>
    %dma_start3A_54 = arith.constant 0 : i32
    %dma_start3A_55 = arith.constant 0 : i32
    %dma_start3A_56 = tpu.memref_slice %arg13[%dma_start3A_54, %dma_start3A_55] : memref<10000x128xf32, #tpu.memory_space<vmem_shared>> -> memref<10000x128xf32, #tpu.memory_space<vmem_shared>>
    tpu.enqueue_indirect_dma source(%arg9 : memref<80x128xf32, #tpu.memory_space<vmem>>) target(%dma_start3A_56 : memref<10000x128xf32, #tpu.memory_space<vmem_shared>>) offsets(%dma_start3A_53 : memref<80xi32, #tpu.memory_space<vmem>>) semaphore(%arg18 : memref<!tpu.dma_semaphore, #tpu.memory_space<semaphore_mem>>) {add = true}
    %dma_wait3A_57 = arith.constant 1 : i32
    %dma_wait3A_58 = arith.constant 0 : i32
    %dma_wait3A_59 = tpu.memref_slice %arg7[%dma_wait3A_57, %dma_wait3A_58] : memref<2x80xi32, #tpu.memory_space<vmem>> -> memref<1x80xi32, #tpu.memory_space<vmem>>
    %dma_wait3A_60 = tpu.memref_squeeze %dma_wait3A_59 : memref<1x80xi32, #tpu.memory_space<vmem>> -> memref<80xi32, #tpu.memory_space<vmem>>
    %dma_wait3A_61 = arith.constant 0 : i32
    %dma_wait3A_62 = arith.constant 0 : i32
    %dma_wait3A_63 = tpu.memref_slice %arg13[%dma_wait3A_61, %dma_wait3A_62] : memref<10000x128xf32, #tpu.memory_space<vmem_shared>> -> memref<10000x128xf32, #tpu.memory_space<vmem_shared>>
    tpu.wait_indirect_dma semaphore(%arg18 : memref<!tpu.dma_semaphore, #tpu.memory_space<semaphore_mem>>) src(%arg9 : memref<80x128xf32, #tpu.memory_space<vmem>>) dst(%dma_wait3A_63 : memref<10000x128xf32, #tpu.memory_space<vmem_shared>>)
    %barrier3A_64 = arith.constant 0 : index
    tpu.barrier barrier_id(%barrier3A_64)
    %lt3A_65 = arith.constant 10 : i32
    %lt3A_66 = arith.cmpi slt, %arg1, %lt3A_65 : i32
    %convert_element_type3A_67 = arith.extui %lt3A_66 : i1 to i32
    %cond3A_68 = arith.constant 0 : i32
    %cond3A_69 = arith.cmpi ne, %convert_element_type3A_67, %cond3A_68 : i32
    scf.if %cond3A_69 {
      %mul3A_70 = arith.constant 1000 : i32
      %mul3A_71 = arith.muli %arg1, %mul3A_70 : i32
      %mul3A_72 = arith.constant 1000 : i32
      %mul3A_73 = arith.muli %arg1, %mul3A_72 : i32
      "tpu.region"() ({
        %run_scoped3A_74 = tpu.sem_alloc : memref<!tpu.dma_semaphore, #tpu.memory_space<semaphore_mem>>
        %dma_start3A_75 = arith.constant 0 : i32
        %dma_start3A_76 = tpu.memref_slice %arg6[%arg0, %mul3A_73, %dma_start3A_75] : memref<2x10000x128xf32, #tpu.memory_space<hbm>> -> memref<1x1000x128xf32, #tpu.memory_space<hbm>>
        %dma_start3A_77 = tpu.memref_squeeze %dma_start3A_76 : memref<1x1000x128xf32, #tpu.memory_space<hbm>> -> memref<1000x128xf32, #tpu.memory_space<hbm>>
        %dma_start3A_78 = arith.constant 0 : i32
        %dma_start3A_79 = tpu.memref_slice %arg13[%mul3A_71, %dma_start3A_78] : memref<10000x128xf32, #tpu.memory_space<vmem_shared>> -> memref<1000x128xf32, #tpu.memory_space<vmem_shared>>
        tpu.enqueue_dma source(%dma_start3A_79 : memref<1000x128xf32, #tpu.memory_space<vmem_shared>>) target(%dma_start3A_77 : memref<1000x128xf32, #tpu.memory_space<hbm>>) target_semaphore(%run_scoped3A_74 : memref<!tpu.dma_semaphore, #tpu.memory_space<semaphore_mem>>)
        %dma_wait3A_80 = arith.constant 0 : i32
        %dma_wait3A_81 = tpu.memref_slice %arg6[%arg0, %mul3A_73, %dma_wait3A_80] : memref<2x10000x128xf32, #tpu.memory_space<hbm>> -> memref<1x1000x128xf32, #tpu.memory_space<hbm>>
        %dma_wait3A_82 = tpu.memref_squeeze %dma_wait3A_81 : memref<1x1000x128xf32, #tpu.memory_space<hbm>> -> memref<1000x128xf32, #tpu.memory_space<hbm>>
        %dma_wait3A_83 = arith.constant 0 : i32
        %dma_wait3A_84 = tpu.memref_slice %arg13[%mul3A_71, %dma_wait3A_83] : memref<10000x128xf32, #tpu.memory_space<vmem_shared>> -> memref<1000x128xf32, #tpu.memory_space<vmem_shared>>
        tpu.wait_dma2 semaphore(%run_scoped3A_74 : memref<!tpu.dma_semaphore, #tpu.memory_space<semaphore_mem>>) src(%dma_wait3A_84 : memref<1000x128xf32, #tpu.memory_space<vmem_shared>>) dst(%dma_wait3A_82 : memref<1000x128xf32, #tpu.memory_space<hbm>>)
        tpu.yield
      }) : () -> ()
    } else {
    }
    return
  }
}

#map = affine_map<(d0, d1) -> (0, 0)>
#map1 = affine_map<(d0, d1) -> (0, 0, 0, 0, 0)>
#map2 = affine_map<(d0, d1) -> (0, 0, 0)>
module attributes {stable_mosaic.version = 14 : i64} {
  func.func @_msg_body(%arg0: i32, %arg1: i32, %arg2: memref<20000x128xf32, #tpu.memory_space<hbm>>, %arg3: memref<320000x64xi32, #tpu.memory_space<hbm>>, %arg4: memref<2x16x125x2x80xi32, #tpu.memory_space<hbm>>, %arg5: memref<1000x128xf32, #tpu.memory_space<hbm>>, %arg6: memref<2x10000x128xf32, #tpu.memory_space<hbm>>, %arg7: memref<2x80xi32, #tpu.memory_space<vmem>>, %arg8: memref<2x80xi32, #tpu.memory_space<vmem>>, %arg9: memref<80x128xf32, #tpu.memory_space<vmem>>, %arg10: memref<80x128xf32, #tpu.memory_space<vmem>>, %arg11: memref<80x64xi32, #tpu.memory_space<vmem>>, %arg12: memref<80x64xi32, #tpu.memory_space<vmem>>, %arg13: memref<10000x128xf32, #tpu.memory_space<vmem_shared>>, %arg14: memref<!tpu.dma_semaphore, #tpu.memory_space<semaphore_mem>>, %arg15: memref<!tpu.dma_semaphore, #tpu.memory_space<semaphore_mem>>, %arg16: memref<!tpu.dma_semaphore, #tpu.memory_space<semaphore_mem>>, %arg17: memref<!tpu.dma_semaphore, #tpu.memory_space<semaphore_mem>>, %arg18: memref<!tpu.dma_semaphore, #tpu.memory_space<semaphore_mem>>, %arg19: memref<!tpu.dma_semaphore, #tpu.memory_space<semaphore_mem>>, %arg20: memref<!tpu.dma_semaphore, #tpu.memory_space<semaphore_mem>>) attributes {dimension_semantics = [#tpu.dimension_semantics<core_parallel>, #tpu.dimension_semantics<subcore_parallel>], iteration_bounds = array<i64: 2, 16>, scalar_prefetch = 0 : i64, scratch_operands = 14 : i64, tpu.core_type = #tpu.core_type<sc_vector_subcore>, window_params = [{transform_indices = #map}, {transform_indices = #map}, {transform_indices = #map1}, {transform_indices = #map}, {transform_indices = #map2}]} {
    %lt3A = arith.constant 10 : i32
    %lt3A_0 = arith.cmpi slt, %arg1, %lt3A : i32
    %convert_element_type3A = arith.extui %lt3A_0 : i1 to i32
    %cond3A = arith.constant 0 : i32
    %cond3A_1 = arith.cmpi ne, %convert_element_type3A, %cond3A : i32
    scf.if %cond3A_1 {
      %mul3A_70 = arith.constant 1000 : i32
      %mul3A_71 = arith.muli %arg1, %mul3A_70 : i32
      "tpu.region"() ({
        %run_scoped3A_72 = tpu.sem_alloc : memref<!tpu.dma_semaphore, #tpu.memory_space<semaphore_mem>>
        %dma_start3A_73 = arith.constant 0 : i32
        %dma_start3A_74 = tpu.memref_slice %arg13[%mul3A_71, %dma_start3A_73] : memref<10000x128xf32, #tpu.memory_space<vmem_shared>> -> memref<1000x128xf32, #tpu.memory_space<vmem_shared>>
        tpu.enqueue_dma source(%arg5 : memref<1000x128xf32, #tpu.memory_space<hbm>>) target(%dma_start3A_74 : memref<1000x128xf32, #tpu.memory_space<vmem_shared>>) target_semaphore(%run_scoped3A_72 : memref<!tpu.dma_semaphore, #tpu.memory_space<semaphore_mem>>)
        %dma_wait3A_75 = arith.constant 0 : i32
        %dma_wait3A_76 = tpu.memref_slice %arg13[%mul3A_71, %dma_wait3A_75] : memref<10000x128xf32, #tpu.memory_space<vmem_shared>> -> memref<1000x128xf32, #tpu.memory_space<vmem_shared>>
        tpu.wait_dma2 semaphore(%run_scoped3A_72 : memref<!tpu.dma_semaphore, #tpu.memory_space<semaphore_mem>>) src(%arg5 : memref<1000x128xf32, #tpu.memory_space<hbm>>) dst(%dma_wait3A_76 : memref<1000x128xf32, #tpu.memory_space<vmem_shared>>)
        tpu.yield
      }) : () -> ()
    } else {
    }
    %barrier3A = arith.constant 0 : index
    tpu.barrier barrier_id(%barrier3A)
    %mul3A = arith.constant 160000 : i32
    %mul3A_2 = arith.muli %arg0, %mul3A : i32
    %mul3A_3 = arith.constant 10000 : i32
    %mul3A_4 = arith.muli %arg1, %mul3A_3 : i32
    %add3A = arith.addi %mul3A_2, %mul3A_4 : i32
    %run_scoped3A = arith.constant 0 : i32
    "tpu.region"() ({
      %run_scoped3A_70 = tpu.sem_alloc : memref<!tpu.dma_semaphore, #tpu.memory_space<semaphore_mem>>
      %dma_start3A_71 = arith.constant 0 : i32
      %dma_start3A_72 = arith.constant 0 : i32
      %dma_start3A_73 = tpu.memref_slice %arg4[%arg0, %arg1, %run_scoped3A, %dma_start3A_71, %dma_start3A_72] : memref<2x16x125x2x80xi32, #tpu.memory_space<hbm>> -> memref<1x1x1x2x80xi32, #tpu.memory_space<hbm>>
      %dma_start3A_74 = tpu.memref_squeeze %dma_start3A_73 : memref<1x1x1x2x80xi32, #tpu.memory_space<hbm>> -> memref<2x80xi32, #tpu.memory_space<hbm>>
      %dma_start3A_75 = arith.constant 0 : i32
      %dma_start3A_76 = arith.constant 0 : i32
      %dma_start3A_77 = tpu.memref_slice %arg4[%arg0, %arg1, %run_scoped3A, %dma_start3A_75, %dma_start3A_76] : memref<2x16x125x2x80xi32, #tpu.memory_space<hbm>> -> memref<1x1x1x2x80xi32, #tpu.memory_space<hbm>>
      %dma_start3A_78 = tpu.memref_squeeze %dma_start3A_77 : memref<1x1x1x2x80xi32, #tpu.memory_space<hbm>> -> memref<2x80xi32, #tpu.memory_space<hbm>>
      tpu.enqueue_dma source(%dma_start3A_78 : memref<2x80xi32, #tpu.memory_space<hbm>>) target(%arg7 : memref<2x80xi32, #tpu.memory_space<vmem>>) target_semaphore(%run_scoped3A_70 : memref<!tpu.dma_semaphore, #tpu.memory_space<semaphore_mem>>)
      %dma_wait3A_79 = arith.constant 0 : i32
      %dma_wait3A_80 = arith.constant 0 : i32
      %dma_wait3A_81 = tpu.memref_slice %arg4[%arg0, %arg1, %run_scoped3A, %dma_wait3A_79, %dma_wait3A_80] : memref<2x16x125x2x80xi32, #tpu.memory_space<hbm>> -> memref<1x1x1x2x80xi32, #tpu.memory_space<hbm>>
      %dma_wait3A_82 = tpu.memref_squeeze %dma_wait3A_81 : memref<1x1x1x2x80xi32, #tpu.memory_space<hbm>> -> memref<2x80xi32, #tpu.memory_space<hbm>>
      %dma_wait3A_83 = arith.constant 0 : i32
      %dma_wait3A_84 = arith.constant 0 : i32
      %dma_wait3A_85 = tpu.memref_slice %arg4[%arg0, %arg1, %run_scoped3A, %dma_wait3A_83, %dma_wait3A_84] : memref<2x16x125x2x80xi32, #tpu.memory_space<hbm>> -> memref<1x1x1x2x80xi32, #tpu.memory_space<hbm>>
      %dma_wait3A_86 = tpu.memref_squeeze %dma_wait3A_85 : memref<1x1x1x2x80xi32, #tpu.memory_space<hbm>> -> memref<2x80xi32, #tpu.memory_space<hbm>>
      tpu.wait_dma2 semaphore(%run_scoped3A_70 : memref<!tpu.dma_semaphore, #tpu.memory_space<semaphore_mem>>) src(%dma_wait3A_86 : memref<2x80xi32, #tpu.memory_space<hbm>>) dst(%arg7 : memref<2x80xi32, #tpu.memory_space<vmem>>)
      tpu.yield
    }) : () -> ()
    %dma_start3A = arith.constant 0 : i32
    %dma_start3A_5 = arith.constant 0 : i32
    %dma_start3A_6 = tpu.memref_slice %arg7[%dma_start3A, %dma_start3A_5] : memref<2x80xi32, #tpu.memory_space<vmem>> -> memref<1x80xi32, #tpu.memory_space<vmem>>
    %dma_start3A_7 = tpu.memref_squeeze %dma_start3A_6 : memref<1x80xi32, #tpu.memory_space<vmem>> -> memref<80xi32, #tpu.memory_space<vmem>>
    %dma_start3A_8 = arith.constant 0 : i32
    %dma_start3A_9 = arith.constant 0 : i32
    %dma_start3A_10 = tpu.memref_slice %arg2[%dma_start3A_8, %dma_start3A_9] : memref<20000x128xf32, #tpu.memory_space<hbm>> -> memref<20000x128xf32, #tpu.memory_space<hbm>>
    tpu.enqueue_indirect_dma source(%dma_start3A_10 : memref<20000x128xf32, #tpu.memory_space<hbm>>) target(%arg9 : memref<80x128xf32, #tpu.memory_space<vmem>>) offsets(%dma_start3A_7 : memref<80xi32, #tpu.memory_space<vmem>>) semaphore(%arg14 : memref<!tpu.dma_semaphore, #tpu.memory_space<semaphore_mem>>)
    %add3A_11 = arith.constant 0 : i32
    %add3A_12 = arith.addi %add3A, %add3A_11 : i32
    %dma_start3A_13 = arith.constant 0 : i32
    %dma_start3A_14 = tpu.memref_slice %arg3[%add3A_12, %dma_start3A_13] : memref<320000x64xi32, #tpu.memory_space<hbm>> -> memref<80x64xi32, #tpu.memory_space<hbm>>
    %dma_start3A_15 = arith.constant 0 : i32
    %dma_start3A_16 = tpu.memref_slice %arg3[%add3A_12, %dma_start3A_15] : memref<320000x64xi32, #tpu.memory_space<hbm>> -> memref<80x64xi32, #tpu.memory_space<hbm>>
    tpu.enqueue_dma source(%dma_start3A_16 : memref<80x64xi32, #tpu.memory_space<hbm>>) target(%arg11 : memref<80x64xi32, #tpu.memory_space<vmem>>) target_semaphore(%arg16 : memref<!tpu.dma_semaphore, #tpu.memory_space<semaphore_mem>>)
    %scan3A = arith.constant 0 : i32
    %scan3A_17 = arith.constant 0 : i32
    %scan3A_18 = arith.constant 62 : i32
    %scan3A_19 = arith.addi %scan3A_17, %scan3A_18 : i32
    %scan3A_20 = arith.constant 1 : i32
    %scan3A_21 = scf.for %scan3A_70 = %scan3A_17 to %scan3A_19 step %scan3A_20 iter_args(%scan3A_71 = %scan3A) -> (i32)  : i32 {
      %mul3A_72 = arith.constant 2 : i32
      %mul3A_73 = arith.muli %mul3A_72, %scan3A_70 : i32
      %ge3A = arith.constant 1 : i32
      %ge3A_74 = arith.cmpi sge, %mul3A_73, %ge3A : i32
      %convert_element_type3A_75 = arith.extui %ge3A_74 : i1 to i32
      %cond3A_76 = arith.constant 0 : i32
      %cond3A_77 = arith.cmpi ne, %convert_element_type3A_75, %cond3A_76 : i32
      scf.if %cond3A_77 {
        %dma_wait3A_176 = arith.constant 1 : i32
        %dma_wait3A_177 = arith.constant 0 : i32
        %dma_wait3A_178 = tpu.memref_slice %arg8[%dma_wait3A_176, %dma_wait3A_177] : memref<2x80xi32, #tpu.memory_space<vmem>> -> memref<1x80xi32, #tpu.memory_space<vmem>>
        %dma_wait3A_179 = tpu.memref_squeeze %dma_wait3A_178 : memref<1x80xi32, #tpu.memory_space<vmem>> -> memref<80xi32, #tpu.memory_space<vmem>>
        %dma_wait3A_180 = arith.constant 0 : i32
        %dma_wait3A_181 = arith.constant 0 : i32
        %dma_wait3A_182 = tpu.memref_slice %arg13[%dma_wait3A_180, %dma_wait3A_181] : memref<10000x128xf32, #tpu.memory_space<vmem_shared>> -> memref<10000x128xf32, #tpu.memory_space<vmem_shared>>
        tpu.wait_indirect_dma semaphore(%arg19 : memref<!tpu.dma_semaphore, #tpu.memory_space<semaphore_mem>>) src(%arg10 : memref<80x128xf32, #tpu.memory_space<vmem>>) dst(%dma_wait3A_182 : memref<10000x128xf32, #tpu.memory_space<vmem_shared>>)
      } else {
      }
      %add3A_78 = arith.constant 1 : i32
      %add3A_79 = arith.addi %mul3A_73, %add3A_78 : i32
      %lt3A_80 = arith.constant 125 : i32
      %lt3A_81 = arith.cmpi slt, %add3A_79, %lt3A_80 : i32
      %convert_element_type3A_82 = arith.extui %lt3A_81 : i1 to i32
      %cond3A_83 = arith.constant 0 : i32
      %cond3A_84 = arith.cmpi ne, %convert_element_type3A_82, %cond3A_83 : i32
      scf.if %cond3A_84 {
        %add3A_176 = arith.constant 1 : i32
        %add3A_177 = arith.addi %mul3A_73, %add3A_176 : i32
        %dma_start3A_178 = arith.constant 0 : i32
        %dma_start3A_179 = arith.constant 0 : i32
        %dma_start3A_180 = tpu.memref_slice %arg4[%arg0, %arg1, %add3A_177, %dma_start3A_178, %dma_start3A_179] : memref<2x16x125x2x80xi32, #tpu.memory_space<hbm>> -> memref<1x1x1x2x80xi32, #tpu.memory_space<hbm>>
        %dma_start3A_181 = tpu.memref_squeeze %dma_start3A_180 : memref<1x1x1x2x80xi32, #tpu.memory_space<hbm>> -> memref<2x80xi32, #tpu.memory_space<hbm>>
        %dma_start3A_182 = arith.constant 0 : i32
        %dma_start3A_183 = arith.constant 0 : i32
        %dma_start3A_184 = tpu.memref_slice %arg4[%arg0, %arg1, %add3A_177, %dma_start3A_182, %dma_start3A_183] : memref<2x16x125x2x80xi32, #tpu.memory_space<hbm>> -> memref<1x1x1x2x80xi32, #tpu.memory_space<hbm>>
        %dma_start3A_185 = tpu.memref_squeeze %dma_start3A_184 : memref<1x1x1x2x80xi32, #tpu.memory_space<hbm>> -> memref<2x80xi32, #tpu.memory_space<hbm>>
        tpu.enqueue_dma source(%dma_start3A_185 : memref<2x80xi32, #tpu.memory_space<hbm>>) target(%arg8 : memref<2x80xi32, #tpu.memory_space<vmem>>) target_semaphore(%arg20 : memref<!tpu.dma_semaphore, #tpu.memory_space<semaphore_mem>>)
      } else {
      }
      %dma_wait3A_85 = arith.constant 0 : i32
      %dma_wait3A_86 = arith.constant 0 : i32
      %dma_wait3A_87 = tpu.memref_slice %arg7[%dma_wait3A_85, %dma_wait3A_86] : memref<2x80xi32, #tpu.memory_space<vmem>> -> memref<1x80xi32, #tpu.memory_space<vmem>>
      %dma_wait3A_88 = tpu.memref_squeeze %dma_wait3A_87 : memref<1x80xi32, #tpu.memory_space<vmem>> -> memref<80xi32, #tpu.memory_space<vmem>>
      %dma_wait3A_89 = arith.constant 0 : i32
      %dma_wait3A_90 = arith.constant 0 : i32
      %dma_wait3A_91 = tpu.memref_slice %arg2[%dma_wait3A_89, %dma_wait3A_90] : memref<20000x128xf32, #tpu.memory_space<hbm>> -> memref<20000x128xf32, #tpu.memory_space<hbm>>
      tpu.wait_indirect_dma semaphore(%arg14 : memref<!tpu.dma_semaphore, #tpu.memory_space<semaphore_mem>>) src(%dma_wait3A_91 : memref<20000x128xf32, #tpu.memory_space<hbm>>) dst(%arg9 : memref<80x128xf32, #tpu.memory_space<vmem>>)
      %mul3A_92 = arith.constant 80 : i32
      %mul3A_93 = arith.muli %mul3A_73, %mul3A_92 : i32
      %add3A_94 = arith.addi %add3A, %mul3A_93 : i32
      %dma_wait3A_95 = arith.constant 0 : i32
      %dma_wait3A_96 = tpu.memref_slice %arg3[%add3A_94, %dma_wait3A_95] : memref<320000x64xi32, #tpu.memory_space<hbm>> -> memref<80x64xi32, #tpu.memory_space<hbm>>
      %dma_wait3A_97 = arith.constant 0 : i32
      %dma_wait3A_98 = tpu.memref_slice %arg3[%add3A_94, %dma_wait3A_97] : memref<320000x64xi32, #tpu.memory_space<hbm>> -> memref<80x64xi32, #tpu.memory_space<hbm>>
      tpu.wait_dma2 semaphore(%arg16 : memref<!tpu.dma_semaphore, #tpu.memory_space<semaphore_mem>>) src(%dma_wait3A_98 : memref<80x64xi32, #tpu.memory_space<hbm>>) dst(%arg11 : memref<80x64xi32, #tpu.memory_space<vmem>>)
      %add3A_99 = arith.constant 1 : i32
      %add3A_100 = arith.addi %mul3A_73, %add3A_99 : i32
      %lt3A_101 = arith.constant 125 : i32
      %lt3A_102 = arith.cmpi slt, %add3A_100, %lt3A_101 : i32
      %convert_element_type3A_103 = arith.extui %lt3A_102 : i1 to i32
      %cond3A_104 = arith.constant 0 : i32
      %cond3A_105 = arith.cmpi ne, %convert_element_type3A_103, %cond3A_104 : i32
      scf.if %cond3A_105 {
        %dma_wait3A_176 = arith.constant 0 : i32
        %dma_wait3A_177 = arith.constant 0 : i32
        %dma_wait3A_178 = arith.constant 0 : i32
        %dma_wait3A_179 = tpu.memref_slice %arg4[%arg0, %arg1, %dma_wait3A_176, %dma_wait3A_177, %dma_wait3A_178] : memref<2x16x125x2x80xi32, #tpu.memory_space<hbm>> -> memref<1x1x1x2x80xi32, #tpu.memory_space<hbm>>
        %dma_wait3A_180 = tpu.memref_squeeze %dma_wait3A_179 : memref<1x1x1x2x80xi32, #tpu.memory_space<hbm>> -> memref<2x80xi32, #tpu.memory_space<hbm>>
        %dma_wait3A_181 = arith.constant 0 : i32
        %dma_wait3A_182 = arith.constant 0 : i32
        %dma_wait3A_183 = tpu.memref_slice %arg4[%arg0, %arg1, %dma_wait3A_176, %dma_wait3A_181, %dma_wait3A_182] : memref<2x16x125x2x80xi32, #tpu.memory_space<hbm>> -> memref<1x1x1x2x80xi32, #tpu.memory_space<hbm>>
        %dma_wait3A_184 = tpu.memref_squeeze %dma_wait3A_183 : memref<1x1x1x2x80xi32, #tpu.memory_space<hbm>> -> memref<2x80xi32, #tpu.memory_space<hbm>>
        tpu.wait_dma2 semaphore(%arg20 : memref<!tpu.dma_semaphore, #tpu.memory_space<semaphore_mem>>) src(%dma_wait3A_184 : memref<2x80xi32, #tpu.memory_space<hbm>>) dst(%arg8 : memref<2x80xi32, #tpu.memory_space<vmem>>)
        %dma_start3A_185 = arith.constant 0 : i32
        %dma_start3A_186 = arith.constant 0 : i32
        %dma_start3A_187 = tpu.memref_slice %arg8[%dma_start3A_185, %dma_start3A_186] : memref<2x80xi32, #tpu.memory_space<vmem>> -> memref<1x80xi32, #tpu.memory_space<vmem>>
        %dma_start3A_188 = tpu.memref_squeeze %dma_start3A_187 : memref<1x80xi32, #tpu.memory_space<vmem>> -> memref<80xi32, #tpu.memory_space<vmem>>
        %dma_start3A_189 = arith.constant 0 : i32
        %dma_start3A_190 = arith.constant 0 : i32
        %dma_start3A_191 = tpu.memref_slice %arg2[%dma_start3A_189, %dma_start3A_190] : memref<20000x128xf32, #tpu.memory_space<hbm>> -> memref<20000x128xf32, #tpu.memory_space<hbm>>
        tpu.enqueue_indirect_dma source(%dma_start3A_191 : memref<20000x128xf32, #tpu.memory_space<hbm>>) target(%arg10 : memref<80x128xf32, #tpu.memory_space<vmem>>) offsets(%dma_start3A_188 : memref<80xi32, #tpu.memory_space<vmem>>) semaphore(%arg15 : memref<!tpu.dma_semaphore, #tpu.memory_space<semaphore_mem>>)
        %add3A_192 = arith.constant 1 : i32
        %add3A_193 = arith.addi %mul3A_73, %add3A_192 : i32
        %mul3A_194 = arith.constant 80 : i32
        %mul3A_195 = arith.muli %add3A_193, %mul3A_194 : i32
        %add3A_196 = arith.addi %add3A, %mul3A_195 : i32
        %dma_start3A_197 = arith.constant 0 : i32
        %dma_start3A_198 = tpu.memref_slice %arg3[%add3A_196, %dma_start3A_197] : memref<320000x64xi32, #tpu.memory_space<hbm>> -> memref<80x64xi32, #tpu.memory_space<hbm>>
        %dma_start3A_199 = arith.constant 0 : i32
        %dma_start3A_200 = tpu.memref_slice %arg3[%add3A_196, %dma_start3A_199] : memref<320000x64xi32, #tpu.memory_space<hbm>> -> memref<80x64xi32, #tpu.memory_space<hbm>>
        tpu.enqueue_dma source(%dma_start3A_200 : memref<80x64xi32, #tpu.memory_space<hbm>>) target(%arg12 : memref<80x64xi32, #tpu.memory_space<vmem>>) target_semaphore(%arg17 : memref<!tpu.dma_semaphore, #tpu.memory_space<semaphore_mem>>)
      } else {
      }
      %broadcast_in_dim3A_106 = arith.constant -65536 : i32
      %broadcast_in_dim3A_107 = vector.broadcast %broadcast_in_dim3A_106 : i32 to vector<16xi32>
      %scan3A_108 = arith.constant 0 : i32
      %scan3A_109 = arith.constant 0 : i32
      %scan3A_110 = arith.constant 80 : i32
      %scan3A_111 = arith.addi %scan3A_109, %scan3A_110 : i32
      %scan3A_112 = arith.constant 1 : i32
      %scan3A_113 = scf.for %scan3A_176 = %scan3A_109 to %scan3A_111 step %scan3A_112 iter_args(%scan3A_177 = %scan3A_108) -> (i32)  : i32 {
        %get3A = arith.index_cast %scan3A_176 : i32 to index
        %get3A_178 = arith.constant 0 : index
        %get3A_179 = tpu.vector_load %arg11[%get3A, %get3A_178] {strides = array<i32>} : memref<80x64xi32, #tpu.memory_space<vmem>>, vector<16xi32>,
        %shift_left3A = arith.constant 16 : i32
        %shift_left3A_180 = vector.broadcast %shift_left3A : i32 to vector<16xi32>
        %shift_left3A_181 = arith.shli %get3A_179, %shift_left3A_180 : vector<16xi32>
        %bitcast3A = vector.bitcast %shift_left3A_181 : vector<16xi32> to vector<16xf32>
        %and3A = arith.andi %get3A_179, %broadcast_in_dim3A_107 : vector<16xi32>
        %bitcast3A_182 = vector.bitcast %and3A : vector<16xi32> to vector<16xf32>
        %get3A_183 = arith.index_cast %scan3A_176 : i32 to index
        %get3A_184 = arith.constant 0 : index
        %get3A_185 = tpu.vector_load %arg9[%get3A_183, %get3A_184] {strides = array<i32>} : memref<80x128xf32, #tpu.memory_space<vmem>>, vector<16xf32>,
        %add3A_186 = arith.addf %get3A_185, %bitcast3A : vector<16xf32>
        %max3A = arith.constant 0.000000e+00 : f32
        %max3A_187 = vector.broadcast %max3A : f32 to vector<16xf32>
        %max3A_188 = arith.maximumf %add3A_186, %max3A_187 : vector<16xf32>
        %swap3A = arith.index_cast %scan3A_176 : i32 to index
        %swap3A_189 = arith.constant 0 : index
        %swap3A_190 = tpu.vector_load %arg9[%swap3A, %swap3A_189] {strides = array<i32>} : memref<80x128xf32, #tpu.memory_space<vmem>>, vector<16xf32>,
        tpu.vector_store %arg9[%swap3A, %swap3A_189], %max3A_188 {strides = array<i32>} : memref<80x128xf32, #tpu.memory_space<vmem>>, vector<16xf32>,
        %get3A_191 = arith.index_cast %scan3A_176 : i32 to index
        %get3A_192 = arith.constant 16 : index
        %get3A_193 = tpu.vector_load %arg9[%get3A_191, %get3A_192] {strides = array<i32>} : memref<80x128xf32, #tpu.memory_space<vmem>>, vector<16xf32>,
        %add3A_194 = arith.addf %get3A_193, %bitcast3A_182 : vector<16xf32>
        %max3A_195 = arith.constant 0.000000e+00 : f32
        %max3A_196 = vector.broadcast %max3A_195 : f32 to vector<16xf32>
        %max3A_197 = arith.maximumf %add3A_194, %max3A_196 : vector<16xf32>
        %swap3A_198 = arith.index_cast %scan3A_176 : i32 to index
        %swap3A_199 = arith.constant 16 : index
        %swap3A_200 = tpu.vector_load %arg9[%swap3A_198, %swap3A_199] {strides = array<i32>} : memref<80x128xf32, #tpu.memory_space<vmem>>, vector<16xf32>,
        tpu.vector_store %arg9[%swap3A_198, %swap3A_199], %max3A_197 {strides = array<i32>} : memref<80x128xf32, #tpu.memory_space<vmem>>, vector<16xf32>,
        %get3A_201 = arith.index_cast %scan3A_176 : i32 to index
        %get3A_202 = arith.constant 16 : index
        %get3A_203 = tpu.vector_load %arg11[%get3A_201, %get3A_202] {strides = array<i32>} : memref<80x64xi32, #tpu.memory_space<vmem>>, vector<16xi32>,
        %shift_left3A_204 = arith.constant 16 : i32
        %shift_left3A_205 = vector.broadcast %shift_left3A_204 : i32 to vector<16xi32>
        %shift_left3A_206 = arith.shli %get3A_203, %shift_left3A_205 : vector<16xi32>
        %bitcast3A_207 = vector.bitcast %shift_left3A_206 : vector<16xi32> to vector<16xf32>
        %and3A_208 = arith.andi %get3A_203, %broadcast_in_dim3A_107 : vector<16xi32>
        %bitcast3A_209 = vector.bitcast %and3A_208 : vector<16xi32> to vector<16xf32>
        %get3A_210 = arith.index_cast %scan3A_176 : i32 to index
        %get3A_211 = arith.constant 32 : index
        %get3A_212 = tpu.vector_load %arg9[%get3A_210, %get3A_211] {strides = array<i32>} : memref<80x128xf32, #tpu.memory_space<vmem>>, vector<16xf32>,
        %add3A_213 = arith.addf %get3A_212, %bitcast3A_207 : vector<16xf32>
        %max3A_214 = arith.constant 0.000000e+00 : f32
        %max3A_215 = vector.broadcast %max3A_214 : f32 to vector<16xf32>
        %max3A_216 = arith.maximumf %add3A_213, %max3A_215 : vector<16xf32>
        %swap3A_217 = arith.index_cast %scan3A_176 : i32 to index
        %swap3A_218 = arith.constant 32 : index
        %swap3A_219 = tpu.vector_load %arg9[%swap3A_217, %swap3A_218] {strides = array<i32>} : memref<80x128xf32, #tpu.memory_space<vmem>>, vector<16xf32>,
        tpu.vector_store %arg9[%swap3A_217, %swap3A_218], %max3A_216 {strides = array<i32>} : memref<80x128xf32, #tpu.memory_space<vmem>>, vector<16xf32>,
        %get3A_220 = arith.index_cast %scan3A_176 : i32 to index
        %get3A_221 = arith.constant 48 : index
        %get3A_222 = tpu.vector_load %arg9[%get3A_220, %get3A_221] {strides = array<i32>} : memref<80x128xf32, #tpu.memory_space<vmem>>, vector<16xf32>,
        %add3A_223 = arith.addf %get3A_222, %bitcast3A_209 : vector<16xf32>
        %max3A_224 = arith.constant 0.000000e+00 : f32
        %max3A_225 = vector.broadcast %max3A_224 : f32 to vector<16xf32>
        %max3A_226 = arith.maximumf %add3A_223, %max3A_225 : vector<16xf32>
        %swap3A_227 = arith.index_cast %scan3A_176 : i32 to index
        %swap3A_228 = arith.constant 48 : index
        %swap3A_229 = tpu.vector_load %arg9[%swap3A_227, %swap3A_228] {strides = array<i32>} : memref<80x128xf32, #tpu.memory_space<vmem>>, vector<16xf32>,
        tpu.vector_store %arg9[%swap3A_227, %swap3A_228], %max3A_226 {strides = array<i32>} : memref<80x128xf32, #tpu.memory_space<vmem>>, vector<16xf32>,
        %get3A_230 = arith.index_cast %scan3A_176 : i32 to index
        %get3A_231 = arith.constant 32 : index
        %get3A_232 = tpu.vector_load %arg11[%get3A_230, %get3A_231] {strides = array<i32>} : memref<80x64xi32, #tpu.memory_space<vmem>>, vector<16xi32>,
        %shift_left3A_233 = arith.constant 16 : i32
        %shift_left3A_234 = vector.broadcast %shift_left3A_233 : i32 to vector<16xi32>
        %shift_left3A_235 = arith.shli %get3A_232, %shift_left3A_234 : vector<16xi32>
        %bitcast3A_236 = vector.bitcast %shift_left3A_235 : vector<16xi32> to vector<16xf32>
        %and3A_237 = arith.andi %get3A_232, %broadcast_in_dim3A_107 : vector<16xi32>
        %bitcast3A_238 = vector.bitcast %and3A_237 : vector<16xi32> to vector<16xf32>
        %get3A_239 = arith.index_cast %scan3A_176 : i32 to index
        %get3A_240 = arith.constant 64 : index
        %get3A_241 = tpu.vector_load %arg9[%get3A_239, %get3A_240] {strides = array<i32>} : memref<80x128xf32, #tpu.memory_space<vmem>>, vector<16xf32>,
        %add3A_242 = arith.addf %get3A_241, %bitcast3A_236 : vector<16xf32>
        %max3A_243 = arith.constant 0.000000e+00 : f32
        %max3A_244 = vector.broadcast %max3A_243 : f32 to vector<16xf32>
        %max3A_245 = arith.maximumf %add3A_242, %max3A_244 : vector<16xf32>
        %swap3A_246 = arith.index_cast %scan3A_176 : i32 to index
        %swap3A_247 = arith.constant 64 : index
        %swap3A_248 = tpu.vector_load %arg9[%swap3A_246, %swap3A_247] {strides = array<i32>} : memref<80x128xf32, #tpu.memory_space<vmem>>, vector<16xf32>,
        tpu.vector_store %arg9[%swap3A_246, %swap3A_247], %max3A_245 {strides = array<i32>} : memref<80x128xf32, #tpu.memory_space<vmem>>, vector<16xf32>,
        %get3A_249 = arith.index_cast %scan3A_176 : i32 to index
        %get3A_250 = arith.constant 80 : index
        %get3A_251 = tpu.vector_load %arg9[%get3A_249, %get3A_250] {strides = array<i32>} : memref<80x128xf32, #tpu.memory_space<vmem>>, vector<16xf32>,
        %add3A_252 = arith.addf %get3A_251, %bitcast3A_238 : vector<16xf32>
        %max3A_253 = arith.constant 0.000000e+00 : f32
        %max3A_254 = vector.broadcast %max3A_253 : f32 to vector<16xf32>
        %max3A_255 = arith.maximumf %add3A_252, %max3A_254 : vector<16xf32>
        %swap3A_256 = arith.index_cast %scan3A_176 : i32 to index
        %swap3A_257 = arith.constant 80 : index
        %swap3A_258 = tpu.vector_load %arg9[%swap3A_256, %swap3A_257] {strides = array<i32>} : memref<80x128xf32, #tpu.memory_space<vmem>>, vector<16xf32>,
        tpu.vector_store %arg9[%swap3A_256, %swap3A_257], %max3A_255 {strides = array<i32>} : memref<80x128xf32, #tpu.memory_space<vmem>>, vector<16xf32>,
        %get3A_259 = arith.index_cast %scan3A_176 : i32 to index
        %get3A_260 = arith.constant 48 : index
        %get3A_261 = tpu.vector_load %arg11[%get3A_259, %get3A_260] {strides = array<i32>} : memref<80x64xi32, #tpu.memory_space<vmem>>, vector<16xi32>,
        %shift_left3A_262 = arith.constant 16 : i32
        %shift_left3A_263 = vector.broadcast %shift_left3A_262 : i32 to vector<16xi32>
        %shift_left3A_264 = arith.shli %get3A_261, %shift_left3A_263 : vector<16xi32>
        %bitcast3A_265 = vector.bitcast %shift_left3A_264 : vector<16xi32> to vector<16xf32>
        %and3A_266 = arith.andi %get3A_261, %broadcast_in_dim3A_107 : vector<16xi32>
        %bitcast3A_267 = vector.bitcast %and3A_266 : vector<16xi32> to vector<16xf32>
        %get3A_268 = arith.index_cast %scan3A_176 : i32 to index
        %get3A_269 = arith.constant 96 : index
        %get3A_270 = tpu.vector_load %arg9[%get3A_268, %get3A_269] {strides = array<i32>} : memref<80x128xf32, #tpu.memory_space<vmem>>, vector<16xf32>,
        %add3A_271 = arith.addf %get3A_270, %bitcast3A_265 : vector<16xf32>
        %max3A_272 = arith.constant 0.000000e+00 : f32
        %max3A_273 = vector.broadcast %max3A_272 : f32 to vector<16xf32>
        %max3A_274 = arith.maximumf %add3A_271, %max3A_273 : vector<16xf32>
        %swap3A_275 = arith.index_cast %scan3A_176 : i32 to index
        %swap3A_276 = arith.constant 96 : index
        %swap3A_277 = tpu.vector_load %arg9[%swap3A_275, %swap3A_276] {strides = array<i32>} : memref<80x128xf32, #tpu.memory_space<vmem>>, vector<16xf32>,
        tpu.vector_store %arg9[%swap3A_275, %swap3A_276], %max3A_274 {strides = array<i32>} : memref<80x128xf32, #tpu.memory_space<vmem>>, vector<16xf32>,
        %get3A_278 = arith.index_cast %scan3A_176 : i32 to index
        %get3A_279 = arith.constant 112 : index
        %get3A_280 = tpu.vector_load %arg9[%get3A_278, %get3A_279] {strides = array<i32>} : memref<80x128xf32, #tpu.memory_space<vmem>>, vector<16xf32>,
        %add3A_281 = arith.addf %get3A_280, %bitcast3A_267 : vector<16xf32>
        %max3A_282 = arith.constant 0.000000e+00 : f32
        %max3A_283 = vector.broadcast %max3A_282 : f32 to vector<16xf32>
        %max3A_284 = arith.maximumf %add3A_281, %max3A_283 : vector<16xf32>
        %swap3A_285 = arith.index_cast %scan3A_176 : i32 to index
        %swap3A_286 = arith.constant 112 : index
        %swap3A_287 = tpu.vector_load %arg9[%swap3A_285, %swap3A_286] {strides = array<i32>} : memref<80x128xf32, #tpu.memory_space<vmem>>, vector<16xf32>,
        tpu.vector_store %arg9[%swap3A_285, %swap3A_286], %max3A_284 {strides = array<i32>} : memref<80x128xf32, #tpu.memory_space<vmem>>, vector<16xf32>,
        %scan3A_288 = arith.constant 0 : i32
        scf.yield %scan3A_288 : i32
      }
      %scan3A_114 = arith.constant 80 : i32
      %dma_start3A_115 = arith.constant 1 : i32
      %dma_start3A_116 = arith.constant 0 : i32
      %dma_start3A_117 = tpu.memref_slice %arg7[%dma_start3A_115, %dma_start3A_116] : memref<2x80xi32, #tpu.memory_space<vmem>> -> memref<1x80xi32, #tpu.memory_space<vmem>>
      %dma_start3A_118 = tpu.memref_squeeze %dma_start3A_117 : memref<1x80xi32, #tpu.memory_space<vmem>> -> memref<80xi32, #tpu.memory_space<vmem>>
      %dma_start3A_119 = arith.constant 0 : i32
      %dma_start3A_120 = arith.constant 0 : i32
      %dma_start3A_121 = tpu.memref_slice %arg13[%dma_start3A_119, %dma_start3A_120] : memref<10000x128xf32, #tpu.memory_space<vmem_shared>> -> memref<10000x128xf32, #tpu.memory_space<vmem_shared>>
      tpu.enqueue_indirect_dma source(%arg9 : memref<80x128xf32, #tpu.memory_space<vmem>>) target(%dma_start3A_121 : memref<10000x128xf32, #tpu.memory_space<vmem_shared>>) offsets(%dma_start3A_118 : memref<80xi32, #tpu.memory_space<vmem>>) semaphore(%arg18 : memref<!tpu.dma_semaphore, #tpu.memory_space<semaphore_mem>>) {add = true}
      %mul3A_122 = arith.constant 2 : i32
      %mul3A_123 = arith.muli %mul3A_122, %scan3A_70 : i32
      %add3A_124 = arith.constant 1 : i32
      %add3A_125 = arith.addi %mul3A_123, %add3A_124 : i32
      %ge3A_126 = arith.constant 1 : i32
      %ge3A_127 = arith.cmpi sge, %add3A_125, %ge3A_126 : i32
      %convert_element_type3A_128 = arith.extui %ge3A_127 : i1 to i32
      %cond3A_129 = arith.constant 0 : i32
      %cond3A_130 = arith.cmpi ne, %convert_element_type3A_128, %cond3A_129 : i32
      scf.if %cond3A_130 {
        %dma_wait3A_176 = arith.constant 1 : i32
        %dma_wait3A_177 = arith.constant 0 : i32
        %dma_wait3A_178 = tpu.memref_slice %arg7[%dma_wait3A_176, %dma_wait3A_177] : memref<2x80xi32, #tpu.memory_space<vmem>> -> memref<1x80xi32, #tpu.memory_space<vmem>>
        %dma_wait3A_179 = tpu.memref_squeeze %dma_wait3A_178 : memref<1x80xi32, #tpu.memory_space<vmem>> -> memref<80xi32, #tpu.memory_space<vmem>>
        %dma_wait3A_180 = arith.constant 0 : i32
        %dma_wait3A_181 = arith.constant 0 : i32
        %dma_wait3A_182 = tpu.memref_slice %arg13[%dma_wait3A_180, %dma_wait3A_181] : memref<10000x128xf32, #tpu.memory_space<vmem_shared>> -> memref<10000x128xf32, #tpu.memory_space<vmem_shared>>
        tpu.wait_indirect_dma semaphore(%arg18 : memref<!tpu.dma_semaphore, #tpu.memory_space<semaphore_mem>>) src(%arg9 : memref<80x128xf32, #tpu.memory_space<vmem>>) dst(%dma_wait3A_182 : memref<10000x128xf32, #tpu.memory_space<vmem_shared>>)
      } else {
      }
      %add3A_131 = arith.constant 1 : i32
      %add3A_132 = arith.addi %add3A_125, %add3A_131 : i32
      %lt3A_133 = arith.constant 125 : i32
      %lt3A_134 = arith.cmpi slt, %add3A_132, %lt3A_133 : i32
      %convert_element_type3A_135 = arith.extui %lt3A_134 : i1 to i32
      %cond3A_136 = arith.constant 0 : i32
      %cond3A_137 = arith.cmpi ne, %convert_element_type3A_135, %cond3A_136 : i32
      scf.if %cond3A_137 {
        %add3A_176 = arith.constant 1 : i32
        %add3A_177 = arith.addi %add3A_125, %add3A_176 : i32
        %dma_start3A_178 = arith.constant 0 : i32
        %dma_start3A_179 = arith.constant 0 : i32
        %dma_start3A_180 = tpu.memref_slice %arg4[%arg0, %arg1, %add3A_177, %dma_start3A_178, %dma_start3A_179] : memref<2x16x125x2x80xi32, #tpu.memory_space<hbm>> -> memref<1x1x1x2x80xi32, #tpu.memory_space<hbm>>
        %dma_start3A_181 = tpu.memref_squeeze %dma_start3A_180 : memref<1x1x1x2x80xi32, #tpu.memory_space<hbm>> -> memref<2x80xi32, #tpu.memory_space<hbm>>
        %dma_start3A_182 = arith.constant 0 : i32
        %dma_start3A_183 = arith.constant 0 : i32
        %dma_start3A_184 = tpu.memref_slice %arg4[%arg0, %arg1, %add3A_177, %dma_start3A_182, %dma_start3A_183] : memref<2x16x125x2x80xi32, #tpu.memory_space<hbm>> -> memref<1x1x1x2x80xi32, #tpu.memory_space<hbm>>
        %dma_start3A_185 = tpu.memref_squeeze %dma_start3A_184 : memref<1x1x1x2x80xi32, #tpu.memory_space<hbm>> -> memref<2x80xi32, #tpu.memory_space<hbm>>
        tpu.enqueue_dma source(%dma_start3A_185 : memref<2x80xi32, #tpu.memory_space<hbm>>) target(%arg7 : memref<2x80xi32, #tpu.memory_space<vmem>>) target_semaphore(%arg20 : memref<!tpu.dma_semaphore, #tpu.memory_space<semaphore_mem>>)
      } else {
      }
      %dma_wait3A_138 = arith.constant 0 : i32
      %dma_wait3A_139 = arith.constant 0 : i32
      %dma_wait3A_140 = tpu.memref_slice %arg8[%dma_wait3A_138, %dma_wait3A_139] : memref<2x80xi32, #tpu.memory_space<vmem>> -> memref<1x80xi32, #tpu.memory_space<vmem>>
      %dma_wait3A_141 = tpu.memref_squeeze %dma_wait3A_140 : memref<1x80xi32, #tpu.memory_space<vmem>> -> memref<80xi32, #tpu.memory_space<vmem>>
      %dma_wait3A_142 = arith.constant 0 : i32
      %dma_wait3A_143 = arith.constant 0 : i32
      %dma_wait3A_144 = tpu.memref_slice %arg2[%dma_wait3A_142, %dma_wait3A_143] : memref<20000x128xf32, #tpu.memory_space<hbm>> -> memref<20000x128xf32, #tpu.memory_space<hbm>>
      tpu.wait_indirect_dma semaphore(%arg15 : memref<!tpu.dma_semaphore, #tpu.memory_space<semaphore_mem>>) src(%dma_wait3A_144 : memref<20000x128xf32, #tpu.memory_space<hbm>>) dst(%arg10 : memref<80x128xf32, #tpu.memory_space<vmem>>)
      %mul3A_145 = arith.constant 80 : i32
      %mul3A_146 = arith.muli %add3A_125, %mul3A_145 : i32
      %add3A_147 = arith.addi %add3A, %mul3A_146 : i32
      %dma_wait3A_148 = arith.constant 0 : i32
      %dma_wait3A_149 = tpu.memref_slice %arg3[%add3A_147, %dma_wait3A_148] : memref<320000x64xi32, #tpu.memory_space<hbm>> -> memref<80x64xi32, #tpu.memory_space<hbm>>
      %dma_wait3A_150 = arith.constant 0 : i32
      %dma_wait3A_151 = tpu.memref_slice %arg3[%add3A_147, %dma_wait3A_150] : memref<320000x64xi32, #tpu.memory_space<hbm>> -> memref<80x64xi32, #tpu.memory_space<hbm>>
      tpu.wait_dma2 semaphore(%arg17 : memref<!tpu.dma_semaphore, #tpu.memory_space<semaphore_mem>>) src(%dma_wait3A_151 : memref<80x64xi32, #tpu.memory_space<hbm>>) dst(%arg12 : memref<80x64xi32, #tpu.memory_space<vmem>>)
      %add3A_152 = arith.constant 1 : i32
      %add3A_153 = arith.addi %add3A_125, %add3A_152 : i32
      %lt3A_154 = arith.constant 125 : i32
      %lt3A_155 = arith.cmpi slt, %add3A_153, %lt3A_154 : i32
      %convert_element_type3A_156 = arith.extui %lt3A_155 : i1 to i32
      %cond3A_157 = arith.constant 0 : i32
      %cond3A_158 = arith.cmpi ne, %convert_element_type3A_156, %cond3A_157 : i32
      scf.if %cond3A_158 {
        %dma_wait3A_176 = arith.constant 0 : i32
        %dma_wait3A_177 = arith.constant 0 : i32
        %dma_wait3A_178 = arith.constant 0 : i32
        %dma_wait3A_179 = tpu.memref_slice %arg4[%arg0, %arg1, %dma_wait3A_176, %dma_wait3A_177, %dma_wait3A_178] : memref<2x16x125x2x80xi32, #tpu.memory_space<hbm>> -> memref<1x1x1x2x80xi32, #tpu.memory_space<hbm>>
        %dma_wait3A_180 = tpu.memref_squeeze %dma_wait3A_179 : memref<1x1x1x2x80xi32, #tpu.memory_space<hbm>> -> memref<2x80xi32, #tpu.memory_space<hbm>>
        %dma_wait3A_181 = arith.constant 0 : i32
        %dma_wait3A_182 = arith.constant 0 : i32
        %dma_wait3A_183 = tpu.memref_slice %arg4[%arg0, %arg1, %dma_wait3A_176, %dma_wait3A_181, %dma_wait3A_182] : memref<2x16x125x2x80xi32, #tpu.memory_space<hbm>> -> memref<1x1x1x2x80xi32, #tpu.memory_space<hbm>>
        %dma_wait3A_184 = tpu.memref_squeeze %dma_wait3A_183 : memref<1x1x1x2x80xi32, #tpu.memory_space<hbm>> -> memref<2x80xi32, #tpu.memory_space<hbm>>
        tpu.wait_dma2 semaphore(%arg20 : memref<!tpu.dma_semaphore, #tpu.memory_space<semaphore_mem>>) src(%dma_wait3A_184 : memref<2x80xi32, #tpu.memory_space<hbm>>) dst(%arg7 : memref<2x80xi32, #tpu.memory_space<vmem>>)
        %dma_start3A_185 = arith.constant 0 : i32
        %dma_start3A_186 = arith.constant 0 : i32
        %dma_start3A_187 = tpu.memref_slice %arg7[%dma_start3A_185, %dma_start3A_186] : memref<2x80xi32, #tpu.memory_space<vmem>> -> memref<1x80xi32, #tpu.memory_space<vmem>>
        %dma_start3A_188 = tpu.memref_squeeze %dma_start3A_187 : memref<1x80xi32, #tpu.memory_space<vmem>> -> memref<80xi32, #tpu.memory_space<vmem>>
        %dma_start3A_189 = arith.constant 0 : i32
        %dma_start3A_190 = arith.constant 0 : i32
        %dma_start3A_191 = tpu.memref_slice %arg2[%dma_start3A_189, %dma_start3A_190] : memref<20000x128xf32, #tpu.memory_space<hbm>> -> memref<20000x128xf32, #tpu.memory_space<hbm>>
        tpu.enqueue_indirect_dma source(%dma_start3A_191 : memref<20000x128xf32, #tpu.memory_space<hbm>>) target(%arg9 : memref<80x128xf32, #tpu.memory_space<vmem>>) offsets(%dma_start3A_188 : memref<80xi32, #tpu.memory_space<vmem>>) semaphore(%arg14 : memref<!tpu.dma_semaphore, #tpu.memory_space<semaphore_mem>>)
        %add3A_192 = arith.constant 1 : i32
        %add3A_193 = arith.addi %add3A_125, %add3A_192 : i32
        %mul3A_194 = arith.constant 80 : i32
        %mul3A_195 = arith.muli %add3A_193, %mul3A_194 : i32
        %add3A_196 = arith.addi %add3A, %mul3A_195 : i32
        %dma_start3A_197 = arith.constant 0 : i32
        %dma_start3A_198 = tpu.memref_slice %arg3[%add3A_196, %dma_start3A_197] : memref<320000x64xi32, #tpu.memory_space<hbm>> -> memref<80x64xi32, #tpu.memory_space<hbm>>
        %dma_start3A_199 = arith.constant 0 : i32
        %dma_start3A_200 = tpu.memref_slice %arg3[%add3A_196, %dma_start3A_199] : memref<320000x64xi32, #tpu.memory_space<hbm>> -> memref<80x64xi32, #tpu.memory_space<hbm>>
        tpu.enqueue_dma source(%dma_start3A_200 : memref<80x64xi32, #tpu.memory_space<hbm>>) target(%arg11 : memref<80x64xi32, #tpu.memory_space<vmem>>) target_semaphore(%arg16 : memref<!tpu.dma_semaphore, #tpu.memory_space<semaphore_mem>>)
      } else {
      }
      %broadcast_in_dim3A_159 = arith.constant -65536 : i32
      %broadcast_in_dim3A_160 = vector.broadcast %broadcast_in_dim3A_159 : i32 to vector<16xi32>
      %scan3A_161 = arith.constant 0 : i32
      %scan3A_162 = arith.constant 0 : i32
      %scan3A_163 = arith.constant 80 : i32
      %scan3A_164 = arith.addi %scan3A_162, %scan3A_163 : i32
      %scan3A_165 = arith.constant 1 : i32
      %scan3A_166 = scf.for %scan3A_176 = %scan3A_162 to %scan3A_164 step %scan3A_165 iter_args(%scan3A_177 = %scan3A_161) -> (i32)  : i32 {
        %get3A = arith.index_cast %scan3A_176 : i32 to index
        %get3A_178 = arith.constant 0 : index
        %get3A_179 = tpu.vector_load %arg12[%get3A, %get3A_178] {strides = array<i32>} : memref<80x64xi32, #tpu.memory_space<vmem>>, vector<16xi32>,
        %shift_left3A = arith.constant 16 : i32
        %shift_left3A_180 = vector.broadcast %shift_left3A : i32 to vector<16xi32>
        %shift_left3A_181 = arith.shli %get3A_179, %shift_left3A_180 : vector<16xi32>
        %bitcast3A = vector.bitcast %shift_left3A_181 : vector<16xi32> to vector<16xf32>
        %and3A = arith.andi %get3A_179, %broadcast_in_dim3A_160 : vector<16xi32>
        %bitcast3A_182 = vector.bitcast %and3A : vector<16xi32> to vector<16xf32>
        %get3A_183 = arith.index_cast %scan3A_176 : i32 to index
        %get3A_184 = arith.constant 0 : index
        %get3A_185 = tpu.vector_load %arg10[%get3A_183, %get3A_184] {strides = array<i32>} : memref<80x128xf32, #tpu.memory_space<vmem>>, vector<16xf32>,
        %add3A_186 = arith.addf %get3A_185, %bitcast3A : vector<16xf32>
        %max3A = arith.constant 0.000000e+00 : f32
        %max3A_187 = vector.broadcast %max3A : f32 to vector<16xf32>
        %max3A_188 = arith.maximumf %add3A_186, %max3A_187 : vector<16xf32>
        %swap3A = arith.index_cast %scan3A_176 : i32 to index
        %swap3A_189 = arith.constant 0 : index
        %swap3A_190 = tpu.vector_load %arg10[%swap3A, %swap3A_189] {strides = array<i32>} : memref<80x128xf32, #tpu.memory_space<vmem>>, vector<16xf32>,
        tpu.vector_store %arg10[%swap3A, %swap3A_189], %max3A_188 {strides = array<i32>} : memref<80x128xf32, #tpu.memory_space<vmem>>, vector<16xf32>,
        %get3A_191 = arith.index_cast %scan3A_176 : i32 to index
        %get3A_192 = arith.constant 16 : index
        %get3A_193 = tpu.vector_load %arg10[%get3A_191, %get3A_192] {strides = array<i32>} : memref<80x128xf32, #tpu.memory_space<vmem>>, vector<16xf32>,
        %add3A_194 = arith.addf %get3A_193, %bitcast3A_182 : vector<16xf32>
        %max3A_195 = arith.constant 0.000000e+00 : f32
        %max3A_196 = vector.broadcast %max3A_195 : f32 to vector<16xf32>
        %max3A_197 = arith.maximumf %add3A_194, %max3A_196 : vector<16xf32>
        %swap3A_198 = arith.index_cast %scan3A_176 : i32 to index
        %swap3A_199 = arith.constant 16 : index
        %swap3A_200 = tpu.vector_load %arg10[%swap3A_198, %swap3A_199] {strides = array<i32>} : memref<80x128xf32, #tpu.memory_space<vmem>>, vector<16xf32>,
        tpu.vector_store %arg10[%swap3A_198, %swap3A_199], %max3A_197 {strides = array<i32>} : memref<80x128xf32, #tpu.memory_space<vmem>>, vector<16xf32>,
        %get3A_201 = arith.index_cast %scan3A_176 : i32 to index
        %get3A_202 = arith.constant 16 : index
        %get3A_203 = tpu.vector_load %arg12[%get3A_201, %get3A_202] {strides = array<i32>} : memref<80x64xi32, #tpu.memory_space<vmem>>, vector<16xi32>,
        %shift_left3A_204 = arith.constant 16 : i32
        %shift_left3A_205 = vector.broadcast %shift_left3A_204 : i32 to vector<16xi32>
        %shift_left3A_206 = arith.shli %get3A_203, %shift_left3A_205 : vector<16xi32>
        %bitcast3A_207 = vector.bitcast %shift_left3A_206 : vector<16xi32> to vector<16xf32>
        %and3A_208 = arith.andi %get3A_203, %broadcast_in_dim3A_160 : vector<16xi32>
        %bitcast3A_209 = vector.bitcast %and3A_208 : vector<16xi32> to vector<16xf32>
        %get3A_210 = arith.index_cast %scan3A_176 : i32 to index
        %get3A_211 = arith.constant 32 : index
        %get3A_212 = tpu.vector_load %arg10[%get3A_210, %get3A_211] {strides = array<i32>} : memref<80x128xf32, #tpu.memory_space<vmem>>, vector<16xf32>,
        %add3A_213 = arith.addf %get3A_212, %bitcast3A_207 : vector<16xf32>
        %max3A_214 = arith.constant 0.000000e+00 : f32
        %max3A_215 = vector.broadcast %max3A_214 : f32 to vector<16xf32>
        %max3A_216 = arith.maximumf %add3A_213, %max3A_215 : vector<16xf32>
        %swap3A_217 = arith.index_cast %scan3A_176 : i32 to index
        %swap3A_218 = arith.constant 32 : index
        %swap3A_219 = tpu.vector_load %arg10[%swap3A_217, %swap3A_218] {strides = array<i32>} : memref<80x128xf32, #tpu.memory_space<vmem>>, vector<16xf32>,
        tpu.vector_store %arg10[%swap3A_217, %swap3A_218], %max3A_216 {strides = array<i32>} : memref<80x128xf32, #tpu.memory_space<vmem>>, vector<16xf32>,
        %get3A_220 = arith.index_cast %scan3A_176 : i32 to index
        %get3A_221 = arith.constant 48 : index
        %get3A_222 = tpu.vector_load %arg10[%get3A_220, %get3A_221] {strides = array<i32>} : memref<80x128xf32, #tpu.memory_space<vmem>>, vector<16xf32>,
        %add3A_223 = arith.addf %get3A_222, %bitcast3A_209 : vector<16xf32>
        %max3A_224 = arith.constant 0.000000e+00 : f32
        %max3A_225 = vector.broadcast %max3A_224 : f32 to vector<16xf32>
        %max3A_226 = arith.maximumf %add3A_223, %max3A_225 : vector<16xf32>
        %swap3A_227 = arith.index_cast %scan3A_176 : i32 to index
        %swap3A_228 = arith.constant 48 : index
        %swap3A_229 = tpu.vector_load %arg10[%swap3A_227, %swap3A_228] {strides = array<i32>} : memref<80x128xf32, #tpu.memory_space<vmem>>, vector<16xf32>,
        tpu.vector_store %arg10[%swap3A_227, %swap3A_228], %max3A_226 {strides = array<i32>} : memref<80x128xf32, #tpu.memory_space<vmem>>, vector<16xf32>,
        %get3A_230 = arith.index_cast %scan3A_176 : i32 to index
        %get3A_231 = arith.constant 32 : index
        %get3A_232 = tpu.vector_load %arg12[%get3A_230, %get3A_231] {strides = array<i32>} : memref<80x64xi32, #tpu.memory_space<vmem>>, vector<16xi32>,
        %shift_left3A_233 = arith.constant 16 : i32
        %shift_left3A_234 = vector.broadcast %shift_left3A_233 : i32 to vector<16xi32>
        %shift_left3A_235 = arith.shli %get3A_232, %shift_left3A_234 : vector<16xi32>
        %bitcast3A_236 = vector.bitcast %shift_left3A_235 : vector<16xi32> to vector<16xf32>
        %and3A_237 = arith.andi %get3A_232, %broadcast_in_dim3A_160 : vector<16xi32>
        %bitcast3A_238 = vector.bitcast %and3A_237 : vector<16xi32> to vector<16xf32>
        %get3A_239 = arith.index_cast %scan3A_176 : i32 to index
        %get3A_240 = arith.constant 64 : index
        %get3A_241 = tpu.vector_load %arg10[%get3A_239, %get3A_240] {strides = array<i32>} : memref<80x128xf32, #tpu.memory_space<vmem>>, vector<16xf32>,
        %add3A_242 = arith.addf %get3A_241, %bitcast3A_236 : vector<16xf32>
        %max3A_243 = arith.constant 0.000000e+00 : f32
        %max3A_244 = vector.broadcast %max3A_243 : f32 to vector<16xf32>
        %max3A_245 = arith.maximumf %add3A_242, %max3A_244 : vector<16xf32>
        %swap3A_246 = arith.index_cast %scan3A_176 : i32 to index
        %swap3A_247 = arith.constant 64 : index
        %swap3A_248 = tpu.vector_load %arg10[%swap3A_246, %swap3A_247] {strides = array<i32>} : memref<80x128xf32, #tpu.memory_space<vmem>>, vector<16xf32>,
        tpu.vector_store %arg10[%swap3A_246, %swap3A_247], %max3A_245 {strides = array<i32>} : memref<80x128xf32, #tpu.memory_space<vmem>>, vector<16xf32>,
        %get3A_249 = arith.index_cast %scan3A_176 : i32 to index
        %get3A_250 = arith.constant 80 : index
        %get3A_251 = tpu.vector_load %arg10[%get3A_249, %get3A_250] {strides = array<i32>} : memref<80x128xf32, #tpu.memory_space<vmem>>, vector<16xf32>,
        %add3A_252 = arith.addf %get3A_251, %bitcast3A_238 : vector<16xf32>
        %max3A_253 = arith.constant 0.000000e+00 : f32
        %max3A_254 = vector.broadcast %max3A_253 : f32 to vector<16xf32>
        %max3A_255 = arith.maximumf %add3A_252, %max3A_254 : vector<16xf32>
        %swap3A_256 = arith.index_cast %scan3A_176 : i32 to index
        %swap3A_257 = arith.constant 80 : index
        %swap3A_258 = tpu.vector_load %arg10[%swap3A_256, %swap3A_257] {strides = array<i32>} : memref<80x128xf32, #tpu.memory_space<vmem>>, vector<16xf32>,
        tpu.vector_store %arg10[%swap3A_256, %swap3A_257], %max3A_255 {strides = array<i32>} : memref<80x128xf32, #tpu.memory_space<vmem>>, vector<16xf32>,
        %get3A_259 = arith.index_cast %scan3A_176 : i32 to index
        %get3A_260 = arith.constant 48 : index
        %get3A_261 = tpu.vector_load %arg12[%get3A_259, %get3A_260] {strides = array<i32>} : memref<80x64xi32, #tpu.memory_space<vmem>>, vector<16xi32>,
        %shift_left3A_262 = arith.constant 16 : i32
        %shift_left3A_263 = vector.broadcast %shift_left3A_262 : i32 to vector<16xi32>
        %shift_left3A_264 = arith.shli %get3A_261, %shift_left3A_263 : vector<16xi32>
        %bitcast3A_265 = vector.bitcast %shift_left3A_264 : vector<16xi32> to vector<16xf32>
        %and3A_266 = arith.andi %get3A_261, %broadcast_in_dim3A_160 : vector<16xi32>
        %bitcast3A_267 = vector.bitcast %and3A_266 : vector<16xi32> to vector<16xf32>
        %get3A_268 = arith.index_cast %scan3A_176 : i32 to index
        %get3A_269 = arith.constant 96 : index
        %get3A_270 = tpu.vector_load %arg10[%get3A_268, %get3A_269] {strides = array<i32>} : memref<80x128xf32, #tpu.memory_space<vmem>>, vector<16xf32>,
        %add3A_271 = arith.addf %get3A_270, %bitcast3A_265 : vector<16xf32>
        %max3A_272 = arith.constant 0.000000e+00 : f32
        %max3A_273 = vector.broadcast %max3A_272 : f32 to vector<16xf32>
        %max3A_274 = arith.maximumf %add3A_271, %max3A_273 : vector<16xf32>
        %swap3A_275 = arith.index_cast %scan3A_176 : i32 to index
        %swap3A_276 = arith.constant 96 : index
        %swap3A_277 = tpu.vector_load %arg10[%swap3A_275, %swap3A_276] {strides = array<i32>} : memref<80x128xf32, #tpu.memory_space<vmem>>, vector<16xf32>,
        tpu.vector_store %arg10[%swap3A_275, %swap3A_276], %max3A_274 {strides = array<i32>} : memref<80x128xf32, #tpu.memory_space<vmem>>, vector<16xf32>,
        %get3A_278 = arith.index_cast %scan3A_176 : i32 to index
        %get3A_279 = arith.constant 112 : index
        %get3A_280 = tpu.vector_load %arg10[%get3A_278, %get3A_279] {strides = array<i32>} : memref<80x128xf32, #tpu.memory_space<vmem>>, vector<16xf32>,
        %add3A_281 = arith.addf %get3A_280, %bitcast3A_267 : vector<16xf32>
        %max3A_282 = arith.constant 0.000000e+00 : f32
        %max3A_283 = vector.broadcast %max3A_282 : f32 to vector<16xf32>
        %max3A_284 = arith.maximumf %add3A_281, %max3A_283 : vector<16xf32>
        %swap3A_285 = arith.index_cast %scan3A_176 : i32 to index
        %swap3A_286 = arith.constant 112 : index
        %swap3A_287 = tpu.vector_load %arg10[%swap3A_285, %swap3A_286] {strides = array<i32>} : memref<80x128xf32, #tpu.memory_space<vmem>>, vector<16xf32>,
        tpu.vector_store %arg10[%swap3A_285, %swap3A_286], %max3A_284 {strides = array<i32>} : memref<80x128xf32, #tpu.memory_space<vmem>>, vector<16xf32>,
        %scan3A_288 = arith.constant 0 : i32
        scf.yield %scan3A_288 : i32
      }
      %scan3A_167 = arith.constant 80 : i32
      %dma_start3A_168 = arith.constant 1 : i32
      %dma_start3A_169 = arith.constant 0 : i32
      %dma_start3A_170 = tpu.memref_slice %arg8[%dma_start3A_168, %dma_start3A_169] : memref<2x80xi32, #tpu.memory_space<vmem>> -> memref<1x80xi32, #tpu.memory_space<vmem>>
      %dma_start3A_171 = tpu.memref_squeeze %dma_start3A_170 : memref<1x80xi32, #tpu.memory_space<vmem>> -> memref<80xi32, #tpu.memory_space<vmem>>
      %dma_start3A_172 = arith.constant 0 : i32
      %dma_start3A_173 = arith.constant 0 : i32
      %dma_start3A_174 = tpu.memref_slice %arg13[%dma_start3A_172, %dma_start3A_173] : memref<10000x128xf32, #tpu.memory_space<vmem_shared>> -> memref<10000x128xf32, #tpu.memory_space<vmem_shared>>
      tpu.enqueue_indirect_dma source(%arg10 : memref<80x128xf32, #tpu.memory_space<vmem>>) target(%dma_start3A_174 : memref<10000x128xf32, #tpu.memory_space<vmem_shared>>) offsets(%dma_start3A_171 : memref<80xi32, #tpu.memory_space<vmem>>) semaphore(%arg19 : memref<!tpu.dma_semaphore, #tpu.memory_space<semaphore_mem>>) {add = true}
      %scan3A_175 = arith.constant 0 : i32
      scf.yield %scan3A_175 : i32
    }
    %scan3A_22 = arith.constant 62 : i32
    %dma_wait3A = arith.constant 1 : i32
    %dma_wait3A_23 = arith.constant 0 : i32
    %dma_wait3A_24 = tpu.memref_slice %arg8[%dma_wait3A, %dma_wait3A_23] : memref<2x80xi32, #tpu.memory_space<vmem>> -> memref<1x80xi32, #tpu.memory_space<vmem>>
    %dma_wait3A_25 = tpu.memref_squeeze %dma_wait3A_24 : memref<1x80xi32, #tpu.memory_space<vmem>> -> memref<80xi32, #tpu.memory_space<vmem>>
    %dma_wait3A_26 = arith.constant 0 : i32
    %dma_wait3A_27 = arith.constant 0 : i32
    %dma_wait3A_28 = tpu.memref_slice %arg13[%dma_wait3A_26, %dma_wait3A_27] : memref<10000x128xf32, #tpu.memory_space<vmem_shared>> -> memref<10000x128xf32, #tpu.memory_space<vmem_shared>>
    tpu.wait_indirect_dma semaphore(%arg19 : memref<!tpu.dma_semaphore, #tpu.memory_space<semaphore_mem>>) src(%arg10 : memref<80x128xf32, #tpu.memory_space<vmem>>) dst(%dma_wait3A_28 : memref<10000x128xf32, #tpu.memory_space<vmem_shared>>)
    %dma_wait3A_29 = arith.constant 0 : i32
    %dma_wait3A_30 = arith.constant 0 : i32
    %dma_wait3A_31 = tpu.memref_slice %arg7[%dma_wait3A_29, %dma_wait3A_30] : memref<2x80xi32, #tpu.memory_space<vmem>> -> memref<1x80xi32, #tpu.memory_space<vmem>>
    %dma_wait3A_32 = tpu.memref_squeeze %dma_wait3A_31 : memref<1x80xi32, #tpu.memory_space<vmem>> -> memref<80xi32, #tpu.memory_space<vmem>>
    %dma_wait3A_33 = arith.constant 0 : i32
    %dma_wait3A_34 = arith.constant 0 : i32
    %dma_wait3A_35 = tpu.memref_slice %arg2[%dma_wait3A_33, %dma_wait3A_34] : memref<20000x128xf32, #tpu.memory_space<hbm>> -> memref<20000x128xf32, #tpu.memory_space<hbm>>
    tpu.wait_indirect_dma semaphore(%arg14 : memref<!tpu.dma_semaphore, #tpu.memory_space<semaphore_mem>>) src(%dma_wait3A_35 : memref<20000x128xf32, #tpu.memory_space<hbm>>) dst(%arg9 : memref<80x128xf32, #tpu.memory_space<vmem>>)
    %add3A_36 = arith.constant 9920 : i32
    %add3A_37 = arith.addi %add3A, %add3A_36 : i32
    %dma_wait3A_38 = arith.constant 0 : i32
    %dma_wait3A_39 = tpu.memref_slice %arg3[%add3A_37, %dma_wait3A_38] : memref<320000x64xi32, #tpu.memory_space<hbm>> -> memref<80x64xi32, #tpu.memory_space<hbm>>
    %dma_wait3A_40 = arith.constant 0 : i32
    %dma_wait3A_41 = tpu.memref_slice %arg3[%add3A_37, %dma_wait3A_40] : memref<320000x64xi32, #tpu.memory_space<hbm>> -> memref<80x64xi32, #tpu.memory_space<hbm>>
    tpu.wait_dma2 semaphore(%arg16 : memref<!tpu.dma_semaphore, #tpu.memory_space<semaphore_mem>>) src(%dma_wait3A_41 : memref<80x64xi32, #tpu.memory_space<hbm>>) dst(%arg11 : memref<80x64xi32, #tpu.memory_space<vmem>>)
    %broadcast_in_dim3A = arith.constant -65536 : i32
    %broadcast_in_dim3A_42 = vector.broadcast %broadcast_in_dim3A : i32 to vector<16xi32>
    %scan3A_43 = arith.constant 0 : i32
    %scan3A_44 = arith.constant 0 : i32
    %scan3A_45 = arith.constant 80 : i32
    %scan3A_46 = arith.addi %scan3A_44, %scan3A_45 : i32
    %scan3A_47 = arith.constant 1 : i32
    %scan3A_48 = scf.for %scan3A_70 = %scan3A_44 to %scan3A_46 step %scan3A_47 iter_args(%scan3A_71 = %scan3A_43) -> (i32)  : i32 {
      %get3A = arith.index_cast %scan3A_70 : i32 to index
      %get3A_72 = arith.constant 0 : index
      %get3A_73 = tpu.vector_load %arg11[%get3A, %get3A_72] {strides = array<i32>} : memref<80x64xi32, #tpu.memory_space<vmem>>, vector<16xi32>,
      %shift_left3A = arith.constant 16 : i32
      %shift_left3A_74 = vector.broadcast %shift_left3A : i32 to vector<16xi32>
      %shift_left3A_75 = arith.shli %get3A_73, %shift_left3A_74 : vector<16xi32>
      %bitcast3A = vector.bitcast %shift_left3A_75 : vector<16xi32> to vector<16xf32>
      %and3A = arith.andi %get3A_73, %broadcast_in_dim3A_42 : vector<16xi32>
      %bitcast3A_76 = vector.bitcast %and3A : vector<16xi32> to vector<16xf32>
      %get3A_77 = arith.index_cast %scan3A_70 : i32 to index
      %get3A_78 = arith.constant 0 : index
      %get3A_79 = tpu.vector_load %arg9[%get3A_77, %get3A_78] {strides = array<i32>} : memref<80x128xf32, #tpu.memory_space<vmem>>, vector<16xf32>,
      %add3A_80 = arith.addf %get3A_79, %bitcast3A : vector<16xf32>
      %max3A = arith.constant 0.000000e+00 : f32
      %max3A_81 = vector.broadcast %max3A : f32 to vector<16xf32>
      %max3A_82 = arith.maximumf %add3A_80, %max3A_81 : vector<16xf32>
      %swap3A = arith.index_cast %scan3A_70 : i32 to index
      %swap3A_83 = arith.constant 0 : index
      %swap3A_84 = tpu.vector_load %arg9[%swap3A, %swap3A_83] {strides = array<i32>} : memref<80x128xf32, #tpu.memory_space<vmem>>, vector<16xf32>,
      tpu.vector_store %arg9[%swap3A, %swap3A_83], %max3A_82 {strides = array<i32>} : memref<80x128xf32, #tpu.memory_space<vmem>>, vector<16xf32>,
      %get3A_85 = arith.index_cast %scan3A_70 : i32 to index
      %get3A_86 = arith.constant 16 : index
      %get3A_87 = tpu.vector_load %arg9[%get3A_85, %get3A_86] {strides = array<i32>} : memref<80x128xf32, #tpu.memory_space<vmem>>, vector<16xf32>,
      %add3A_88 = arith.addf %get3A_87, %bitcast3A_76 : vector<16xf32>
      %max3A_89 = arith.constant 0.000000e+00 : f32
      %max3A_90 = vector.broadcast %max3A_89 : f32 to vector<16xf32>
      %max3A_91 = arith.maximumf %add3A_88, %max3A_90 : vector<16xf32>
      %swap3A_92 = arith.index_cast %scan3A_70 : i32 to index
      %swap3A_93 = arith.constant 16 : index
      %swap3A_94 = tpu.vector_load %arg9[%swap3A_92, %swap3A_93] {strides = array<i32>} : memref<80x128xf32, #tpu.memory_space<vmem>>, vector<16xf32>,
      tpu.vector_store %arg9[%swap3A_92, %swap3A_93], %max3A_91 {strides = array<i32>} : memref<80x128xf32, #tpu.memory_space<vmem>>, vector<16xf32>,
      %get3A_95 = arith.index_cast %scan3A_70 : i32 to index
      %get3A_96 = arith.constant 16 : index
      %get3A_97 = tpu.vector_load %arg11[%get3A_95, %get3A_96] {strides = array<i32>} : memref<80x64xi32, #tpu.memory_space<vmem>>, vector<16xi32>,
      %shift_left3A_98 = arith.constant 16 : i32
      %shift_left3A_99 = vector.broadcast %shift_left3A_98 : i32 to vector<16xi32>
      %shift_left3A_100 = arith.shli %get3A_97, %shift_left3A_99 : vector<16xi32>
      %bitcast3A_101 = vector.bitcast %shift_left3A_100 : vector<16xi32> to vector<16xf32>
      %and3A_102 = arith.andi %get3A_97, %broadcast_in_dim3A_42 : vector<16xi32>
      %bitcast3A_103 = vector.bitcast %and3A_102 : vector<16xi32> to vector<16xf32>
      %get3A_104 = arith.index_cast %scan3A_70 : i32 to index
      %get3A_105 = arith.constant 32 : index
      %get3A_106 = tpu.vector_load %arg9[%get3A_104, %get3A_105] {strides = array<i32>} : memref<80x128xf32, #tpu.memory_space<vmem>>, vector<16xf32>,
      %add3A_107 = arith.addf %get3A_106, %bitcast3A_101 : vector<16xf32>
      %max3A_108 = arith.constant 0.000000e+00 : f32
      %max3A_109 = vector.broadcast %max3A_108 : f32 to vector<16xf32>
      %max3A_110 = arith.maximumf %add3A_107, %max3A_109 : vector<16xf32>
      %swap3A_111 = arith.index_cast %scan3A_70 : i32 to index
      %swap3A_112 = arith.constant 32 : index
      %swap3A_113 = tpu.vector_load %arg9[%swap3A_111, %swap3A_112] {strides = array<i32>} : memref<80x128xf32, #tpu.memory_space<vmem>>, vector<16xf32>,
      tpu.vector_store %arg9[%swap3A_111, %swap3A_112], %max3A_110 {strides = array<i32>} : memref<80x128xf32, #tpu.memory_space<vmem>>, vector<16xf32>,
      %get3A_114 = arith.index_cast %scan3A_70 : i32 to index
      %get3A_115 = arith.constant 48 : index
      %get3A_116 = tpu.vector_load %arg9[%get3A_114, %get3A_115] {strides = array<i32>} : memref<80x128xf32, #tpu.memory_space<vmem>>, vector<16xf32>,
      %add3A_117 = arith.addf %get3A_116, %bitcast3A_103 : vector<16xf32>
      %max3A_118 = arith.constant 0.000000e+00 : f32
      %max3A_119 = vector.broadcast %max3A_118 : f32 to vector<16xf32>
      %max3A_120 = arith.maximumf %add3A_117, %max3A_119 : vector<16xf32>
      %swap3A_121 = arith.index_cast %scan3A_70 : i32 to index
      %swap3A_122 = arith.constant 48 : index
      %swap3A_123 = tpu.vector_load %arg9[%swap3A_121, %swap3A_122] {strides = array<i32>} : memref<80x128xf32, #tpu.memory_space<vmem>>, vector<16xf32>,
      tpu.vector_store %arg9[%swap3A_121, %swap3A_122], %max3A_120 {strides = array<i32>} : memref<80x128xf32, #tpu.memory_space<vmem>>, vector<16xf32>,
      %get3A_124 = arith.index_cast %scan3A_70 : i32 to index
      %get3A_125 = arith.constant 32 : index
      %get3A_126 = tpu.vector_load %arg11[%get3A_124, %get3A_125] {strides = array<i32>} : memref<80x64xi32, #tpu.memory_space<vmem>>, vector<16xi32>,
      %shift_left3A_127 = arith.constant 16 : i32
      %shift_left3A_128 = vector.broadcast %shift_left3A_127 : i32 to vector<16xi32>
      %shift_left3A_129 = arith.shli %get3A_126, %shift_left3A_128 : vector<16xi32>
      %bitcast3A_130 = vector.bitcast %shift_left3A_129 : vector<16xi32> to vector<16xf32>
      %and3A_131 = arith.andi %get3A_126, %broadcast_in_dim3A_42 : vector<16xi32>
      %bitcast3A_132 = vector.bitcast %and3A_131 : vector<16xi32> to vector<16xf32>
      %get3A_133 = arith.index_cast %scan3A_70 : i32 to index
      %get3A_134 = arith.constant 64 : index
      %get3A_135 = tpu.vector_load %arg9[%get3A_133, %get3A_134] {strides = array<i32>} : memref<80x128xf32, #tpu.memory_space<vmem>>, vector<16xf32>,
      %add3A_136 = arith.addf %get3A_135, %bitcast3A_130 : vector<16xf32>
      %max3A_137 = arith.constant 0.000000e+00 : f32
      %max3A_138 = vector.broadcast %max3A_137 : f32 to vector<16xf32>
      %max3A_139 = arith.maximumf %add3A_136, %max3A_138 : vector<16xf32>
      %swap3A_140 = arith.index_cast %scan3A_70 : i32 to index
      %swap3A_141 = arith.constant 64 : index
      %swap3A_142 = tpu.vector_load %arg9[%swap3A_140, %swap3A_141] {strides = array<i32>} : memref<80x128xf32, #tpu.memory_space<vmem>>, vector<16xf32>,
      tpu.vector_store %arg9[%swap3A_140, %swap3A_141], %max3A_139 {strides = array<i32>} : memref<80x128xf32, #tpu.memory_space<vmem>>, vector<16xf32>,
      %get3A_143 = arith.index_cast %scan3A_70 : i32 to index
      %get3A_144 = arith.constant 80 : index
      %get3A_145 = tpu.vector_load %arg9[%get3A_143, %get3A_144] {strides = array<i32>} : memref<80x128xf32, #tpu.memory_space<vmem>>, vector<16xf32>,
      %add3A_146 = arith.addf %get3A_145, %bitcast3A_132 : vector<16xf32>
      %max3A_147 = arith.constant 0.000000e+00 : f32
      %max3A_148 = vector.broadcast %max3A_147 : f32 to vector<16xf32>
      %max3A_149 = arith.maximumf %add3A_146, %max3A_148 : vector<16xf32>
      %swap3A_150 = arith.index_cast %scan3A_70 : i32 to index
      %swap3A_151 = arith.constant 80 : index
      %swap3A_152 = tpu.vector_load %arg9[%swap3A_150, %swap3A_151] {strides = array<i32>} : memref<80x128xf32, #tpu.memory_space<vmem>>, vector<16xf32>,
      tpu.vector_store %arg9[%swap3A_150, %swap3A_151], %max3A_149 {strides = array<i32>} : memref<80x128xf32, #tpu.memory_space<vmem>>, vector<16xf32>,
      %get3A_153 = arith.index_cast %scan3A_70 : i32 to index
      %get3A_154 = arith.constant 48 : index
      %get3A_155 = tpu.vector_load %arg11[%get3A_153, %get3A_154] {strides = array<i32>} : memref<80x64xi32, #tpu.memory_space<vmem>>, vector<16xi32>,
      %shift_left3A_156 = arith.constant 16 : i32
      %shift_left3A_157 = vector.broadcast %shift_left3A_156 : i32 to vector<16xi32>
      %shift_left3A_158 = arith.shli %get3A_155, %shift_left3A_157 : vector<16xi32>
      %bitcast3A_159 = vector.bitcast %shift_left3A_158 : vector<16xi32> to vector<16xf32>
      %and3A_160 = arith.andi %get3A_155, %broadcast_in_dim3A_42 : vector<16xi32>
      %bitcast3A_161 = vector.bitcast %and3A_160 : vector<16xi32> to vector<16xf32>
      %get3A_162 = arith.index_cast %scan3A_70 : i32 to index
      %get3A_163 = arith.constant 96 : index
      %get3A_164 = tpu.vector_load %arg9[%get3A_162, %get3A_163] {strides = array<i32>} : memref<80x128xf32, #tpu.memory_space<vmem>>, vector<16xf32>,
      %add3A_165 = arith.addf %get3A_164, %bitcast3A_159 : vector<16xf32>
      %max3A_166 = arith.constant 0.000000e+00 : f32
      %max3A_167 = vector.broadcast %max3A_166 : f32 to vector<16xf32>
      %max3A_168 = arith.maximumf %add3A_165, %max3A_167 : vector<16xf32>
      %swap3A_169 = arith.index_cast %scan3A_70 : i32 to index
      %swap3A_170 = arith.constant 96 : index
      %swap3A_171 = tpu.vector_load %arg9[%swap3A_169, %swap3A_170] {strides = array<i32>} : memref<80x128xf32, #tpu.memory_space<vmem>>, vector<16xf32>,
      tpu.vector_store %arg9[%swap3A_169, %swap3A_170], %max3A_168 {strides = array<i32>} : memref<80x128xf32, #tpu.memory_space<vmem>>, vector<16xf32>,
      %get3A_172 = arith.index_cast %scan3A_70 : i32 to index
      %get3A_173 = arith.constant 112 : index
      %get3A_174 = tpu.vector_load %arg9[%get3A_172, %get3A_173] {strides = array<i32>} : memref<80x128xf32, #tpu.memory_space<vmem>>, vector<16xf32>,
      %add3A_175 = arith.addf %get3A_174, %bitcast3A_161 : vector<16xf32>
      %max3A_176 = arith.constant 0.000000e+00 : f32
      %max3A_177 = vector.broadcast %max3A_176 : f32 to vector<16xf32>
      %max3A_178 = arith.maximumf %add3A_175, %max3A_177 : vector<16xf32>
      %swap3A_179 = arith.index_cast %scan3A_70 : i32 to index
      %swap3A_180 = arith.constant 112 : index
      %swap3A_181 = tpu.vector_load %arg9[%swap3A_179, %swap3A_180] {strides = array<i32>} : memref<80x128xf32, #tpu.memory_space<vmem>>, vector<16xf32>,
      tpu.vector_store %arg9[%swap3A_179, %swap3A_180], %max3A_178 {strides = array<i32>} : memref<80x128xf32, #tpu.memory_space<vmem>>, vector<16xf32>,
      %scan3A_182 = arith.constant 0 : i32
      scf.yield %scan3A_182 : i32
    }
    %scan3A_49 = arith.constant 80 : i32
    %dma_start3A_50 = arith.constant 1 : i32
    %dma_start3A_51 = arith.constant 0 : i32
    %dma_start3A_52 = tpu.memref_slice %arg7[%dma_start3A_50, %dma_start3A_51] : memref<2x80xi32, #tpu.memory_space<vmem>> -> memref<1x80xi32, #tpu.memory_space<vmem>>
    %dma_start3A_53 = tpu.memref_squeeze %dma_start3A_52 : memref<1x80xi32, #tpu.memory_space<vmem>> -> memref<80xi32, #tpu.memory_space<vmem>>
    %dma_start3A_54 = arith.constant 0 : i32
    %dma_start3A_55 = arith.constant 0 : i32
    %dma_start3A_56 = tpu.memref_slice %arg13[%dma_start3A_54, %dma_start3A_55] : memref<10000x128xf32, #tpu.memory_space<vmem_shared>> -> memref<10000x128xf32, #tpu.memory_space<vmem_shared>>
    tpu.enqueue_indirect_dma source(%arg9 : memref<80x128xf32, #tpu.memory_space<vmem>>) target(%dma_start3A_56 : memref<10000x128xf32, #tpu.memory_space<vmem_shared>>) offsets(%dma_start3A_53 : memref<80xi32, #tpu.memory_space<vmem>>) semaphore(%arg18 : memref<!tpu.dma_semaphore, #tpu.memory_space<semaphore_mem>>) {add = true}
    %dma_wait3A_57 = arith.constant 1 : i32
    %dma_wait3A_58 = arith.constant 0 : i32
    %dma_wait3A_59 = tpu.memref_slice %arg7[%dma_wait3A_57, %dma_wait3A_58] : memref<2x80xi32, #tpu.memory_space<vmem>> -> memref<1x80xi32, #tpu.memory_space<vmem>>
    %dma_wait3A_60 = tpu.memref_squeeze %dma_wait3A_59 : memref<1x80xi32, #tpu.memory_space<vmem>> -> memref<80xi32, #tpu.memory_space<vmem>>
    %dma_wait3A_61 = arith.constant 0 : i32
    %dma_wait3A_62 = arith.constant 0 : i32
    %dma_wait3A_63 = tpu.memref_slice %arg13[%dma_wait3A_61, %dma_wait3A_62] : memref<10000x128xf32, #tpu.memory_space<vmem_shared>> -> memref<10000x128xf32, #tpu.memory_space<vmem_shared>>
    tpu.wait_indirect_dma semaphore(%arg18 : memref<!tpu.dma_semaphore, #tpu.memory_space<semaphore_mem>>) src(%arg9 : memref<80x128xf32, #tpu.memory_space<vmem>>) dst(%dma_wait3A_63 : memref<10000x128xf32, #tpu.memory_space<vmem_shared>>)
    %barrier3A_64 = arith.constant 0 : index
    tpu.barrier barrier_id(%barrier3A_64)
    %lt3A_65 = arith.constant 10 : i32
    %lt3A_66 = arith.cmpi slt, %arg1, %lt3A_65 : i32
    %convert_element_type3A_67 = arith.extui %lt3A_66 : i1 to i32
    %cond3A_68 = arith.constant 0 : i32
    %cond3A_69 = arith.cmpi ne, %convert_element_type3A_67, %cond3A_68 : i32
    scf.if %cond3A_69 {
      %mul3A_70 = arith.constant 1000 : i32
      %mul3A_71 = arith.muli %arg1, %mul3A_70 : i32
      %mul3A_72 = arith.constant 1000 : i32
      %mul3A_73 = arith.muli %arg1, %mul3A_72 : i32
      "tpu.region"() ({
        %run_scoped3A_74 = tpu.sem_alloc : memref<!tpu.dma_semaphore, #tpu.memory_space<semaphore_mem>>
        %dma_start3A_75 = arith.constant 0 : i32
        %dma_start3A_76 = tpu.memref_slice %arg6[%arg0, %mul3A_73, %dma_start3A_75] : memref<2x10000x128xf32, #tpu.memory_space<hbm>> -> memref<1x1000x128xf32, #tpu.memory_space<hbm>>
        %dma_start3A_77 = tpu.memref_squeeze %dma_start3A_76 : memref<1x1000x128xf32, #tpu.memory_space<hbm>> -> memref<1000x128xf32, #tpu.memory_space<hbm>>
        %dma_start3A_78 = arith.constant 0 : i32
        %dma_start3A_79 = tpu.memref_slice %arg13[%mul3A_71, %dma_start3A_78] : memref<10000x128xf32, #tpu.memory_space<vmem_shared>> -> memref<1000x128xf32, #tpu.memory_space<vmem_shared>>
        tpu.enqueue_dma source(%dma_start3A_79 : memref<1000x128xf32, #tpu.memory_space<vmem_shared>>) target(%dma_start3A_77 : memref<1000x128xf32, #tpu.memory_space<hbm>>) target_semaphore(%run_scoped3A_74 : memref<!tpu.dma_semaphore, #tpu.memory_space<semaphore_mem>>)
        %dma_wait3A_80 = arith.constant 0 : i32
        %dma_wait3A_81 = tpu.memref_slice %arg6[%arg0, %mul3A_73, %dma_wait3A_80] : memref<2x10000x128xf32, #tpu.memory_space<hbm>> -> memref<1x1000x128xf32, #tpu.memory_space<hbm>>
        %dma_wait3A_82 = tpu.memref_squeeze %dma_wait3A_81 : memref<1x1000x128xf32, #tpu.memory_space<hbm>> -> memref<1000x128xf32, #tpu.memory_space<hbm>>
        %dma_wait3A_83 = arith.constant 0 : i32
        %dma_wait3A_84 = tpu.memref_slice %arg13[%mul3A_71, %dma_wait3A_83] : memref<10000x128xf32, #tpu.memory_space<vmem_shared>> -> memref<1000x128xf32, #tpu.memory_space<vmem_shared>>
        tpu.wait_dma2 semaphore(%run_scoped3A_74 : memref<!tpu.dma_semaphore, #tpu.memory_space<semaphore_mem>>) src(%dma_wait3A_84 : memref<1000x128xf32, #tpu.memory_space<vmem_shared>>) dst(%dma_wait3A_82 : memref<1000x128xf32, #tpu.memory_space<hbm>>)
        tpu.yield
      }) : () -> ()
    } else {
    }
    return
  }
}

module attributes {stable_mosaic.version = 14 : i64} {
  func.func @_elin_body(%arg0: i32, %arg1: i32, %arg2: memref<4000x16xf32, #tpu.memory_space<vmem>>, %arg3: memref<16x128xf32, #tpu.memory_space<vmem>>, %arg4: memref<16x128xf32, #tpu.memory_space<vmem>>, %arg5: memref<2x128xf32, #tpu.memory_space<vmem>>, %arg6: memref<2x128xf32, #tpu.memory_space<vmem>>, %arg7: memref<1x4000x64xi32, #tpu.memory_space<vmem>>, %arg8: memref<1x4000x64xi32, #tpu.memory_space<vmem>>) attributes {dimension_semantics = [#tpu.dimension_semantics<arbitrary>, #tpu.dimension_semantics<arbitrary>], iteration_bounds = array<i64: 2, 40>, scalar_prefetch = 0 : i64, scratch_operands = 0 : i64, tpu.core_type = #tpu.core_type<tc>, window_params = [{transform_indices = @transform_0, window_bounds = array<i64: 4000, 16>}, {transform_indices = @transform_1, window_bounds = array<i64: 16, 128>}, {transform_indices = @transform_2, window_bounds = array<i64: 16, 128>}, {pipeline_mode = #tpu.pipeline_mode<synchronous>, transform_indices = @transform_3, window_bounds = array<i64: 2, 128>}, {pipeline_mode = #tpu.pipeline_mode<synchronous>, transform_indices = @transform_4, window_bounds = array<i64: 2, 128>}, {transform_indices = @transform_5, window_bounds = array<i64: 1, 4000, 64>}, {transform_indices = @transform_6, window_bounds = array<i64: 1, 4000, 64>}]} {
    %get3A = arith.constant 0 : index
    %get3A_0 = arith.constant 0 : index
    %get3A_1 = vector.load %arg2[%get3A, %get3A_0] : memref<4000x16xf32, #tpu.memory_space<vmem>>, vector<4000x16xf32>
    %convert_element_type3A = arith.truncf %get3A_1 : vector<4000x16xf32> to vector<4000x16xbf16>
    %get3A_2 = arith.constant 0 : index
    %get3A_3 = arith.constant 0 : index
    %get3A_4 = vector.load %arg3[%get3A_2, %get3A_3] : memref<16x128xf32, #tpu.memory_space<vmem>>, vector<16x128xf32>
    %convert_element_type3A_5 = arith.truncf %get3A_4 : vector<16x128xf32> to vector<16x128xbf16>
    %dot_general3A = arith.constant dense<0.000000e+00> : vector<4000x128xf32>
    %dot_general3A_6 = tpu.matmul %convert_element_type3A, %convert_element_type3A_5, %dot_general3A {dimension_numbers = #tpu.dot_dimension_numbers<[1], [0], [0], [1], [0, 0, 1, 1], [], []>, transpose_lhs_hint = false} : vector<4000x16xbf16>, vector<16x128xbf16>, vector<4000x128xf32> -> vector<4000x128xf32>
    %get3A_7 = arith.index_cast %arg0 : i32 to index
    %get3A_8 = arith.constant 0 : index
    %get3A_9 = vector.load %arg5[%get3A_7, %get3A_8] : memref<2x128xf32, #tpu.memory_space<vmem>>, vector<1x128xf32>
    %add3A = vector.broadcast %get3A_9 : vector<1x128xf32> to vector<4000x128xf32>
    %add3A_10 = arith.addf %dot_general3A_6, %add3A : vector<4000x128xf32>
    %slice3A = vector.extract_strided_slice %add3A_10 {offsets = [0, 0], sizes = [4000, 64], strides = [1, 1]} : vector<4000x128xf32> to vector<4000x64xf32>
    %bitcast_convert_type3A = tpu.bitcast %slice3A : vector<4000x64xf32> -> vector<4000x64xi32>
    %shift_right_logical3A = arith.constant 16 : i32
    %shift_right_logical3A_11 = vector.broadcast %shift_right_logical3A : i32 to vector<4000x64xi32>
    %shift_right_logical3A_12 = arith.shrui %bitcast_convert_type3A, %shift_right_logical3A_11 : vector<4000x64xi32>
    %and3A = arith.constant 1 : i32
    %and3A_13 = vector.broadcast %and3A : i32 to vector<4000x64xi32>
    %and3A_14 = arith.andi %shift_right_logical3A_12, %and3A_13 : vector<4000x64xi32>
    %add3A_15 = arith.constant 32767 : i32
    %add3A_16 = vector.broadcast %add3A_15 : i32 to vector<4000x64xi32>
    %add3A_17 = arith.addi %bitcast_convert_type3A, %add3A_16 : vector<4000x64xi32>
    %add3A_18 = arith.addi %add3A_17, %and3A_14 : vector<4000x64xi32>
    %and3A_19 = arith.constant -65536 : i32
    %and3A_20 = vector.broadcast %and3A_19 : i32 to vector<4000x64xi32>
    %and3A_21 = arith.andi %add3A_18, %and3A_20 : vector<4000x64xi32>
    %slice3A_22 = vector.extract_strided_slice %add3A_10 {offsets = [0, 64], sizes = [4000, 64], strides = [1, 1]} : vector<4000x128xf32> to vector<4000x64xf32>
    %bitcast_convert_type3A_23 = tpu.bitcast %slice3A_22 : vector<4000x64xf32> -> vector<4000x64xi32>
    %shift_right_logical3A_24 = arith.constant 16 : i32
    %shift_right_logical3A_25 = vector.broadcast %shift_right_logical3A_24 : i32 to vector<4000x64xi32>
    %shift_right_logical3A_26 = arith.shrui %bitcast_convert_type3A_23, %shift_right_logical3A_25 : vector<4000x64xi32>
    %and3A_27 = arith.constant 1 : i32
    %and3A_28 = vector.broadcast %and3A_27 : i32 to vector<4000x64xi32>
    %and3A_29 = arith.andi %shift_right_logical3A_26, %and3A_28 : vector<4000x64xi32>
    %add3A_30 = arith.constant 32767 : i32
    %add3A_31 = vector.broadcast %add3A_30 : i32 to vector<4000x64xi32>
    %add3A_32 = arith.addi %bitcast_convert_type3A_23, %add3A_31 : vector<4000x64xi32>
    %add3A_33 = arith.addi %add3A_32, %and3A_29 : vector<4000x64xi32>
    %and3A_34 = arith.constant -65536 : i32
    %and3A_35 = vector.broadcast %and3A_34 : i32 to vector<4000x64xi32>
    %and3A_36 = arith.andi %add3A_33, %and3A_35 : vector<4000x64xi32>
    %shift_right_logical3A_37 = arith.constant 16 : i32
    %shift_right_logical3A_38 = vector.broadcast %shift_right_logical3A_37 : i32 to vector<4000x64xi32>
    %shift_right_logical3A_39 = arith.shrui %and3A_21, %shift_right_logical3A_38 : vector<4000x64xi32>
    %or3A = arith.ori %shift_right_logical3A_39, %and3A_36 : vector<4000x64xi32>
    %swap3A = arith.constant 0 : index
    %swap3A_40 = arith.constant 0 : index
    %swap3A_41 = arith.constant 0 : index
    %swap3A_42 = vector.load %arg7[%swap3A, %swap3A_40, %swap3A_41] : memref<1x4000x64xi32, #tpu.memory_space<vmem>>, vector<1x4000x64xi32>
    %swap3A_43 = vector.shape_cast %swap3A_42 : vector<1x4000x64xi32> to vector<4000x64xi32>
    %swap3A_44 = vector.shape_cast %or3A : vector<4000x64xi32> to vector<1x4000x64xi32>
    tpu.vector_store %arg7[%swap3A, %swap3A_40, %swap3A_41], %swap3A_44 {strides = array<i32>} : memref<1x4000x64xi32, #tpu.memory_space<vmem>>, vector<1x4000x64xi32>,
    %get3A_45 = arith.constant 0 : index
    %get3A_46 = arith.constant 0 : index
    %get3A_47 = vector.load %arg4[%get3A_45, %get3A_46] : memref<16x128xf32, #tpu.memory_space<vmem>>, vector<16x128xf32>
    %convert_element_type3A_48 = arith.truncf %get3A_47 : vector<16x128xf32> to vector<16x128xbf16>
    %dot_general3A_49 = arith.constant dense<0.000000e+00> : vector<4000x128xf32>
    %dot_general3A_50 = tpu.matmul %convert_element_type3A, %convert_element_type3A_48, %dot_general3A_49 {dimension_numbers = #tpu.dot_dimension_numbers<[1], [0], [0], [1], [0, 0, 1, 1], [], []>, transpose_lhs_hint = false} : vector<4000x16xbf16>, vector<16x128xbf16>, vector<4000x128xf32> -> vector<4000x128xf32>
    %get3A_51 = arith.index_cast %arg0 : i32 to index
    %get3A_52 = arith.constant 0 : index
    %get3A_53 = vector.load %arg6[%get3A_51, %get3A_52] : memref<2x128xf32, #tpu.memory_space<vmem>>, vector<1x128xf32>
    %add3A_54 = vector.broadcast %get3A_53 : vector<1x128xf32> to vector<4000x128xf32>
    %add3A_55 = arith.addf %dot_general3A_50, %add3A_54 : vector<4000x128xf32>
    %slice3A_56 = vector.extract_strided_slice %add3A_55 {offsets = [0, 0], sizes = [4000, 64], strides = [1, 1]} : vector<4000x128xf32> to vector<4000x64xf32>
    %bitcast_convert_type3A_57 = tpu.bitcast %slice3A_56 : vector<4000x64xf32> -> vector<4000x64xi32>
    %shift_right_logical3A_58 = arith.constant 16 : i32
    %shift_right_logical3A_59 = vector.broadcast %shift_right_logical3A_58 : i32 to vector<4000x64xi32>
    %shift_right_logical3A_60 = arith.shrui %bitcast_convert_type3A_57, %shift_right_logical3A_59 : vector<4000x64xi32>
    %and3A_61 = arith.constant 1 : i32
    %and3A_62 = vector.broadcast %and3A_61 : i32 to vector<4000x64xi32>
    %and3A_63 = arith.andi %shift_right_logical3A_60, %and3A_62 : vector<4000x64xi32>
    %add3A_64 = arith.constant 32767 : i32
    %add3A_65 = vector.broadcast %add3A_64 : i32 to vector<4000x64xi32>
    %add3A_66 = arith.addi %bitcast_convert_type3A_57, %add3A_65 : vector<4000x64xi32>
    %add3A_67 = arith.addi %add3A_66, %and3A_63 : vector<4000x64xi32>
    %and3A_68 = arith.constant -65536 : i32
    %and3A_69 = vector.broadcast %and3A_68 : i32 to vector<4000x64xi32>
    %and3A_70 = arith.andi %add3A_67, %and3A_69 : vector<4000x64xi32>
    %slice3A_71 = vector.extract_strided_slice %add3A_55 {offsets = [0, 64], sizes = [4000, 64], strides = [1, 1]} : vector<4000x128xf32> to vector<4000x64xf32>
    %bitcast_convert_type3A_72 = tpu.bitcast %slice3A_71 : vector<4000x64xf32> -> vector<4000x64xi32>
    %shift_right_logical3A_73 = arith.constant 16 : i32
    %shift_right_logical3A_74 = vector.broadcast %shift_right_logical3A_73 : i32 to vector<4000x64xi32>
    %shift_right_logical3A_75 = arith.shrui %bitcast_convert_type3A_72, %shift_right_logical3A_74 : vector<4000x64xi32>
    %and3A_76 = arith.constant 1 : i32
    %and3A_77 = vector.broadcast %and3A_76 : i32 to vector<4000x64xi32>
    %and3A_78 = arith.andi %shift_right_logical3A_75, %and3A_77 : vector<4000x64xi32>
    %add3A_79 = arith.constant 32767 : i32
    %add3A_80 = vector.broadcast %add3A_79 : i32 to vector<4000x64xi32>
    %add3A_81 = arith.addi %bitcast_convert_type3A_72, %add3A_80 : vector<4000x64xi32>
    %add3A_82 = arith.addi %add3A_81, %and3A_78 : vector<4000x64xi32>
    %and3A_83 = arith.constant -65536 : i32
    %and3A_84 = vector.broadcast %and3A_83 : i32 to vector<4000x64xi32>
    %and3A_85 = arith.andi %add3A_82, %and3A_84 : vector<4000x64xi32>
    %shift_right_logical3A_86 = arith.constant 16 : i32
    %shift_right_logical3A_87 = vector.broadcast %shift_right_logical3A_86 : i32 to vector<4000x64xi32>
    %shift_right_logical3A_88 = arith.shrui %and3A_70, %shift_right_logical3A_87 : vector<4000x64xi32>
    %or3A_89 = arith.ori %shift_right_logical3A_88, %and3A_85 : vector<4000x64xi32>
    %swap3A_90 = arith.constant 0 : index
    %swap3A_91 = arith.constant 0 : index
    %swap3A_92 = arith.constant 0 : index
    %swap3A_93 = vector.load %arg8[%swap3A_90, %swap3A_91, %swap3A_92] : memref<1x4000x64xi32, #tpu.memory_space<vmem>>, vector<1x4000x64xi32>
    %swap3A_94 = vector.shape_cast %swap3A_93 : vector<1x4000x64xi32> to vector<4000x64xi32>
    %swap3A_95 = vector.shape_cast %or3A_89 : vector<4000x64xi32> to vector<1x4000x64xi32>
    tpu.vector_store %arg8[%swap3A_90, %swap3A_91, %swap3A_92], %swap3A_95 {strides = array<i32>} : memref<1x4000x64xi32, #tpu.memory_space<vmem>>, vector<1x4000x64xi32>,
    return
  }
  func.func @transform_0(%arg0: i32, %arg1: i32) -> (i32, i32) {
    %c0_i32 = arith.constant 0 : i32
    %c0_i32_0 = arith.constant 0 : i32
    return %arg1, %c0_i32 : i32, i32
  }
  func.func @transform_1(%arg0: i32, %arg1: i32) -> (i32, i32) {
    %c0_i32 = arith.constant 0 : i32
    %c0_i32_0 = arith.constant 0 : i32
    return %arg0, %c0_i32 : i32, i32
  }
  func.func @transform_2(%arg0: i32, %arg1: i32) -> (i32, i32) {
    %c0_i32 = arith.constant 0 : i32
    %c0_i32_0 = arith.constant 0 : i32
    return %arg0, %c0_i32 : i32, i32
  }
  func.func @transform_3(%arg0: i32, %arg1: i32) -> (i32, i32) {
    %c0_i32 = arith.constant 0 : i32
    %c0_i32_0 = arith.constant 0 : i32
    %c0_i32_1 = arith.constant 0 : i32
    return %c0_i32, %c0_i32_0 : i32, i32
  }
  func.func @transform_4(%arg0: i32, %arg1: i32) -> (i32, i32) {
    %c0_i32 = arith.constant 0 : i32
    %c0_i32_0 = arith.constant 0 : i32
    %c0_i32_1 = arith.constant 0 : i32
    return %c0_i32, %c0_i32_0 : i32, i32
  }
  func.func @transform_5(%arg0: i32, %arg1: i32) -> (i32, i32, i32) {
    %c0_i32 = arith.constant 0 : i32
    %c0_i32_0 = arith.constant 0 : i32
    return %arg0, %arg1, %c0_i32 : i32, i32, i32
  }
  func.func @transform_6(%arg0: i32, %arg1: i32) -> (i32, i32, i32) {
    %c0_i32 = arith.constant 0 : i32
    %c0_i32_0 = arith.constant 0 : i32
    return %arg0, %arg1, %c0_i32 : i32, i32, i32
  }
}

module attributes {stable_mosaic.version = 14 : i64} {
  func.func @_stageb1_body(%arg0: i32, %arg1: memref<1000x256xf32, #tpu.memory_space<vmem>>, %arg2: memref<2x1000x128xf32, #tpu.memory_space<vmem>>, %arg3: memref<256x256xf32, #tpu.memory_space<vmem>>, %arg4: memref<1x256xf32, #tpu.memory_space<vmem>>, %arg5: memref<256x256xf32, #tpu.memory_space<vmem>>, %arg6: memref<1x256xf32, #tpu.memory_space<vmem>>, %arg7: memref<256x256xf32, #tpu.memory_space<vmem>>, %arg8: memref<1x256xf32, #tpu.memory_space<vmem>>, %arg9: memref<1x256xf32, #tpu.memory_space<vmem>>, %arg10: memref<1x256xf32, #tpu.memory_space<vmem>>, %arg11: memref<1000x256xf32, #tpu.memory_space<vmem>>, %arg12: memref<2x1000x128xf32, #tpu.memory_space<vmem>>) attributes {dimension_semantics = [#tpu.dimension_semantics<arbitrary>], iteration_bounds = array<i64: 10>, scalar_prefetch = 0 : i64, scratch_operands = 0 : i64, tpu.core_type = #tpu.core_type<tc>, window_params = [{transform_indices = @transform_0, window_bounds = array<i64: 1000, 256>}, {transform_indices = @transform_1, window_bounds = array<i64: 2, 1000, 128>}, {pipeline_mode = #tpu.pipeline_mode<synchronous>, transform_indices = @transform_2, window_bounds = array<i64: 256, 256>}, {pipeline_mode = #tpu.pipeline_mode<synchronous>, transform_indices = @transform_3, window_bounds = array<i64: 1, 256>}, {pipeline_mode = #tpu.pipeline_mode<synchronous>, transform_indices = @transform_4, window_bounds = array<i64: 256, 256>}, {pipeline_mode = #tpu.pipeline_mode<synchronous>, transform_indices = @transform_5, window_bounds = array<i64: 1, 256>}, {pipeline_mode = #tpu.pipeline_mode<synchronous>, transform_indices = @transform_6, window_bounds = array<i64: 256, 256>}, {pipeline_mode = #tpu.pipeline_mode<synchronous>, transform_indices = @transform_7, window_bounds = array<i64: 1, 256>}, {pipeline_mode = #tpu.pipeline_mode<synchronous>, transform_indices = @transform_8, window_bounds = array<i64: 1, 256>}, {pipeline_mode = #tpu.pipeline_mode<synchronous>, transform_indices = @transform_9, window_bounds = array<i64: 1, 256>}, {transform_indices = @transform_10, window_bounds = array<i64: 1000, 256>}, {transform_indices = @transform_11, window_bounds = array<i64: 2, 1000, 128>}]} {
    %get3A = arith.constant 0 : index
    %get3A_0 = arith.constant 0 : index
    %get3A_1 = arith.constant 0 : index
    %get3A_2 = vector.load %arg2[%get3A, %get3A_0, %get3A_1] : memref<2x1000x128xf32, #tpu.memory_space<vmem>>, vector<1x1000x128xf32>
    %get3A_3 = vector.shape_cast %get3A_2 : vector<1x1000x128xf32> to vector<1000x128xf32>
    %get3A_4 = arith.constant 1 : index
    %get3A_5 = arith.constant 0 : index
    %get3A_6 = arith.constant 0 : index
    %get3A_7 = vector.load %arg2[%get3A_4, %get3A_5, %get3A_6] : memref<2x1000x128xf32, #tpu.memory_space<vmem>>, vector<1x1000x128xf32>
    %get3A_8 = vector.shape_cast %get3A_7 : vector<1x1000x128xf32> to vector<1000x128xf32>
    %concatenate3A = tpu.concatenate %get3A_3, %get3A_8 in 1 : vector<1000x128xf32>, vector<1000x128xf32> -> vector<1000x256xf32>
    %get3A_9 = arith.constant 0 : index
    %get3A_10 = arith.constant 0 : index
    %get3A_11 = vector.load %arg1[%get3A_9, %get3A_10] : memref<1000x256xf32, #tpu.memory_space<vmem>>, vector<1000x256xf32>
    %add3A = arith.addf %get3A_11, %concatenate3A : vector<1000x256xf32>
    %get3A_12 = arith.constant 0 : index
    %get3A_13 = arith.constant 0 : index
    %get3A_14 = vector.load %arg3[%get3A_12, %get3A_13] : memref<256x256xf32, #tpu.memory_space<vmem>>, vector<256x256xf32>
    %dot_general3A = arith.constant dense<0.000000e+00> : vector<1000x256xf32>
    %dot_general3A_15 = tpu.matmul %add3A, %get3A_14, %dot_general3A {dimension_numbers = #tpu.dot_dimension_numbers<[1], [0], [0], [1], [0, 0, 1, 1], [], []>, transpose_lhs_hint = false} : vector<1000x256xf32>, vector<256x256xf32>, vector<1000x256xf32> -> vector<1000x256xf32>
    %get3A_16 = arith.constant 0 : index
    %get3A_17 = arith.constant 0 : index
    %get3A_18 = vector.load %arg4[%get3A_16, %get3A_17] : memref<1x256xf32, #tpu.memory_space<vmem>>, vector<1x256xf32>
    %add3A_19 = vector.broadcast %get3A_18 : vector<1x256xf32> to vector<1000x256xf32>
    %add3A_20 = arith.addf %dot_general3A_15, %add3A_19 : vector<1000x256xf32>
    %max3A = arith.constant 0.000000e+00 : f32
    %max3A_21 = vector.broadcast %max3A : f32 to vector<1000x256xf32>
    %max3A_22 = arith.maximumf %add3A_20, %max3A_21 : vector<1000x256xf32>
    %get3A_23 = arith.constant 0 : index
    %get3A_24 = arith.constant 0 : index
    %get3A_25 = vector.load %arg5[%get3A_23, %get3A_24] : memref<256x256xf32, #tpu.memory_space<vmem>>, vector<256x256xf32>
    %dot_general3A_26 = arith.constant dense<0.000000e+00> : vector<1000x256xf32>
    %dot_general3A_27 = tpu.matmul %max3A_22, %get3A_25, %dot_general3A_26 {dimension_numbers = #tpu.dot_dimension_numbers<[1], [0], [0], [1], [0, 0, 1, 1], [], []>, transpose_lhs_hint = false} : vector<1000x256xf32>, vector<256x256xf32>, vector<1000x256xf32> -> vector<1000x256xf32>
    %get3A_28 = arith.constant 0 : index
    %get3A_29 = arith.constant 0 : index
    %get3A_30 = vector.load %arg6[%get3A_28, %get3A_29] : memref<1x256xf32, #tpu.memory_space<vmem>>, vector<1x256xf32>
    %add3A_31 = vector.broadcast %get3A_30 : vector<1x256xf32> to vector<1000x256xf32>
    %add3A_32 = arith.addf %dot_general3A_27, %add3A_31 : vector<1000x256xf32>
    %max3A_33 = arith.constant 0.000000e+00 : f32
    %max3A_34 = vector.broadcast %max3A_33 : f32 to vector<1000x256xf32>
    %max3A_35 = arith.maximumf %add3A_32, %max3A_34 : vector<1000x256xf32>
    %get3A_36 = arith.constant 0 : index
    %get3A_37 = arith.constant 0 : index
    %get3A_38 = vector.load %arg9[%get3A_36, %get3A_37] : memref<1x256xf32, #tpu.memory_space<vmem>>, vector<1x256xf32>
    %mul3A = vector.broadcast %get3A_38 : vector<1x256xf32> to vector<1000x256xf32>
    %mul3A_39 = arith.mulf %max3A_35, %mul3A : vector<1000x256xf32>
    %get3A_40 = arith.constant 0 : index
    %get3A_41 = arith.constant 0 : index
    %get3A_42 = vector.load %arg10[%get3A_40, %get3A_41] : memref<1x256xf32, #tpu.memory_space<vmem>>, vector<1x256xf32>
    %add3A_43 = vector.broadcast %get3A_42 : vector<1x256xf32> to vector<1000x256xf32>
    %add3A_44 = arith.addf %mul3A_39, %add3A_43 : vector<1000x256xf32>
    %get3A_45 = arith.constant 0 : index
    %get3A_46 = arith.constant 0 : index
    %get3A_47 = vector.load %arg1[%get3A_45, %get3A_46] : memref<1000x256xf32, #tpu.memory_space<vmem>>, vector<1000x256xf32>
    %get3A_48 = arith.constant 0 : index
    %get3A_49 = arith.constant 0 : index
    %get3A_50 = vector.load %arg7[%get3A_48, %get3A_49] : memref<256x256xf32, #tpu.memory_space<vmem>>, vector<256x256xf32>
    %dot_general3A_51 = arith.constant dense<0.000000e+00> : vector<1000x256xf32>
    %dot_general3A_52 = tpu.matmul %get3A_47, %get3A_50, %dot_general3A_51 {dimension_numbers = #tpu.dot_dimension_numbers<[1], [0], [0], [1], [0, 0, 1, 1], [], []>, transpose_lhs_hint = false} : vector<1000x256xf32>, vector<256x256xf32>, vector<1000x256xf32> -> vector<1000x256xf32>
    %get3A_53 = arith.constant 0 : index
    %get3A_54 = arith.constant 0 : index
    %get3A_55 = vector.load %arg8[%get3A_53, %get3A_54] : memref<1x256xf32, #tpu.memory_space<vmem>>, vector<1x256xf32>
    %add3A_56 = vector.broadcast %get3A_55 : vector<1x256xf32> to vector<1000x256xf32>
    %add3A_57 = arith.addf %dot_general3A_52, %add3A_56 : vector<1000x256xf32>
    %add3A_58 = arith.addf %add3A_44, %add3A_57 : vector<1000x256xf32>
    %swap3A = arith.constant 0 : index
    %swap3A_59 = arith.constant 0 : index
    %swap3A_60 = vector.load %arg11[%swap3A, %swap3A_59] : memref<1000x256xf32, #tpu.memory_space<vmem>>, vector<1000x256xf32>
    tpu.vector_store %arg11[%swap3A, %swap3A_59], %add3A_58 {strides = array<i32>} : memref<1000x256xf32, #tpu.memory_space<vmem>>, vector<1000x256xf32>,
    %slice3A = vector.extract_strided_slice %add3A_58 {offsets = [0, 0], sizes = [1000, 128], strides = [1, 1]} : vector<1000x256xf32> to vector<1000x128xf32>
    %swap3A_61 = arith.constant 0 : index
    %swap3A_62 = arith.constant 0 : index
    %swap3A_63 = arith.constant 0 : index
    %swap3A_64 = vector.load %arg12[%swap3A_61, %swap3A_62, %swap3A_63] : memref<2x1000x128xf32, #tpu.memory_space<vmem>>, vector<1x1000x128xf32>
    %swap3A_65 = vector.shape_cast %swap3A_64 : vector<1x1000x128xf32> to vector<1000x128xf32>
    %swap3A_66 = vector.shape_cast %slice3A : vector<1000x128xf32> to vector<1x1000x128xf32>
    tpu.vector_store %arg12[%swap3A_61, %swap3A_62, %swap3A_63], %swap3A_66 {strides = array<i32>} : memref<2x1000x128xf32, #tpu.memory_space<vmem>>, vector<1x1000x128xf32>,
    %slice3A_67 = vector.extract_strided_slice %add3A_58 {offsets = [0, 128], sizes = [1000, 128], strides = [1, 1]} : vector<1000x256xf32> to vector<1000x128xf32>
    %swap3A_68 = arith.constant 1 : index
    %swap3A_69 = arith.constant 0 : index
    %swap3A_70 = arith.constant 0 : index
    %swap3A_71 = vector.load %arg12[%swap3A_68, %swap3A_69, %swap3A_70] : memref<2x1000x128xf32, #tpu.memory_space<vmem>>, vector<1x1000x128xf32>
    %swap3A_72 = vector.shape_cast %swap3A_71 : vector<1x1000x128xf32> to vector<1000x128xf32>
    %swap3A_73 = vector.shape_cast %slice3A_67 : vector<1000x128xf32> to vector<1x1000x128xf32>
    tpu.vector_store %arg12[%swap3A_68, %swap3A_69, %swap3A_70], %swap3A_73 {strides = array<i32>} : memref<2x1000x128xf32, #tpu.memory_space<vmem>>, vector<1x1000x128xf32>,
    return
  }
  func.func @transform_0(%arg0: i32) -> (i32, i32) {
    %c0_i32 = arith.constant 0 : i32
    %c0_i32_0 = arith.constant 0 : i32
    return %arg0, %c0_i32 : i32, i32
  }
  func.func @transform_1(%arg0: i32) -> (i32, i32, i32) {
    %c0_i32 = arith.constant 0 : i32
    %c0_i32_0 = arith.constant 0 : i32
    %c0_i32_1 = arith.constant 0 : i32
    return %c0_i32, %arg0, %c0_i32_0 : i32, i32, i32
  }
  func.func @transform_2(%arg0: i32) -> (i32, i32) {
    %c0_i32 = arith.constant 0 : i32
    %c0_i32_0 = arith.constant 0 : i32
    %c0_i32_1 = arith.constant 0 : i32
    return %c0_i32, %c0_i32_0 : i32, i32
  }
  func.func @transform_3(%arg0: i32) -> (i32, i32) {
    %c0_i32 = arith.constant 0 : i32
    %c0_i32_0 = arith.constant 0 : i32
    %c0_i32_1 = arith.constant 0 : i32
    return %c0_i32, %c0_i32_0 : i32, i32
  }
  func.func @transform_4(%arg0: i32) -> (i32, i32) {
    %c0_i32 = arith.constant 0 : i32
    %c0_i32_0 = arith.constant 0 : i32
    %c0_i32_1 = arith.constant 0 : i32
    return %c0_i32, %c0_i32_0 : i32, i32
  }
  func.func @transform_5(%arg0: i32) -> (i32, i32) {
    %c0_i32 = arith.constant 0 : i32
    %c0_i32_0 = arith.constant 0 : i32
    %c0_i32_1 = arith.constant 0 : i32
    return %c0_i32, %c0_i32_0 : i32, i32
  }
  func.func @transform_6(%arg0: i32) -> (i32, i32) {
    %c0_i32 = arith.constant 0 : i32
    %c0_i32_0 = arith.constant 0 : i32
    %c0_i32_1 = arith.constant 0 : i32
    return %c0_i32, %c0_i32_0 : i32, i32
  }
  func.func @transform_7(%arg0: i32) -> (i32, i32) {
    %c0_i32 = arith.constant 0 : i32
    %c0_i32_0 = arith.constant 0 : i32
    %c0_i32_1 = arith.constant 0 : i32
    return %c0_i32, %c0_i32_0 : i32, i32
  }
  func.func @transform_8(%arg0: i32) -> (i32, i32) {
    %c0_i32 = arith.constant 0 : i32
    %c0_i32_0 = arith.constant 0 : i32
    %c0_i32_1 = arith.constant 0 : i32
    return %c0_i32, %c0_i32_0 : i32, i32
  }
  func.func @transform_9(%arg0: i32) -> (i32, i32) {
    %c0_i32 = arith.constant 0 : i32
    %c0_i32_0 = arith.constant 0 : i32
    %c0_i32_1 = arith.constant 0 : i32
    return %c0_i32, %c0_i32_0 : i32, i32
  }
  func.func @transform_10(%arg0: i32) -> (i32, i32) {
    %c0_i32 = arith.constant 0 : i32
    %c0_i32_0 = arith.constant 0 : i32
    return %arg0, %c0_i32 : i32, i32
  }
  func.func @transform_11(%arg0: i32) -> (i32, i32, i32) {
    %c0_i32 = arith.constant 0 : i32
    %c0_i32_0 = arith.constant 0 : i32
    %c0_i32_1 = arith.constant 0 : i32
    return %c0_i32, %arg0, %c0_i32_0 : i32, i32, i32
  }
}

module attributes {stable_mosaic.version = 14 : i64} {
  func.func @_stageb2_body(%arg0: i32, %arg1: memref<1000x256xf32, #tpu.memory_space<vmem>>, %arg2: memref<2x1000x128xf32, #tpu.memory_space<vmem>>, %arg3: memref<256x256xf32, #tpu.memory_space<vmem>>, %arg4: memref<1x256xf32, #tpu.memory_space<vmem>>, %arg5: memref<256x256xf32, #tpu.memory_space<vmem>>, %arg6: memref<1x256xf32, #tpu.memory_space<vmem>>, %arg7: memref<256x256xf32, #tpu.memory_space<vmem>>, %arg8: memref<1x256xf32, #tpu.memory_space<vmem>>, %arg9: memref<1x256xf32, #tpu.memory_space<vmem>>, %arg10: memref<1x256xf32, #tpu.memory_space<vmem>>, %arg11: memref<1000x1xi32, #tpu.memory_space<vmem>>, %arg12: memref<128x256xf32, #tpu.memory_space<vmem>>) attributes {dimension_semantics = [#tpu.dimension_semantics<arbitrary>], iteration_bounds = array<i64: 10>, scalar_prefetch = 0 : i64, scratch_operands = 0 : i64, tpu.core_type = #tpu.core_type<tc>, window_params = [{transform_indices = @transform_0, window_bounds = array<i64: 1000, 256>}, {transform_indices = @transform_1, window_bounds = array<i64: 2, 1000, 128>}, {pipeline_mode = #tpu.pipeline_mode<synchronous>, transform_indices = @transform_2, window_bounds = array<i64: 256, 256>}, {pipeline_mode = #tpu.pipeline_mode<synchronous>, transform_indices = @transform_3, window_bounds = array<i64: 1, 256>}, {pipeline_mode = #tpu.pipeline_mode<synchronous>, transform_indices = @transform_4, window_bounds = array<i64: 256, 256>}, {pipeline_mode = #tpu.pipeline_mode<synchronous>, transform_indices = @transform_5, window_bounds = array<i64: 1, 256>}, {pipeline_mode = #tpu.pipeline_mode<synchronous>, transform_indices = @transform_6, window_bounds = array<i64: 256, 256>}, {pipeline_mode = #tpu.pipeline_mode<synchronous>, transform_indices = @transform_7, window_bounds = array<i64: 1, 256>}, {pipeline_mode = #tpu.pipeline_mode<synchronous>, transform_indices = @transform_8, window_bounds = array<i64: 1, 256>}, {pipeline_mode = #tpu.pipeline_mode<synchronous>, transform_indices = @transform_9, window_bounds = array<i64: 1, 256>}, {transform_indices = @transform_10, window_bounds = array<i64: 1000, 1>}, {pipeline_mode = #tpu.pipeline_mode<synchronous>, transform_indices = @transform_11, window_bounds = array<i64: 128, 256>}]} {
    %get3A = arith.constant 0 : index
    %get3A_0 = arith.constant 0 : index
    %get3A_1 = arith.constant 0 : index
    %get3A_2 = vector.load %arg2[%get3A, %get3A_0, %get3A_1] : memref<2x1000x128xf32, #tpu.memory_space<vmem>>, vector<1x1000x128xf32>
    %get3A_3 = vector.shape_cast %get3A_2 : vector<1x1000x128xf32> to vector<1000x128xf32>
    %get3A_4 = arith.constant 1 : index
    %get3A_5 = arith.constant 0 : index
    %get3A_6 = arith.constant 0 : index
    %get3A_7 = vector.load %arg2[%get3A_4, %get3A_5, %get3A_6] : memref<2x1000x128xf32, #tpu.memory_space<vmem>>, vector<1x1000x128xf32>
    %get3A_8 = vector.shape_cast %get3A_7 : vector<1x1000x128xf32> to vector<1000x128xf32>
    %concatenate3A = tpu.concatenate %get3A_3, %get3A_8 in 1 : vector<1000x128xf32>, vector<1000x128xf32> -> vector<1000x256xf32>
    %get3A_9 = arith.constant 0 : index
    %get3A_10 = arith.constant 0 : index
    %get3A_11 = vector.load %arg1[%get3A_9, %get3A_10] : memref<1000x256xf32, #tpu.memory_space<vmem>>, vector<1000x256xf32>
    %add3A = arith.addf %get3A_11, %concatenate3A : vector<1000x256xf32>
    %get3A_12 = arith.constant 0 : index
    %get3A_13 = arith.constant 0 : index
    %get3A_14 = vector.load %arg3[%get3A_12, %get3A_13] : memref<256x256xf32, #tpu.memory_space<vmem>>, vector<256x256xf32>
    %dot_general3A = arith.constant dense<0.000000e+00> : vector<1000x256xf32>
    %dot_general3A_15 = tpu.matmul %add3A, %get3A_14, %dot_general3A {dimension_numbers = #tpu.dot_dimension_numbers<[1], [0], [0], [1], [0, 0, 1, 1], [], []>, transpose_lhs_hint = false} : vector<1000x256xf32>, vector<256x256xf32>, vector<1000x256xf32> -> vector<1000x256xf32>
    %get3A_16 = arith.constant 0 : index
    %get3A_17 = arith.constant 0 : index
    %get3A_18 = vector.load %arg4[%get3A_16, %get3A_17] : memref<1x256xf32, #tpu.memory_space<vmem>>, vector<1x256xf32>
    %add3A_19 = vector.broadcast %get3A_18 : vector<1x256xf32> to vector<1000x256xf32>
    %add3A_20 = arith.addf %dot_general3A_15, %add3A_19 : vector<1000x256xf32>
    %max3A = arith.constant 0.000000e+00 : f32
    %max3A_21 = vector.broadcast %max3A : f32 to vector<1000x256xf32>
    %max3A_22 = arith.maximumf %add3A_20, %max3A_21 : vector<1000x256xf32>
    %get3A_23 = arith.constant 0 : index
    %get3A_24 = arith.constant 0 : index
    %get3A_25 = vector.load %arg5[%get3A_23, %get3A_24] : memref<256x256xf32, #tpu.memory_space<vmem>>, vector<256x256xf32>
    %dot_general3A_26 = arith.constant dense<0.000000e+00> : vector<1000x256xf32>
    %dot_general3A_27 = tpu.matmul %max3A_22, %get3A_25, %dot_general3A_26 {dimension_numbers = #tpu.dot_dimension_numbers<[1], [0], [0], [1], [0, 0, 1, 1], [], []>, transpose_lhs_hint = false} : vector<1000x256xf32>, vector<256x256xf32>, vector<1000x256xf32> -> vector<1000x256xf32>
    %get3A_28 = arith.constant 0 : index
    %get3A_29 = arith.constant 0 : index
    %get3A_30 = vector.load %arg6[%get3A_28, %get3A_29] : memref<1x256xf32, #tpu.memory_space<vmem>>, vector<1x256xf32>
    %add3A_31 = vector.broadcast %get3A_30 : vector<1x256xf32> to vector<1000x256xf32>
    %add3A_32 = arith.addf %dot_general3A_27, %add3A_31 : vector<1000x256xf32>
    %max3A_33 = arith.constant 0.000000e+00 : f32
    %max3A_34 = vector.broadcast %max3A_33 : f32 to vector<1000x256xf32>
    %max3A_35 = arith.maximumf %add3A_32, %max3A_34 : vector<1000x256xf32>
    %get3A_36 = arith.constant 0 : index
    %get3A_37 = arith.constant 0 : index
    %get3A_38 = vector.load %arg9[%get3A_36, %get3A_37] : memref<1x256xf32, #tpu.memory_space<vmem>>, vector<1x256xf32>
    %mul3A = vector.broadcast %get3A_38 : vector<1x256xf32> to vector<1000x256xf32>
    %mul3A_39 = arith.mulf %max3A_35, %mul3A : vector<1000x256xf32>
    %get3A_40 = arith.constant 0 : index
    %get3A_41 = arith.constant 0 : index
    %get3A_42 = vector.load %arg10[%get3A_40, %get3A_41] : memref<1x256xf32, #tpu.memory_space<vmem>>, vector<1x256xf32>
    %add3A_43 = vector.broadcast %get3A_42 : vector<1x256xf32> to vector<1000x256xf32>
    %add3A_44 = arith.addf %mul3A_39, %add3A_43 : vector<1000x256xf32>
    %get3A_45 = arith.constant 0 : index
    %get3A_46 = arith.constant 0 : index
    %get3A_47 = vector.load %arg1[%get3A_45, %get3A_46] : memref<1000x256xf32, #tpu.memory_space<vmem>>, vector<1000x256xf32>
    %get3A_48 = arith.constant 0 : index
    %get3A_49 = arith.constant 0 : index
    %get3A_50 = vector.load %arg7[%get3A_48, %get3A_49] : memref<256x256xf32, #tpu.memory_space<vmem>>, vector<256x256xf32>
    %dot_general3A_51 = arith.constant dense<0.000000e+00> : vector<1000x256xf32>
    %dot_general3A_52 = tpu.matmul %get3A_47, %get3A_50, %dot_general3A_51 {dimension_numbers = #tpu.dot_dimension_numbers<[1], [0], [0], [1], [0, 0, 1, 1], [], []>, transpose_lhs_hint = false} : vector<1000x256xf32>, vector<256x256xf32>, vector<1000x256xf32> -> vector<1000x256xf32>
    %get3A_53 = arith.constant 0 : index
    %get3A_54 = arith.constant 0 : index
    %get3A_55 = vector.load %arg8[%get3A_53, %get3A_54] : memref<1x256xf32, #tpu.memory_space<vmem>>, vector<1x256xf32>
    %add3A_56 = vector.broadcast %get3A_55 : vector<1x256xf32> to vector<1000x256xf32>
    %add3A_57 = arith.addf %dot_general3A_52, %add3A_56 : vector<1000x256xf32>
    %add3A_58 = arith.addf %add3A_44, %add3A_57 : vector<1000x256xf32>
    %get3A_59 = arith.constant 0 : index
    %get3A_60 = arith.constant 0 : index
    %get3A_61 = vector.load %arg11[%get3A_59, %get3A_60] : memref<1000x1xi32, #tpu.memory_space<vmem>>, vector<1000x1xi32>
    %broadcast_in_dim3A = vector.shape_cast %get3A_61 : vector<1000x1xi32> to vector<1000x1xi32>
    %broadcast_in_dim3A_62 = vector.broadcast %broadcast_in_dim3A : vector<1000x1xi32> to vector<1000x128xi32>
    %iota3A = tpu.iota {dimensions = array<i32: 1>} : vector<1000x128xi32>
    %eq3A = arith.cmpi eq, %broadcast_in_dim3A_62, %iota3A : vector<1000x128xi32>
    %jit3A = arith.constant 1.000000e+00 : f32
    %jit3A_63 = arith.constant 0.000000e+00 : f32
    %broadcast_in_dim3A_64 = vector.broadcast %jit3A : f32 to vector<1000x128xf32>
    %broadcast_in_dim3A_65 = vector.broadcast %jit3A_63 : f32 to vector<1000x128xf32>
    %select_n3A = arith.select %eq3A, %broadcast_in_dim3A_64, %broadcast_in_dim3A_65 : vector<1000x128xi1>, vector<1000x128xf32>
    %dot_general3A_66 = arith.constant dense<0.000000e+00> : vector<128x256xf32>
    %dot_general3A_67 = tpu.matmul %select_n3A, %add3A_58, %dot_general3A_66 {dimension_numbers = #tpu.dot_dimension_numbers<[0], [0], [1], [1], [0, 1, 1, 1], [], []>, transpose_lhs_hint = false} : vector<1000x128xf32>, vector<1000x256xf32>, vector<128x256xf32> -> vector<128x256xf32>
    %eq3A_68 = arith.constant 0 : i32
    %eq3A_69 = arith.cmpi eq, %arg0, %eq3A_68 : i32
    %convert_element_type3A = arith.extui %eq3A_69 : i1 to i32
    %cond3A = arith.constant 0 : i32
    %cond3A_70 = arith.cmpi ne, %convert_element_type3A, %cond3A : i32
    scf.if %cond3A_70 {
      %swap3A = arith.constant 0 : index
      %swap3A_75 = arith.constant 0 : index
      %swap3A_76 = vector.load %arg12[%swap3A, %swap3A_75] : memref<128x256xf32, #tpu.memory_space<vmem>>, vector<128x256xf32>
      tpu.vector_store %arg12[%swap3A, %swap3A_75], %dot_general3A_67 {strides = array<i32>} : memref<128x256xf32, #tpu.memory_space<vmem>>, vector<128x256xf32>,
    } else {
    }
    %ne3A = arith.constant 0 : i32
    %ne3A_71 = arith.cmpi ne, %arg0, %ne3A : i32
    %convert_element_type3A_72 = arith.extui %ne3A_71 : i1 to i32
    %cond3A_73 = arith.constant 0 : i32
    %cond3A_74 = arith.cmpi ne, %convert_element_type3A_72, %cond3A_73 : i32
    scf.if %cond3A_74 {
      %get3A_75 = arith.constant 0 : index
      %get3A_76 = arith.constant 0 : index
      %get3A_77 = vector.load %arg12[%get3A_75, %get3A_76] : memref<128x256xf32, #tpu.memory_space<vmem>>, vector<128x256xf32>
      %add3A_78 = arith.addf %get3A_77, %dot_general3A_67 : vector<128x256xf32>
      %swap3A = arith.constant 0 : index
      %swap3A_79 = arith.constant 0 : index
      %swap3A_80 = vector.load %arg12[%swap3A, %swap3A_79] : memref<128x256xf32, #tpu.memory_space<vmem>>, vector<128x256xf32>
      tpu.vector_store %arg12[%swap3A, %swap3A_79], %add3A_78 {strides = array<i32>} : memref<128x256xf32, #tpu.memory_space<vmem>>, vector<128x256xf32>,
    } else {
    }
    return
  }
  func.func @transform_0(%arg0: i32) -> (i32, i32) {
    %c0_i32 = arith.constant 0 : i32
    %c0_i32_0 = arith.constant 0 : i32
    return %arg0, %c0_i32 : i32, i32
  }
  func.func @transform_1(%arg0: i32) -> (i32, i32, i32) {
    %c0_i32 = arith.constant 0 : i32
    %c0_i32_0 = arith.constant 0 : i32
    %c0_i32_1 = arith.constant 0 : i32
    return %c0_i32, %arg0, %c0_i32_0 : i32, i32, i32
  }
  func.func @transform_2(%arg0: i32) -> (i32, i32) {
    %c0_i32 = arith.constant 0 : i32
    %c0_i32_0 = arith.constant 0 : i32
    %c0_i32_1 = arith.constant 0 : i32
    return %c0_i32, %c0_i32_0 : i32, i32
  }
  func.func @transform_3(%arg0: i32) -> (i32, i32) {
    %c0_i32 = arith.constant 0 : i32
    %c0_i32_0 = arith.constant 0 : i32
    %c0_i32_1 = arith.constant 0 : i32
    return %c0_i32, %c0_i32_0 : i32, i32
  }
  func.func @transform_4(%arg0: i32) -> (i32, i32) {
    %c0_i32 = arith.constant 0 : i32
    %c0_i32_0 = arith.constant 0 : i32
    %c0_i32_1 = arith.constant 0 : i32
    return %c0_i32, %c0_i32_0 : i32, i32
  }
  func.func @transform_5(%arg0: i32) -> (i32, i32) {
    %c0_i32 = arith.constant 0 : i32
    %c0_i32_0 = arith.constant 0 : i32
    %c0_i32_1 = arith.constant 0 : i32
    return %c0_i32, %c0_i32_0 : i32, i32
  }
  func.func @transform_6(%arg0: i32) -> (i32, i32) {
    %c0_i32 = arith.constant 0 : i32
    %c0_i32_0 = arith.constant 0 : i32
    %c0_i32_1 = arith.constant 0 : i32
    return %c0_i32, %c0_i32_0 : i32, i32
  }
  func.func @transform_7(%arg0: i32) -> (i32, i32) {
    %c0_i32 = arith.constant 0 : i32
    %c0_i32_0 = arith.constant 0 : i32
    %c0_i32_1 = arith.constant 0 : i32
    return %c0_i32, %c0_i32_0 : i32, i32
  }
  func.func @transform_8(%arg0: i32) -> (i32, i32) {
    %c0_i32 = arith.constant 0 : i32
    %c0_i32_0 = arith.constant 0 : i32
    %c0_i32_1 = arith.constant 0 : i32
    return %c0_i32, %c0_i32_0 : i32, i32
  }
  func.func @transform_9(%arg0: i32) -> (i32, i32) {
    %c0_i32 = arith.constant 0 : i32
    %c0_i32_0 = arith.constant 0 : i32
    %c0_i32_1 = arith.constant 0 : i32
    return %c0_i32, %c0_i32_0 : i32, i32
  }
  func.func @transform_10(%arg0: i32) -> (i32, i32) {
    %c0_i32 = arith.constant 0 : i32
    %c0_i32_0 = arith.constant 0 : i32
    return %arg0, %c0_i32 : i32, i32
  }
  func.func @transform_11(%arg0: i32) -> (i32, i32) {
    %c0_i32 = arith.constant 0 : i32
    %c0_i32_0 = arith.constant 0 : i32
    %c0_i32_1 = arith.constant 0 : i32
    return %c0_i32, %c0_i32_0 : i32, i32
  }
}

</mosaic_0001>

<sc_bundles>
// kernel: kernel.10.cloned.1.call-start
scs
__scs_entry_jumppad:
0x0: {  	(pc) =	sbr.rel $0x88, $3  }
0x1: {  	(tag) =	ssettag $0x0;
	lr =	simm.s32 $0x1  }
0x2: {  	[smem:$0x3F89] =	sst lr;
	_ =	strace $0xD0000000  }
0x3: {  	_ = 	snop  }
0x4: {  	_ = 	snop  }
0x5: {  	_ = 	snop  }
0x6: {  	_ = 	snop  }
0x7: {  	_ = 	snop  }
__scs_overlays_trampoline_lowered:
0x8: {  	[smem:$0x3F98] =	sst s0  }
0x9: {  	[smem:$0x3F99] =	sst s1  }
0xa: {  	[smem:$0x3F9A] =	sst s2  }
0xb: {  	[smem:$0x3F9B] =	sst s3  }
0xc: {  	[smem:$0x3F9C] =	sst s4  }
0xd: {  	[smem:$0x3F9D] =	sst s5  }
0xe: {  	[smem:$0x3F9E] =	sst s6  }
0xf: {  	[smem:$0x3F9F] =	sst s7  }
0x10: {  	[smem:$0x3FA0] =	sst s8  }
0x11: {  	[smem:$0x3FA1] =	sst s9;
	s0 =	simm.s32 @!p0 $0x0  }
0x12: {  	s1 =	sld [smem:$0x3F87];
	s0 =	simm.s32 @p0 $0x1  }
0x13: {  	[smem:$0x3FA2] =	sst s0;
	s0 =	simm.s32 @!p1 $0x0  }
0x14: {  	s2 =	sld [smem:$0x3F86];
	s0 =	simm.s32 @p1 $0x1  }
0x15: {  	[smem:$0x3FA3] =	sst s0;
	s0 =	simm.s32 @!p2 $0x0  }
0x16: {  	s3 =	sld [smem:$0x3FDB];
	s0 =	simm.s32 @p2 $0x1  }
0x17: {  	s4 =	simm.s32 $0x1BF5;
	[smem:$0x3FA5] =	sst s0  }
0x18: {  	s0 =	sld [smem:$0x3F88];
	_ =	swait.ge [sflag:s4], $0x0  }
0x19: {  	s7 =	sld [smem:$0x3F89]  }
0x1a: {  	s8 =	sadd.s32 $0xFFFFE003, lr  }
0x1b: {  	s9 =	sadd.s32 $0xFFFFFEF7, lr;
	s5 =	simm.s32 $0xFFFFFFFF;
	p2 =	slt.u32 s8, $0xFFFFF086  }
0x1c: {  	p1 =	slt.u32 s9, $0xF7A;
	s5 =	simm.s32 @!p2 $0x0  }
0x1d: {  	s5 =	simm.s32 @p1 $0x1;
	p0 =	seq.s32 s7, s2  }
0x1e: {  	s7 =	smul.u32 @!p0 $0xF7A, s2;
	p2 =	seq.s32 @!p0 s5, $0x0  }
0x1f: {  	s9 =	smul.u32 $0xF7A, s1;
	s8 =	simm.s32 @!p0 $0x1BF5;
	p2 =	por !p2, p0  }
0x20: {  	[sflag:s8] =	ssyncset.s32 @!p0 $0xFFFFF086;
	s6 =	sadd.s32 @!p0 s3, s7;
	s7 =	simm.s32 @!p0 $0x108  }
0x21: {  	s3 =	sadd.s32 s3, s9;
	s6 =	sadd.s32 @!p0 $0x88, s6;
	s7 =	simm.s32 @p2 $0x1082  }
0x22: {  	[simem:s7], [sflag:s8] =	dma.local @!p0 [hbm:s6], $0xF7A  }
0x23: {  	s9 =	sor.u32 $0xD0000000, s2;
	s6 =	simm.s32 $0x108;
	_ =	swait.ge @!p0 [sflag:s8], $0x0  }
0x24: {  	s3 =	sadd.s32 $0x88, s3;
	s6 =	simm.s32 @!p1 $0x1082;
	[sflag:s4] =	ssyncset.s32 $0xFFFFF086  }
0x25: {  	[simem:s6], [sflag:s4] =	dma.local [hbm:s3], $0xF7A  }
0x26: {  	[smem:$0x3F89] =	sst s1;
	(tag) =	ssettag s2;
	_ =	strace s9  }
0x27: {  	s1 =	sld [smem:$0x3F99]  }
0x28: {  	s2 =	sld [smem:$0x3F9A]  }
0x29: {  	s4 =	sld [smem:$0x3F9C]  }
0x2a: {  	p0 =	seq.s32 s5, $0x0;
	s5 =	sld [smem:$0x3F9D]  }
0x2b: {  	s6 =	sld [smem:$0x3F9E]  }
0x2c: {  	s7 =	sld [smem:$0x3F9F]  }
0x2d: {  	s3 =	simm.s32 $0x108;
	s8 =	sld [smem:$0x3FA0]  }
0x2e: {  	s3 =	simm.s32 @!p0 $0x1082;
	s9 =	sld [smem:$0x3FA1]  }
0x2f: {  	lr =	sadd.s32 s0, s3;
	s0 =	sld [smem:$0x3F98]  }
0x30: {  	s3 =	sld [smem:$0x3F9B]  }
0x31: {  	[smem:$0x3FA4] =	sst s10  }
0x32: {  	s10 =	sld [smem:$0x3FA2];
	_ =	sdelay $0x3  }
0x33: {  	p0 =	seq.s32 s10, $0x1;
	s10 =	sld [smem:$0x3FA4];
	_ =	sdelay $0x3  }
0x34: {  	[smem:$0x3FA4] =	sst s10  }
0x35: {  	s10 =	sld [smem:$0x3FA3];
	_ =	sdelay $0x3  }
0x36: {  	p1 =	seq.s32 s10, $0x1;
	s10 =	sld [smem:$0x3FA4];
	_ =	sdelay $0x3  }
0x37: {  	[smem:$0x3FA4] =	sst s10  }
0x38: {  	s10 =	sld [smem:$0x3FA5]  }
0x39: {  	_ = 	snop;
	(pc) =	sbr.ind lr, $3  }
0x3a: {  	_ = 	snop  }
0x3b: {  	_ = 	snop  }
0x3c: {  	p2 =	seq.s32 s10, $0x1;
	s10 =	sld [smem:$0x3FA4]  }
0x3d: {  	_ =	shalt  }
0x3e: {  	_ =	shalt  }
0x3f: {  	_ =	shalt  }
0x40: {  	_ =	shalt  }
0x41: {  	_ =	shalt  }
0x42: {  	_ =	shalt  }
0x43: {  	_ =	shalt  }
0x44: {  	_ =	shalt  }
0x45: {  	_ =	shalt  }
0x46: {  	_ =	shalt  }
0x47: {  	_ =	shalt  }
0x48: {  	_ =	shalt  }
0x49: {  	_ =	shalt  }
0x4a: {  	_ =	shalt  }
0x4b: {  	_ =	shalt  }
0x4c: {  	_ =	shalt  }
0x4d: {  	_ =	shalt  }
0x4e: {  	_ =	shalt  }
0x4f: {  	_ =	shalt  }
0x50: {  	_ =	shalt  }
0x51: {  	_ =	shalt  }
0x52: {  	_ =	shalt  }
0x53: {  	_ =	shalt  }
0x54: {  	_ =	shalt  }
0x55: {  	_ =	shalt  }
0x56: {  	_ =	shalt  }
0x57: {  	_ =	shalt  }
0x58: {  	_ =	shalt  }
0x59: {  	_ =	shalt  }
0x5a: {  	_ =	shalt  }
0x5b: {  	_ =	shalt  }
0x5c: {  	_ =	shalt  }
0x5d: {  	_ =	shalt  }
0x5e: {  	_ =	shalt  }
0x5f: {  	_ =	shalt  }
0x60: {  	_ =	shalt  }
0x61: {  	_ =	shalt  }
0x62: {  	_ =	shalt  }
0x63: {  	_ =	shalt  }
0x64: {  	_ =	shalt  }
0x65: {  	_ =	shalt  }
0x66: {  	_ =	shalt  }
0x67: {  	_ =	shalt  }
0x68: {  	_ =	shalt  }
0x69: {  	_ =	shalt  }
0x6a: {  	_ =	shalt  }
0x6b: {  	_ =	shalt  }
0x6c: {  	_ =	shalt  }
0x6d: {  	_ =	shalt  }
0x6e: {  	_ =	shalt  }
0x6f: {  	_ =	shalt  }
0x70: {  	_ =	shalt  }
0x71: {  	_ =	shalt  }
0x72: {  	_ =	shalt  }
0x73: {  	_ =	shalt  }
0x74: {  	_ =	shalt  }
0x75: {  	_ =	shalt  }
0x76: {  	_ =	shalt  }
0x77: {  	_ =	shalt  }
0x78: {  	_ =	shalt  }
0x79: {  	_ =	shalt  }
0x7a: {  	_ =	shalt  }
0x7b: {  	_ =	shalt  }
0x7c: {  	_ =	shalt  }
0x7d: {  	_ =	shalt  }
0x7e: {  	_ =	shalt  }
0x7f: {  	_ =	shalt  }
0x80: {  	_ =	shalt  }
0x81: {  	_ =	shalt  }
0x82: {  	_ =	shalt  }
0x83: {  	_ =	shalt  }
0x84: {  	_ =	shalt  }
0x85: {  	_ =	shalt  }
0x86: {  	_ =	shalt  }
0x87: {  	_ =	shalt  }
.Lfunc_end0:
.L_simem_size_0:
called_computation.1_lowered:
.L_overlay_start_0:
0x88: {  	s2 =	sld [smem:$0x3FD9]  }
0x89: {  	s3 =	sld [smem:$0x3FFE];
	_ =	sdelay $0x1  }
0x8a: {  	s1 =	srdreg.scid  }
0x8b: {  	s0 =	sand.u32 $0x1, s1  }
0x8c: {  	s16 =	sshll.u32 s0, $0xA;
	s2 =	sadd.s32 s3, s2  }
0x8d: {  	s2 =	sadd.s32 s2, s16  }
0x8e: {  	[smem:$0x3FB0] =	sst s2  }
0x8f: {  	_ = 	snop  }
0x90: {  	(tm) =	ssettm $0x1  }
0x91: {  	s17 =	sld [smem:$0x3FFB];
	_ =	sdelay $0x3  }
0x92: {  	_ =	strace s17  }
0x93: {  	s2 =	sld [smem:$0x3FFC];
	_ =	sdelay $0x3  }
0x94: {  	_ =	strace s2  }
0x95: {  	s2 =	sld [smem:$0x3FFD];
	_ =	sdelay $0x3  }
0x96: {  	_ =	strace s2  }
0x97: {  	_ =	strace $0x8FFFFFFF  }
0x98: {  	s18 =	sld [smem:$0x3FDB];
	_ =	sdelay $0x1  }
0x99: {  	s19 =	simm.s32 $_scs_section_size  }
0x9a: {  	s4 =	simm.s32 $_size__tile_overlayer_lowered;
	s5 =	simm.s32 $_tile_overlayer_lowered  }
0x9b: {  	s22 =	simm.s32 $0x1BFF;
	s21 =	sshll.u32 s5, $0x1;
	s2 =	sadd.s32 s19, s18  }
0x9c: {  	s6 =	simm.s32 $0x0;
	s20 =	sshll.u32 s4, $0x1;
	s4 =	sadd.s32 s21, s2  }
0x9d: {  	[timem:s6], [sflag:s22] =	dma.local [hbm:s4], s20  }
0x9e: {  	_ =	swait.ge [sflag:s22], s20  }
0x9f: {  	s3 =	ssub.s32 $0x0, s20;
	[sflag:s22] =	ssyncset.done $0x0  }
0xa0: {  	[sflag:s22] =	ssyncadd.s32 s3;
	_ =	sdelay $0x1  }
0xa1: {  	s23 =	simm.s32 $0x1B8B  }
0xa2: {  	_ =	swait.ge [sflag:s23], $0x1  }
0xa3: {  	[sflag:s23] =	ssyncset.done $0x0  }
0xa4: {  	s25 =	simm.s32 $0x1B8E;
	s24 =	sld [smem:$0x3FFE];
	[sflag:s23] =	ssyncadd.s32 $0xFFFFFFFF  }
0xa5: {  	s26 =	simm.s32 $execute0_lowered;
	[smem:$0x3FD2] =	sst s25  }
0xa6: {  	s4 =	sshll.u32 s26, $0x1;
	_ =	strace $0x80000049;
	[dreg:$0x1] =	wrdreg $0xFFFFFFFF  }
0xa7: {  	s28 =	simm.s32 $_size_execute0_lowered;
	s2 =	sadd.s32 s2, s4;
	[dreg:$0x0] =	wrdreg $0x0  }
0xa8: {  	s4 =	sshll.u32 s28, $0x1;
	[dreg:$0x2] =	wrdreg s2  }
0xa9: {  	[dreg:$0x3] =	wrdreg s4  }
0xaa: {  	[dreg:$0x4] =	wrdreg $0xC0  }
0xab: {  	_ =	task [dreg:s6], $0x5FFFF  }
0xac: {  	[dreg:$0x1] =	wrdreg $0xFFFFFFFF  }
0xad: {  	[dreg:$0x0] =	wrdreg $0x60  }
0xae: {  	[dreg:$0x2] =	wrdreg s24  }
0xaf: {  	[dreg:$0x3] =	wrdreg $0xA2000  }
0xb0: {  	[dreg:$0x4] =	wrdreg $0x9  }
0xb1: {  	_ =	task.clear_ibuf [dreg:s6], $0x5FFFF;
	_ =	strace $0x90000049  }
0xb2: {  	s29 =	simm.s32 $0x9;
	_ =	strace $0x8000004B  }
0xb3: {  	_ =	swait.ge [sflag:s29], $0x1  }
0xb4: {  	[sflag:s29] =	ssyncadd.s32 $0xFFFFFFFF  }
0xb5: {  	_ =	strace $0x9000004B  }
0xb6: {  	_ =	sfence  }
0xb7: {  	s30 =	sld [smem:$0x0];
	_ =	sdelay $0x2  }
0xb8: {  	s31 =	sshll.u32 s1, $0xD;
	s1 =	sshrl.u32 s1, $0x2  }
0xb9: {  	s3 =	sand.u32 $0x4000, s31;
	s1 =	sadd.s32 s1, s30  }
0xba: {  	s0 =	sor.u32 s3, s0;
	s1 =	sshll.u32 s1, $0x11  }
0xbb: {  	s0 =	sor.u32 s1, s0  }
0xbc: {  	s0 =	sadd.s32 $0x8F2B, s0  }
0xbd: {  	[sflag:s0] =	ssyncadd.remote.s32 $0x1  }
0xbe: {  	_ =	sfence.sel $0xFFFF  }
0xbf: {  	[dreg:$0x0] =	wrdreg $0xFFFFFFFF;
	(pc) =	sbr.abs _section_cstart, $3  }
0xc0: {  	[dreg:$0x1] =	wrdreg $0xFFFFFFFF  }
0xc1: {  	_ =	task.clear_ibuf [dreg:s6], $0x2FFFF;
	_ =	strace $0x9FFFFFFF  }
0xc2: {  	(tm) =	ssettm $0x7FFFFFFF  }
0xc3: {  	_ =	shalt  }
tec
execute0_lowered:
.L_overlay_start_1:
0x0: {  	(tag) =	ssettag $0x1  }
0x1: {  	s0 =	rddreg [dreg:$0x0]  }
0x2: {  	s1 =	rddreg [dreg:$0x1];
	s2 =	srdreg.scid;
	s3 =	simm.s32 $0x0  }
0x3: {  	s14 =	stileid.u32;
	s16 =	simm.s32 $0x8;
	s17 =	simm.s32 $0x50  }
0x4: {  	s18 =	simm.s32 $0x200;
	s19 =	simm.s32 $0x5200;
	s20 =	simm.s32 $0x1  }
0x5: {  	s28 =	simm.s32 $0x5;
	s29 =	simm.s32 $0x2;
	s8 =	smul.u32 $0x1F400, s14  }
0x6: {  	s30 =	simm.s32 $0x4;
	s31 =	simm.s32 $0x180;
	s9 =	smul.u32 $0x7D000, s14  }
0x7: {  	s2 =	sand.u32 $0x1, s2;
	s5 =	sadd.s32 $0x7C4C00, s0;
	s21 =	smul.u32 $0x2710, s14  }
0x8: {  	[smem:$0x7FF] =	sst s3;
	s6 =	sadd.s32 $0x275600, s0;
	s13 =	smul.u32 $0x7D00, s14  }
0x9: {  	s4 =	sadd.s32 $0x8600, s0;
	s11 =	sadd.s32 $0x4600, s0;
	s7 =	smul.u32 $0x138800, s2  }
0xa: {  	p0 =	sgt.u32 s14, $0x9;
	_ =	strace $0x8000004A;
	s10 =	smul.u32 $0x27100, s2  }
0xb: {  	[dreg:$0x3] =	wrdreg s11;
	s22 =	ssub.s32 $0x2, s2;
	s2 =	smul.u32 $0x7D000, s2  }
0xc: {  	s12 =	sshrl.u32 s22, $0x1;
	s24 =	sshrl.u32 s9, $0x2;
	s7 =	sadd.s32 s8, s7  }
0xd: {  	s23 =	ssub.s32 s22, s12;
	s12 =	sadd.s32 s24, s1;
	s8 =	sadd.s32 s21, s10  }
0xe: {  	s9 =	sadd.s32 s13, s2;
	s21 =	simm.s32 $0x100;
	s22 =	simm.s32 $0x3  }
0xf: {  	s24 =	simm.s32 $0x2A00;
	s7 =	sshrl.u32 s7, $0x3;
	s2 =	sshrl.u32 s9, $0x3  }
0x10: {  	s10 =	sshll.u32 s8, $0x4;
	s26 =	smax.u32 s23, $0x1;
	s15 =	sshrl.u32 @!p0 s12, $0x3  }
0x11: {  	s23 =	simm.s32 $0x7;
	s2 =	sadd.s32 s6, s2;
	[dreg:$0x7] =	wrdreg s26  }
0x12: {  	s0 =	sadd.s32 s7, s0;
	s25 =	sadd.s32 s5, s10;
	[dreg:$0x4] =	wrdreg s2  }
0x13: {  	s26 =	simm.s32 $0x80;
	[dreg:$0x5] =	wrdreg s25;
	s0 =	sadd.s32 $0xA4A00, s0  }
0x14: {  	s2 =	sshll.u32 @!p0 s14, $0x6;
	s25 =	simm.s32 $0x7A00;
	[dreg:$0x6] =	wrdreg s0  }
0x15: {  	s14 =	sor.u32 @!p0 $0x1C08, s2;
	s0 =	simm.s32 $0x6;
	s2 =	simm.s32 $0x0  }
.LBB2_1:
0x16: {  	s7 =	rddreg [dreg:$0x3]  }
0x17: {  	[spmem:s15], [sflag:s14] =	dma.local @!p0 [hbm:s7], $0x3E80  }
0x18: {  	s7 =	simm.s32 @!p0 $0x8  }
0x19: {  	_ =	swait.ge @!p0 [sflag:s7], $0x3E80  }
0x1a: {  	[sflag:s7] =	ssyncset.done @!p0 $0x0  }
0x1b: {  	[sflag:s7] =	ssyncadd.s32 @!p0 $0xFFFFC180  }
0x1c: {  	[bflag:$0x0] =	sbarrier.arrive $0xFFFF  }
0x1d: {  	s12 =	rddreg [dreg:$0x4]  }
0x1e: {  	[tilespmem:s3], [sflag:$0x8] =	stream.linear.gather [hbm4b:s12+s3], $0x100, $0x38;
	[tilespmem:$0x1DA80] =	vst v63  }
0x1f: {  	_ =	swait.ge [sflag:s16], $0x100  }
0x20: {  	[sflag:s16] =	ssyncset.done $0x0  }
0x21: {  	[sflag:s16] =	ssyncadd.s32 $0xFFFFFF00  }
0x22: {  	[tilespmem:s18], [sflag:$0x1] =	stream.indirect.gather [hbm4b:s4+s17], $0x80, s3, s17, $0xb8;
	[tilespmem:$0x1DA80] =	vst v63  }
0x23: {  	s7 =	simm.s32 $0x0;
	s13 =	rddreg [dreg:$0x5]  }
0x24: {  	[tilespmem:s19], [sflag:$0x3] =	stream.linear.gather [hbm4b:s13+s3], $0x2800, $0x38;
	[tilespmem:$0x1DA80] =	vst v63  }
.LBB2_2:
0x25: {  	s10 =	sshll.u32 s7, $0x1;
	p1 =	seq.s32 s7, $0x0  }
0x26: {  	s11 =	sor.u32 @!p1 $0x1, s10  }
0x27: {  	s11 =	simm.s32 @p1 $0x1  }
0x28: {  	s12 =	simm.s32 @!p1 $0x6;
	s13 =	sshll.u32 s11, $0x8  }
0x29: {  	_ =	swait.ge @!p1 [sflag:s12], $0x2800;
	s13 =	sadd.s32 s9, s13  }
0x2a: {  	[sflag:s12] =	ssyncset.done @!p1 $0x0;
	s13 =	sshrl.u32 s13, $0x3  }
0x2b: {  	[sflag:s12] =	ssyncadd.s32 @!p1 $0xFFFFD800;
	s12 =	sadd.s32 s6, s13;
	s13 =	simm.s32 $0x0  }
0x2c: {  	[tilespmem:s21], [sflag:$0x7] =	stream.linear.gather [hbm4b:s12+s13], $0x100, $0x38;
	[tilespmem:$0x1DA80] =	vst v63  }
0x2d: {  	_ =	swait.ge [sflag:s20], $0x2800  }
0x2e: {  	[sflag:s20] =	ssyncset.done $0x0  }
0x2f: {  	[sflag:s20] =	ssyncadd.s32 $0xFFFFD800  }
0x30: {  	_ =	swait.ge [sflag:s22], $0x2800  }
0x31: {  	[sflag:s22] =	ssyncset.done $0x0  }
0x32: {  	s11 =	smul.u32 $0x50, s11;
	[sflag:s22] =	ssyncadd.s32 $0xFFFFD800  }
0x33: {  	_ =	swait.ge [sflag:s23], $0x100  }
0x34: {  	s11 =	sadd.s32 s8, s11;
	[sflag:s23] =	ssyncset.done $0x0  }
0x35: {  	s11 =	sshll.u32 s11, $0x4;
	[sflag:s23] =	ssyncadd.s32 $0xFFFFFF00  }
0x36: {  	[tilespmem:s24], [sflag:$0x2] =	stream.indirect.gather [hbm4b:s4+s17], $0x80, s21, s17, $0xb8;
	[tilespmem:$0x1DA80] =	vst v63  }
0x37: {  	s11 =	sadd.s32 s5, s11  }
0x38: {  	[tilespmem:s25], [sflag:$0x4] =	stream.linear.gather [hbm4b:s11+s13], $0x2800, $0x38;
	[tilespmem:$0x1DA80] =	vst v63  }
0x39: {  	s11 =	simm.s32 $0x0  }
0x3a: {  	v3 =	vld [tilespmem:s11+$0x5200]  }
0x3b: {  	v2 =	vld [tilespmem:s11+$0x5210]  }
0x3c: {  	v1 =	vld [tilespmem:s11+$0x5220]  }
0x3d: {  	v0 =	vld [tilespmem:s11+$0x5230]  }
0x3e: {  	v8 =	vld [tilespmem:s11+$0x200]  }
0x3f: {  	v7 =	vld [tilespmem:s11+$0x210]  }
0x40: {  	v6 =	vld [tilespmem:s11+$0x220]  }
0x41: {  	v5 =	vld [tilespmem:s11+$0x230]  }
0x42: {  	v4 =	vld [tilespmem:s11+$0x240];
	v10 =	vshll.u32 v3, $0x10  }
0x43: {  	s12 =	simm.s32 $0x200;
	v9 =	vand.u32 $0xFFFF0000, v3;
	v3 =	vld [tilespmem:s11+$0x250];
	v8 =	vadd.f32 v10, v8  }
.LBB2_3:
0x44: {  	p1 =	sne.s32 s12, $0x9E00;
	v7 =	vadd.f32 v9, v7;
	v9 =	vshll.u32 v2, $0x10;
	v10 =	vld [tilespmem:s11+$0x260]  }
0x45: {  	s13 =	sshra.s32 s12, $0x2;
	v2 =	vand.u32 $0xFFFF0000, v2;
	v8 =	vmax.f32 v8, $0.0e+00;
	v6 =	vadd.f32 v9, v6;
	v9 =	vld [tilespmem:s11+$0x270]  }
0x46: {  	v11 =	vld [tilespmem:s13+$0x5200];
	[tilespmem:s11+$0x200] =	vst v8;
	v7 =	vmax.f32 v7, $0.0e+00;
	v5 =	vadd.f32 v2, v5;
	v8 =	vshll.u32 v1, $0x10  }
0x47: {  	v2 =	vld [tilespmem:s13+$0x5210];
	[tilespmem:s11+$0x210] =	vst v7;
	v6 =	vmax.f32 v6, $0.0e+00;
	v7 =	vand.u32 $0xFFFF0000, v1;
	v4 =	vadd.f32 v8, v4  }
0x48: {  	v1 =	vld [tilespmem:s13+$0x5220];
	[tilespmem:s11+$0x220] =	vst v6;
	v5 =	vmax.f32 v5, $0.0e+00;
	v3 =	vadd.f32 v7, v3;
	v6 =	vshll.u32 v0, $0x10  }
0x49: {  	[tilespmem:s11+$0x230] =	vst v5;
	v4 =	vmax.f32 v4, $0.0e+00;
	v5 =	vand.u32 $0xFFFF0000, v0;
	v0 =	vld [tilespmem:s13+$0x5230];
	v6 =	vadd.f32 v6, v10  }
0x4a: {  	v8 =	vld [tilespmem:s13+$0x200];
	[tilespmem:s11+$0x240] =	vst v4;
	v3 =	vmax.f32 v3, $0.0e+00;
	v4 =	vadd.f32 v5, v9  }
.Ltmp0:
0x4b: {  	v7 =	vld [tilespmem:s13+$0x210];
	[tilespmem:s11+$0x250] =	vst v3;
	v3 =	vmax.f32 v6, $0.0e+00;
	(pc) =	sbr.rel @p1 .LBB2_3-.Ltmp0, $4  }
0x4c: {  	v6 =	vld [tilespmem:s13+$0x220];
	[tilespmem:s11+$0x260] =	vst v3;
	v3 =	vmax.f32 v4, $0.0e+00  }
0x4d: {  	v5 =	vld [tilespmem:s13+$0x230];
	[tilespmem:s11+$0x270] =	vst v3;
	s11 =	smov.u32 s13  }
0x4e: {  	v3 =	vshll.u32 v11, $0x10;
	v4 =	vld [tilespmem:s11+$0x240]  }
0x4f: {  	s12 =	sadd.s32 $0x200, s12;
	v9 =	vand.u32 $0xFFFF0000, v11;
	v8 =	vadd.f32 v3, v8;
	v3 =	vld [tilespmem:s11+$0x250]  }
0x50: {  	v7 =	vadd.f32 v9, v7;
	v9 =	vshll.u32 v2, $0x10;
	v10 =	vld [tilespmem:s11+$0x260]  }
0x51: {  	v2 =	vand.u32 $0xFFFF0000, v2;
	v8 =	vmax.f32 v8, $0.0e+00;
	v6 =	vadd.f32 v9, v6;
	v9 =	vld [tilespmem:s11+$0x270]  }
0x52: {  	[tilespmem:s11+$0x200] =	vst v8;
	v7 =	vmax.f32 v7, $0.0e+00;
	v2 =	vadd.f32 v2, v5;
	v5 =	vshll.u32 v1, $0x10  }
0x53: {  	v1 =	vand.u32 $0xFFFF0000, v1;
	[tilespmem:s11+$0x210] =	vst v7;
	v6 =	vmax.f32 v6, $0.0e+00;
	v4 =	vadd.f32 v5, v4  }
0x54: {  	[tilespmem:s11+$0x220] =	vst v6;
	v2 =	vmax.f32 v2, $0.0e+00;
	v1 =	vadd.f32 v1, v3;
	v3 =	vshll.u32 v0, $0x10  }
0x55: {  	v0 =	vand.u32 $0xFFFF0000, v0;
	[tilespmem:s11+$0x230] =	vst v2;
	v2 =	vmax.f32 v4, $0.0e+00;
	v3 =	vadd.f32 v3, v10  }
0x56: {  	[tilespmem:s11+$0x240] =	vst v2;
	v1 =	vmax.f32 v1, $0.0e+00;
	v0 =	vadd.f32 v0, v9  }
0x57: {  	[tilespmem:s11+$0x250] =	vst v1;
	v1 =	vmax.f32 v3, $0.0e+00  }
0x58: {  	s10 =	sadd.s32 $0x2, s10;
	[tilespmem:s11+$0x260] =	vst v1;
	v0 =	vmax.f32 v0, $0.0e+00  }
0x59: {  	s13 =	sshll.u32 s10, $0x8;
	[tilespmem:s11+$0x270] =	vst v0  }
0x5a: {  	[spmem:s1] =	stream.indirect.scatter.add.f32 [tilespmem:s18], [sflag:$0x5], $0x80, s26, s17, $0xb8;
	[tilespmem:$0x1DA80] =	vst v63  }
0x5b: {  	s11 =	sadd.s32 s9, s13;
	_ =	swait.ge [sflag:s28], $0x2800  }
0x5c: {  	s11 =	sshrl.u32 s11, $0x3;
	[sflag:s28] =	ssyncset.done $0x0  }
0x5d: {  	s12 =	simm.s32 $0x0;
	s11 =	sadd.s32 s6, s11;
	[sflag:s28] =	ssyncadd.s32 $0xFFFFD800  }
0x5e: {  	[tilespmem:s12], [sflag:$0x7] =	stream.linear.gather [hbm4b:s11+s12], $0x100, $0x38;
	[tilespmem:$0x1DA80] =	vst v63  }
0x5f: {  	_ =	swait.ge [sflag:s29], $0x2800  }
0x60: {  	[sflag:s29] =	ssyncset.done $0x0  }
0x61: {  	[sflag:s29] =	ssyncadd.s32 $0xFFFFD800  }
0x62: {  	_ =	swait.ge [sflag:s30], $0x2800  }
0x63: {  	[sflag:s30] =	ssyncset.done $0x0  }
0x64: {  	s10 =	smul.u32 $0x50, s10;
	[sflag:s30] =	ssyncadd.s32 $0xFFFFD800  }
0x65: {  	_ =	swait.ge [sflag:s23], $0x100  }
0x66: {  	s10 =	sadd.s32 s8, s10;
	[sflag:s23] =	ssyncset.done $0x0  }
0x67: {  	s10 =	sshll.u32 s10, $0x4;
	[sflag:s23] =	ssyncadd.s32 $0xFFFFFF00  }
0x68: {  	[tilespmem:s18], [sflag:$0x1] =	stream.indirect.gather [hbm4b:s4+s17], $0x80, s12, s17, $0xb8;
	[tilespmem:$0x1DA80] =	vst v63  }
0x69: {  	s10 =	sadd.s32 s5, s10  }
0x6a: {  	[tilespmem:s19], [sflag:$0x3] =	stream.linear.gather [hbm4b:s10+s12], $0x2800, $0x38;
	[tilespmem:$0x1DA80] =	vst v63  }
0x6b: {  	s10 =	simm.s32 $0x0  }
0x6c: {  	v3 =	vld [tilespmem:s10+$0x7A00]  }
0x6d: {  	v2 =	vld [tilespmem:s10+$0x7A10]  }
0x6e: {  	v1 =	vld [tilespmem:s10+$0x7A20]  }
0x6f: {  	v0 =	vld [tilespmem:s10+$0x7A30]  }
0x70: {  	v8 =	vld [tilespmem:s10+$0x2A00]  }
0x71: {  	v7 =	vld [tilespmem:s10+$0x2A10]  }
0x72: {  	v6 =	vld [tilespmem:s10+$0x2A20]  }
0x73: {  	v5 =	vld [tilespmem:s10+$0x2A30]  }
0x74: {  	v4 =	vld [tilespmem:s10+$0x2A40];
	v10 =	vshll.u32 v3, $0x10  }
0x75: {  	s11 =	simm.s32 $0x200;
	v9 =	vand.u32 $0xFFFF0000, v3;
	v3 =	vld [tilespmem:s10+$0x2A50];
	v8 =	vadd.f32 v10, v8  }
.LBB2_5:
0x76: {  	p1 =	sne.s32 s11, $0x9E00;
	v7 =	vadd.f32 v9, v7;
	v9 =	vshll.u32 v2, $0x10;
	v10 =	vld [tilespmem:s10+$0x2A60]  }
0x77: {  	s12 =	sshra.s32 s11, $0x2;
	v2 =	vand.u32 $0xFFFF0000, v2;
	v8 =	vmax.f32 v8, $0.0e+00;
	v6 =	vadd.f32 v9, v6;
	v9 =	vld [tilespmem:s10+$0x2A70]  }
0x78: {  	v11 =	vld [tilespmem:s12+$0x7A00];
	[tilespmem:s10+$0x2A00] =	vst v8;
	v7 =	vmax.f32 v7, $0.0e+00;
	v5 =	vadd.f32 v2, v5;
	v8 =	vshll.u32 v1, $0x10  }
0x79: {  	v2 =	vld [tilespmem:s12+$0x7A10];
	[tilespmem:s10+$0x2A10] =	vst v7;
	v6 =	vmax.f32 v6, $0.0e+00;
	v7 =	vand.u32 $0xFFFF0000, v1;
	v4 =	vadd.f32 v8, v4  }
0x7a: {  	v1 =	vld [tilespmem:s12+$0x7A20];
	[tilespmem:s10+$0x2A20] =	vst v6;
	v5 =	vmax.f32 v5, $0.0e+00;
	v3 =	vadd.f32 v7, v3;
	v6 =	vshll.u32 v0, $0x10  }
0x7b: {  	[tilespmem:s10+$0x2A30] =	vst v5;
	v4 =	vmax.f32 v4, $0.0e+00;
	v5 =	vand.u32 $0xFFFF0000, v0;
	v0 =	vld [tilespmem:s12+$0x7A30];
	v6 =	vadd.f32 v6, v10  }
0x7c: {  	v8 =	vld [tilespmem:s12+$0x2A00];
	[tilespmem:s10+$0x2A40] =	vst v4;
	v3 =	vmax.f32 v3, $0.0e+00;
	v4 =	vadd.f32 v5, v9  }
.Ltmp1:
0x7d: {  	v7 =	vld [tilespmem:s12+$0x2A10];
	[tilespmem:s10+$0x2A50] =	vst v3;
	v3 =	vmax.f32 v6, $0.0e+00;
	(pc) =	sbr.rel @p1 .LBB2_5-.Ltmp1, $4  }
0x7e: {  	v6 =	vld [tilespmem:s12+$0x2A20];
	[tilespmem:s10+$0x2A60] =	vst v3;
	v3 =	vmax.f32 v4, $0.0e+00  }
0x7f: {  	v5 =	vld [tilespmem:s12+$0x2A30];
	[tilespmem:s10+$0x2A70] =	vst v3;
	s10 =	smov.u32 s12  }
0x80: {  	v3 =	vshll.u32 v11, $0x10;
	v4 =	vld [tilespmem:s10+$0x2A40]  }
0x81: {  	s11 =	sadd.s32 $0x200, s11;
	v9 =	vand.u32 $0xFFFF0000, v11;
	v8 =	vadd.f32 v3, v8;
	v3 =	vld [tilespmem:s10+$0x2A50]  }
0x82: {  	v7 =	vadd.f32 v9, v7;
	v55 =	vshll.u32 v2, $0x10;
	v10 =	vld [tilespmem:s10+$0x2A60]  }
0x83: {  	v56 =	vand.u32 $0xFFFF0000, v2;
	v57 =	vld [tilespmem:s10+$0x2A70];
	v8 =	vmax.f32 v8, $0.0e+00;
	v6 =	vadd.f32 v55, v6  }
0x84: {  	v58 =	vshll.u32 v1, $0x10;
	[tilespmem:s10+$0x2A00] =	vst v8;
	v7 =	vmax.f32 v7, $0.0e+00;
	v2 =	vadd.f32 v56, v5  }
0x85: {  	v59 =	vand.u32 $0xFFFF0000, v1;
	[tilespmem:s10+$0x2A10] =	vst v7;
	v6 =	vmax.f32 v6, $0.0e+00;
	v4 =	vadd.f32 v58, v4  }
0x86: {  	v60 =	vshll.u32 v0, $0x10;
	s7 =	sadd.s32 $0x1, s7;
	[tilespmem:s10+$0x2A20] =	vst v6;
	v2 =	vmax.f32 v2, $0.0e+00;
	v1 =	vadd.f32 v59, v3  }
0x87: {  	v62 =	vand.u32 $0xFFFF0000, v0;
	p1 =	sne.s32 s7, $0x3E;
	[tilespmem:s10+$0x2A30] =	vst v2;
	v61 =	vmax.f32 v4, $0.0e+00;
	v3 =	vadd.f32 v60, v10  }
.Ltmp2:
0x88: {  	v0 =	vadd.f32 v62, v57;
	[tilespmem:s10+$0x2A40] =	vst v61;
	v1 =	vmax.f32 v1, $0.0e+00;
	(pc) =	sbr.rel @p1 .LBB2_2-.Ltmp2, $4  }
0x89: {  	[tilespmem:s10+$0x2A50] =	vst v1;
	v63 =	vmax.f32 v3, $0.0e+00  }
0x8a: {  	v0 =	vmax.f32 v0, $0.0e+00;
	[tilespmem:s10+$0x2A60] =	vst v63  }
0x8b: {  	[tilespmem:s10+$0x2A70] =	vst v0  }
0x8c: {  	[spmem:s1] =	stream.indirect.scatter.add.f32 [tilespmem:s24], [sflag:$0x6], $0x80, s31, s17, $0xb8;
	[tilespmem:$0x1DA80] =	vst v63  }
0x8d: {  	_ =	swait.ge [sflag:s0], $0x2800  }
0x8e: {  	[sflag:s0] =	ssyncset.done $0x0  }
0x8f: {  	[sflag:s0] =	ssyncadd.s32 $0xFFFFD800  }
0x90: {  	_ =	swait.ge [sflag:s20], $0x2800  }
0x91: {  	[sflag:s20] =	ssyncset.done $0x0  }
0x92: {  	[sflag:s20] =	ssyncadd.s32 $0xFFFFD800  }
0x93: {  	_ =	swait.ge [sflag:s22], $0x2800  }
0x94: {  	[sflag:s22] =	ssyncset.done $0x0  }
0x95: {  	s7 =	simm.s32 $0x0;
	[sflag:s22] =	ssyncadd.s32 $0xFFFFD800  }
0x96: {  	v3 =	vld [tilespmem:s7+$0x5200]  }
0x97: {  	v2 =	vld [tilespmem:s7+$0x5210]  }
0x98: {  	v1 =	vld [tilespmem:s7+$0x5220]  }
0x99: {  	v0 =	vld [tilespmem:s7+$0x5230]  }
0x9a: {  	v8 =	vld [tilespmem:s7+$0x200]  }
0x9b: {  	v7 =	vld [tilespmem:s7+$0x210]  }
0x9c: {  	v6 =	vld [tilespmem:s7+$0x220]  }
0x9d: {  	v5 =	vld [tilespmem:s7+$0x230]  }
0x9e: {  	v4 =	vld [tilespmem:s7+$0x240];
	v10 =	vshll.u32 v3, $0x10  }
0x9f: {  	s10 =	simm.s32 $0x200;
	v9 =	vand.u32 $0xFFFF0000, v3;
	v3 =	vld [tilespmem:s7+$0x250];
	v8 =	vadd.f32 v10, v8  }
.LBB2_8:
0xa0: {  	p1 =	sne.s32 s10, $0x9E00;
	v7 =	vadd.f32 v9, v7;
	v9 =	vshll.u32 v2, $0x10;
	v10 =	vld [tilespmem:s7+$0x260]  }
0xa1: {  	s11 =	sshra.s32 s10, $0x2;
	v2 =	vand.u32 $0xFFFF0000, v2;
	v8 =	vmax.f32 v8, $0.0e+00;
	v6 =	vadd.f32 v9, v6;
	v9 =	vld [tilespmem:s7+$0x270]  }
0xa2: {  	v11 =	vld [tilespmem:s11+$0x5200];
	[tilespmem:s7+$0x200] =	vst v8;
	v7 =	vmax.f32 v7, $0.0e+00;
	v5 =	vadd.f32 v2, v5;
	v8 =	vshll.u32 v1, $0x10  }
0xa3: {  	v2 =	vld [tilespmem:s11+$0x5210];
	[tilespmem:s7+$0x210] =	vst v7;
	v6 =	vmax.f32 v6, $0.0e+00;
	v7 =	vand.u32 $0xFFFF0000, v1;
	v4 =	vadd.f32 v8, v4  }
0xa4: {  	v1 =	vld [tilespmem:s11+$0x5220];
	[tilespmem:s7+$0x220] =	vst v6;
	v5 =	vmax.f32 v5, $0.0e+00;
	v3 =	vadd.f32 v7, v3;
	v6 =	vshll.u32 v0, $0x10  }
0xa5: {  	[tilespmem:s7+$0x230] =	vst v5;
	v4 =	vmax.f32 v4, $0.0e+00;
	v5 =	vand.u32 $0xFFFF0000, v0;
	v0 =	vld [tilespmem:s11+$0x5230];
	v6 =	vadd.f32 v6, v10  }
0xa6: {  	v8 =	vld [tilespmem:s11+$0x200];
	[tilespmem:s7+$0x240] =	vst v4;
	v3 =	vmax.f32 v3, $0.0e+00;
	v4 =	vadd.f32 v5, v9  }
.Ltmp3:
0xa7: {  	v7 =	vld [tilespmem:s11+$0x210];
	[tilespmem:s7+$0x250] =	vst v3;
	v3 =	vmax.f32 v6, $0.0e+00;
	(pc) =	sbr.rel @p1 .LBB2_8-.Ltmp3, $4  }
0xa8: {  	v6 =	vld [tilespmem:s11+$0x220];
	[tilespmem:s7+$0x260] =	vst v3;
	v3 =	vmax.f32 v4, $0.0e+00  }
0xa9: {  	v5 =	vld [tilespmem:s11+$0x230];
	[tilespmem:s7+$0x270] =	vst v3;
	s7 =	smov.u32 s11  }
0xaa: {  	v3 =	vshll.u32 v11, $0x10;
	v4 =	vld [tilespmem:s7+$0x240]  }
0xab: {  	s10 =	sadd.s32 $0x200, s10;
	v9 =	vand.u32 $0xFFFF0000, v11;
	v8 =	vadd.f32 v3, v8;
	v3 =	vld [tilespmem:s7+$0x250]  }
0xac: {  	v7 =	vadd.f32 v9, v7;
	v55 =	vshll.u32 v2, $0x10;
	v10 =	vld [tilespmem:s7+$0x260]  }
0xad: {  	v56 =	vand.u32 $0xFFFF0000, v2;
	v57 =	vld [tilespmem:s7+$0x270];
	v8 =	vmax.f32 v8, $0.0e+00;
	v6 =	vadd.f32 v55, v6  }
0xae: {  	v58 =	vshll.u32 v1, $0x10;
	[tilespmem:s7+$0x200] =	vst v8;
	v7 =	vmax.f32 v7, $0.0e+00;
	v2 =	vadd.f32 v56, v5  }
0xaf: {  	v59 =	vand.u32 $0xFFFF0000, v1;
	[tilespmem:s7+$0x210] =	vst v7;
	v6 =	vmax.f32 v6, $0.0e+00;
	v4 =	vadd.f32 v58, v4  }
0xb0: {  	v60 =	vshll.u32 v0, $0x10;
	[tilespmem:s7+$0x220] =	vst v6;
	v2 =	vmax.f32 v2, $0.0e+00;
	v1 =	vadd.f32 v59, v3  }
0xb1: {  	v62 =	vand.u32 $0xFFFF0000, v0;
	[tilespmem:s7+$0x230] =	vst v2;
	v61 =	vmax.f32 v4, $0.0e+00;
	v3 =	vadd.f32 v60, v10  }
0xb2: {  	v0 =	vadd.f32 v62, v57;
	[tilespmem:s7+$0x240] =	vst v61;
	v1 =	vmax.f32 v1, $0.0e+00  }
0xb3: {  	[tilespmem:s7+$0x250] =	vst v1;
	v63 =	vmax.f32 v3, $0.0e+00  }
0xb4: {  	v0 =	vmax.f32 v0, $0.0e+00;
	[tilespmem:s7+$0x260] =	vst v63  }
0xb5: {  	[tilespmem:s7+$0x270] =	vst v0  }
0xb6: {  	[spmem:s1] =	stream.indirect.scatter.add.f32 [tilespmem:s18], [sflag:$0x5], $0x80, s26, s17, $0xb8;
	[tilespmem:$0x1DA80] =	vst v63  }
0xb7: {  	_ =	swait.ge [sflag:s28], $0x2800  }
0xb8: {  	[sflag:s28] =	ssyncset.done $0x0  }
0xb9: {  	[sflag:s28] =	ssyncadd.s32 $0xFFFFD800  }
0xba: {  	[bflag:$0x0] =	sbarrier.arrive $0xFFFF  }
0xbb: {  	s7 =	rddreg [dreg:$0x6]  }
0xbc: {  	[hbm:s7], [sflag:s14] =	dma.local @!p0 [spmem:s15], $0x3E80  }
0xbd: {  	s7 =	simm.s32 @!p0 $0x8  }
0xbe: {  	_ =	swait.ge @!p0 [sflag:s7], $0x3E80  }
0xbf: {  	s2 =	sadd.s32 $0x1, s2;
	s10 =	rddreg [dreg:$0x7]  }
0xc0: {  	p1 =	sne.s32 s2, s10  }
.Ltmp4:
0xc1: {  	_ = 	snop;
	(pc) =	sbr.rel @p1 .LBB2_1-.Ltmp4, $3  }
0xc2: {  	_ =	sdelay $0x1  }
0xc3: {  	[sflag:s7] =	ssyncset.done @!p0 $0x0  }
0xc4: {  	[sflag:s7] =	ssyncadd.s32 @!p0 $0xFFFFC180  }
0xc5: {  	_ =	sfence.sel $0x180000  }
0xc6: {  	[bflag:$0x0] =	sbarrier.arrive $0xFFFF  }
0xc7: {  	_ =	strace $0x9000004A  }
0xc8: {  	s0 =	stileid.u32;
	[bflag:$0x2] =	sbarrier.arrive $0xFFFF  }
0xc9: {  	p0 =	sne.s32 s0, $0x0;
	s0 =	rddreg [dreg:$0x2]  }
0xca: {  	s0 =	sadd.s32 @!p0 $0x100000, s0  }
0xcb: {  	[sflag:s0] =	ssyncadd.tile.s32 @!p0 $0x1;
	_ =	shalt  }
.Lfunc_end2:
_tile_overlayer_lowered:
.L_overlay_start_2:
0xcc: {  	(tag) =	ssettag $0x2  }
0xcd: {  	s0 =	rddreg [dreg:$0x0];
	s2 =	stileid.u32  }
0xce: {  	s1 =	rddreg [dreg:$0x1];
	p0 =	sne.s32 s2, $0x0  }
0xcf: {  	s3 =	rddreg [dreg:$0x2];
	[bflag:$0x3] =	sbarrier.arrive $0xFFFF;
	s2 =	simm.s32 @!p0 $0x1C08  }
0xd0: {  	[timem:s3], [sflag:s2] =	dma.local @!p0 [hbm:s0], s1  }
0xd1: {  	s0 =	simm.s32 @!p0 $0x8  }
0xd2: {  	_ =	swait.ge @!p0 [sflag:s0], s1  }
0xd3: {  	s1 =	ssub.s32 @!p0 $0x0, s1;
	[sflag:s0] =	ssyncset.done @!p0 $0x0  }
0xd4: {  	[sflag:s0] =	ssyncadd.s32 @!p0 s1  }
0xd5: {  	[bflag:$0x3] =	sbarrier.arrive $0xFFFF  }
0xd6: {  	_ =	shalt  }

// kernel: kernel.7.cloned.1.call-start
scs
__scs_entry_jumppad:
0x0: {  	(pc) =	sbr.rel $0x88, $3  }
0x1: {  	(tag) =	ssettag $0x0;
	lr =	simm.s32 $0x1  }
0x2: {  	[smem:$0x3F89] =	sst lr;
	_ =	strace $0xD0000000  }
0x3: {  	_ = 	snop  }
0x4: {  	_ = 	snop  }
0x5: {  	_ = 	snop  }
0x6: {  	_ = 	snop  }
0x7: {  	_ = 	snop  }
__scs_overlays_trampoline_lowered:
0x8: {  	[smem:$0x3F98] =	sst s0  }
0x9: {  	[smem:$0x3F99] =	sst s1  }
0xa: {  	[smem:$0x3F9A] =	sst s2  }
0xb: {  	[smem:$0x3F9B] =	sst s3  }
0xc: {  	[smem:$0x3F9C] =	sst s4  }
0xd: {  	[smem:$0x3F9D] =	sst s5  }
0xe: {  	[smem:$0x3F9E] =	sst s6  }
0xf: {  	[smem:$0x3F9F] =	sst s7  }
0x10: {  	[smem:$0x3FA0] =	sst s8  }
0x11: {  	[smem:$0x3FA1] =	sst s9;
	s0 =	simm.s32 @!p0 $0x0  }
0x12: {  	s1 =	sld [smem:$0x3F87];
	s0 =	simm.s32 @p0 $0x1  }
0x13: {  	[smem:$0x3FA2] =	sst s0;
	s0 =	simm.s32 @!p1 $0x0  }
0x14: {  	s2 =	sld [smem:$0x3F86];
	s0 =	simm.s32 @p1 $0x1  }
0x15: {  	[smem:$0x3FA3] =	sst s0;
	s0 =	simm.s32 @!p2 $0x0  }
0x16: {  	s3 =	sld [smem:$0x3FDB];
	s0 =	simm.s32 @p2 $0x1  }
0x17: {  	s4 =	simm.s32 $0x1BF5;
	[smem:$0x3FA5] =	sst s0  }
0x18: {  	s0 =	sld [smem:$0x3F88];
	_ =	swait.ge [sflag:s4], $0x0  }
0x19: {  	s7 =	sld [smem:$0x3F89]  }
0x1a: {  	s8 =	sadd.s32 $0xFFFFE003, lr  }
0x1b: {  	s9 =	sadd.s32 $0xFFFFFEF7, lr;
	s5 =	simm.s32 $0xFFFFFFFF;
	p2 =	slt.u32 s8, $0xFFFFF086  }
0x1c: {  	p1 =	slt.u32 s9, $0xF7A;
	s5 =	simm.s32 @!p2 $0x0  }
0x1d: {  	s5 =	simm.s32 @p1 $0x1;
	p0 =	seq.s32 s7, s2  }
0x1e: {  	s7 =	smul.u32 @!p0 $0xF7A, s2;
	p2 =	seq.s32 @!p0 s5, $0x0  }
0x1f: {  	s9 =	smul.u32 $0xF7A, s1;
	s8 =	simm.s32 @!p0 $0x1BF5;
	p2 =	por !p2, p0  }
0x20: {  	[sflag:s8] =	ssyncset.s32 @!p0 $0xFFFFF086;
	s6 =	sadd.s32 @!p0 s3, s7;
	s7 =	simm.s32 @!p0 $0x108  }
0x21: {  	s3 =	sadd.s32 s3, s9;
	s6 =	sadd.s32 @!p0 $0x88, s6;
	s7 =	simm.s32 @p2 $0x1082  }
0x22: {  	[simem:s7], [sflag:s8] =	dma.local @!p0 [hbm:s6], $0xF7A  }
0x23: {  	s9 =	sor.u32 $0xD0000000, s2;
	s6 =	simm.s32 $0x108;
	_ =	swait.ge @!p0 [sflag:s8], $0x0  }
0x24: {  	s3 =	sadd.s32 $0x88, s3;
	s6 =	simm.s32 @!p1 $0x1082;
	[sflag:s4] =	ssyncset.s32 $0xFFFFF086  }
0x25: {  	[simem:s6], [sflag:s4] =	dma.local [hbm:s3], $0xF7A  }
0x26: {  	[smem:$0x3F89] =	sst s1;
	(tag) =	ssettag s2;
	_ =	strace s9  }
0x27: {  	s1 =	sld [smem:$0x3F99]  }
0x28: {  	s2 =	sld [smem:$0x3F9A]  }
0x29: {  	s4 =	sld [smem:$0x3F9C]  }
0x2a: {  	p0 =	seq.s32 s5, $0x0;
	s5 =	sld [smem:$0x3F9D]  }
0x2b: {  	s6 =	sld [smem:$0x3F9E]  }
0x2c: {  	s7 =	sld [smem:$0x3F9F]  }
0x2d: {  	s3 =	simm.s32 $0x108;
	s8 =	sld [smem:$0x3FA0]  }
0x2e: {  	s3 =	simm.s32 @!p0 $0x1082;
	s9 =	sld [smem:$0x3FA1]  }
0x2f: {  	lr =	sadd.s32 s0, s3;
	s0 =	sld [smem:$0x3F98]  }
0x30: {  	s3 =	sld [smem:$0x3F9B]  }
0x31: {  	[smem:$0x3FA4] =	sst s10  }
0x32: {  	s10 =	sld [smem:$0x3FA2];
	_ =	sdelay $0x3  }
0x33: {  	p0 =	seq.s32 s10, $0x1;
	s10 =	sld [smem:$0x3FA4];
	_ =	sdelay $0x3  }
0x34: {  	[smem:$0x3FA4] =	sst s10  }
0x35: {  	s10 =	sld [smem:$0x3FA3];
	_ =	sdelay $0x3  }
0x36: {  	p1 =	seq.s32 s10, $0x1;
	s10 =	sld [smem:$0x3FA4];
	_ =	sdelay $0x3  }
0x37: {  	[smem:$0x3FA4] =	sst s10  }
0x38: {  	s10 =	sld [smem:$0x3FA5]  }
0x39: {  	_ = 	snop;
	(pc) =	sbr.ind lr, $3  }
0x3a: {  	_ = 	snop  }
0x3b: {  	_ = 	snop  }
0x3c: {  	p2 =	seq.s32 s10, $0x1;
	s10 =	sld [smem:$0x3FA4]  }
0x3d: {  	_ =	shalt  }
0x3e: {  	_ =	shalt  }
0x3f: {  	_ =	shalt  }
0x40: {  	_ =	shalt  }
0x41: {  	_ =	shalt  }
0x42: {  	_ =	shalt  }
0x43: {  	_ =	shalt  }
0x44: {  	_ =	shalt  }
0x45: {  	_ =	shalt  }
0x46: {  	_ =	shalt  }
0x47: {  	_ =	shalt  }
0x48: {  	_ =	shalt  }
0x49: {  	_ =	shalt  }
0x4a: {  	_ =	shalt  }
0x4b: {  	_ =	shalt  }
0x4c: {  	_ =	shalt  }
0x4d: {  	_ =	shalt  }
0x4e: {  	_ =	shalt  }
0x4f: {  	_ =	shalt  }
0x50: {  	_ =	shalt  }
0x51: {  	_ =	shalt  }
0x52: {  	_ =	shalt  }
0x53: {  	_ =	shalt  }
0x54: {  	_ =	shalt  }
0x55: {  	_ =	shalt  }
0x56: {  	_ =	shalt  }
0x57: {  	_ =	shalt  }
0x58: {  	_ =	shalt  }
0x59: {  	_ =	shalt  }
0x5a: {  	_ =	shalt  }
0x5b: {  	_ =	shalt  }
0x5c: {  	_ =	shalt  }
0x5d: {  	_ =	shalt  }
0x5e: {  	_ =	shalt  }
0x5f: {  	_ =	shalt  }
0x60: {  	_ =	shalt  }
0x61: {  	_ =	shalt  }
0x62: {  	_ =	shalt  }
0x63: {  	_ =	shalt  }
0x64: {  	_ =	shalt  }
0x65: {  	_ =	shalt  }
0x66: {  	_ =	shalt  }
0x67: {  	_ =	shalt  }
0x68: {  	_ =	shalt  }
0x69: {  	_ =	shalt  }
0x6a: {  	_ =	shalt  }
0x6b: {  	_ =	shalt  }
0x6c: {  	_ =	shalt  }
0x6d: {  	_ =	shalt  }
0x6e: {  	_ =	shalt  }
0x6f: {  	_ =	shalt  }
0x70: {  	_ =	shalt  }
0x71: {  	_ =	shalt  }
0x72: {  	_ =	shalt  }
0x73: {  	_ =	shalt  }
0x74: {  	_ =	shalt  }
0x75: {  	_ =	shalt  }
0x76: {  	_ =	shalt  }
0x77: {  	_ =	shalt  }
0x78: {  	_ =	shalt  }
0x79: {  	_ =	shalt  }
0x7a: {  	_ =	shalt  }
0x7b: {  	_ =	shalt  }
0x7c: {  	_ =	shalt  }
0x7d: {  	_ =	shalt  }
0x7e: {  	_ =	shalt  }
0x7f: {  	_ =	shalt  }
0x80: {  	_ =	shalt  }
0x81: {  	_ =	shalt  }
0x82: {  	_ =	shalt  }
0x83: {  	_ =	shalt  }
0x84: {  	_ =	shalt  }
0x85: {  	_ =	shalt  }
0x86: {  	_ =	shalt  }
0x87: {  	_ =	shalt  }
.Lfunc_end0:
.L_simem_size_0:
called_computation_lowered:
.L_overlay_start_0:
0x88: {  	s2 =	sld [smem:$0x3FD9]  }
0x89: {  	s3 =	sld [smem:$0x3FFE];
	_ =	sdelay $0x1  }
0x8a: {  	s1 =	srdreg.scid  }
0x8b: {  	s0 =	sand.u32 $0x1, s1  }
0x8c: {  	s16 =	sshll.u32 s0, $0xA;
	s2 =	sadd.s32 s3, s2  }
0x8d: {  	s2 =	sadd.s32 s2, s16  }
0x8e: {  	[smem:$0x3FB0] =	sst s2  }
0x8f: {  	_ = 	snop  }
0x90: {  	(tm) =	ssettm $0x1  }
0x91: {  	s17 =	sld [smem:$0x3FFB];
	_ =	sdelay $0x3  }
0x92: {  	_ =	strace s17  }
0x93: {  	s2 =	sld [smem:$0x3FFC];
	_ =	sdelay $0x3  }
0x94: {  	_ =	strace s2  }
0x95: {  	s2 =	sld [smem:$0x3FFD];
	_ =	sdelay $0x3  }
0x96: {  	_ =	strace s2  }
0x97: {  	_ =	strace $0x8FFFFFFF  }
0x98: {  	s18 =	sld [smem:$0x3FDB];
	_ =	sdelay $0x1  }
0x99: {  	s19 =	simm.s32 $_scs_section_size  }
0x9a: {  	s4 =	simm.s32 $_size__tile_overlayer_lowered;
	s5 =	simm.s32 $_tile_overlayer_lowered  }
0x9b: {  	s22 =	simm.s32 $0x1BFF;
	s21 =	sshll.u32 s5, $0x1;
	s2 =	sadd.s32 s19, s18  }
0x9c: {  	s6 =	simm.s32 $0x0;
	s20 =	sshll.u32 s4, $0x1;
	s4 =	sadd.s32 s21, s2  }
0x9d: {  	[timem:s6], [sflag:s22] =	dma.local [hbm:s4], s20  }
0x9e: {  	_ =	swait.ge [sflag:s22], s20  }
0x9f: {  	s3 =	ssub.s32 $0x0, s20;
	[sflag:s22] =	ssyncset.done $0x0  }
0xa0: {  	[sflag:s22] =	ssyncadd.s32 s3;
	_ =	sdelay $0x1  }
0xa1: {  	s23 =	simm.s32 $0x1B8B  }
0xa2: {  	_ =	swait.ge [sflag:s23], $0x1  }
0xa3: {  	[sflag:s23] =	ssyncset.done $0x0  }
0xa4: {  	s25 =	simm.s32 $0x1B8E;
	s24 =	sld [smem:$0x3FFE];
	[sflag:s23] =	ssyncadd.s32 $0xFFFFFFFF  }
0xa5: {  	s26 =	simm.s32 $execute0_lowered;
	[smem:$0x3FD2] =	sst s25  }
0xa6: {  	s4 =	sshll.u32 s26, $0x1;
	_ =	strace $0x80000046;
	[dreg:$0x1] =	wrdreg $0xFFFFFFFF  }
0xa7: {  	s28 =	simm.s32 $_size_execute0_lowered;
	s2 =	sadd.s32 s2, s4;
	[dreg:$0x0] =	wrdreg $0x0  }
0xa8: {  	s4 =	sshll.u32 s28, $0x1;
	[dreg:$0x2] =	wrdreg s2  }
0xa9: {  	[dreg:$0x3] =	wrdreg s4  }
0xaa: {  	[dreg:$0x4] =	wrdreg $0xC0  }
0xab: {  	_ =	task [dreg:s6], $0x5FFFF  }
0xac: {  	[dreg:$0x1] =	wrdreg $0xFFFFFFFF  }
0xad: {  	[dreg:$0x0] =	wrdreg $0x60  }
0xae: {  	[dreg:$0x2] =	wrdreg s24  }
0xaf: {  	[dreg:$0x3] =	wrdreg $0xA2000  }
0xb0: {  	[dreg:$0x4] =	wrdreg $0x9  }
0xb1: {  	_ =	task.clear_ibuf [dreg:s6], $0x5FFFF;
	_ =	strace $0x90000046  }
0xb2: {  	s29 =	simm.s32 $0x9;
	_ =	strace $0x80000048  }
0xb3: {  	_ =	swait.ge [sflag:s29], $0x1  }
0xb4: {  	[sflag:s29] =	ssyncadd.s32 $0xFFFFFFFF  }
0xb5: {  	_ =	strace $0x90000048  }
0xb6: {  	_ =	sfence  }
0xb7: {  	s30 =	sld [smem:$0x0];
	_ =	sdelay $0x2  }
0xb8: {  	s31 =	sshll.u32 s1, $0xD;
	s1 =	sshrl.u32 s1, $0x2  }
0xb9: {  	s3 =	sand.u32 $0x4000, s31;
	s1 =	sadd.s32 s1, s30  }
0xba: {  	s0 =	sor.u32 s3, s0;
	s1 =	sshll.u32 s1, $0x11  }
0xbb: {  	s0 =	sor.u32 s1, s0  }
0xbc: {  	s0 =	sadd.s32 $0x8F2B, s0  }
0xbd: {  	[sflag:s0] =	ssyncadd.remote.s32 $0x1  }
0xbe: {  	_ =	sfence.sel $0xFFFF  }
0xbf: {  	[dreg:$0x0] =	wrdreg $0xFFFFFFFF;
	(pc) =	sbr.abs _section_cstart, $3  }
0xc0: {  	[dreg:$0x1] =	wrdreg $0xFFFFFFFF  }
0xc1: {  	_ =	task.clear_ibuf [dreg:s6], $0x2FFFF;
	_ =	strace $0x9FFFFFFF  }
0xc2: {  	(tm) =	ssettm $0x7FFFFFFF  }
0xc3: {  	_ =	shalt  }
tec
execute0_lowered:
.L_overlay_start_1:
0x0: {  	(tag) =	ssettag $0x1  }
0x1: {  	s0 =	rddreg [dreg:$0x0]  }
0x2: {  	s1 =	rddreg [dreg:$0x1];
	s3 =	simm.s32 $0x0;
	s2 =	srdreg.scid  }
0x3: {  	s14 =	stileid.u32;
	s16 =	simm.s32 $0x8;
	s17 =	simm.s32 $0x50  }
0x4: {  	s18 =	simm.s32 $0x200;
	s19 =	simm.s32 $0x5200;
	s20 =	simm.s32 $0x1  }
0x5: {  	s28 =	simm.s32 $0x5;
	s29 =	simm.s32 $0x2;
	s8 =	smul.u32 $0x1F400, s14  }
0x6: {  	s30 =	simm.s32 $0x4;
	s4 =	sadd.s32 $0x294A00, s0;
	s9 =	smul.u32 $0x7D000, s14  }
0x7: {  	s31 =	simm.s32 $0x180;
	s5 =	sadd.s32 $0x2E2C00, s0;
	s21 =	smul.u32 $0x2710, s14  }
0x8: {  	s2 =	sand.u32 $0x1, s2;
	s6 =	sadd.s32 $0x275600, s0;
	s13 =	smul.u32 $0x7D00, s14  }
0x9: {  	[smem:$0x7FF] =	sst s3;
	s11 =	sadd.s32 $0x4600, s0;
	s7 =	smul.u32 $0x138800, s2  }
0xa: {  	p0 =	sgt.u32 s14, $0x9;
	_ =	strace $0x80000047;
	s10 =	smul.u32 $0x27100, s2  }
0xb: {  	[dreg:$0x3] =	wrdreg s11;
	s22 =	ssub.s32 $0x2, s2;
	s2 =	smul.u32 $0x7D000, s2  }
0xc: {  	s12 =	sshrl.u32 s22, $0x1;
	s24 =	sshrl.u32 s9, $0x2;
	s7 =	sadd.s32 s8, s7  }
0xd: {  	s23 =	ssub.s32 s22, s12;
	s12 =	sadd.s32 s24, s1;
	s8 =	sadd.s32 s21, s10  }
0xe: {  	s9 =	sadd.s32 s13, s2;
	s21 =	simm.s32 $0x100;
	s22 =	simm.s32 $0x3  }
0xf: {  	s24 =	simm.s32 $0x2A00;
	s7 =	sshrl.u32 s7, $0x3;
	s2 =	sshrl.u32 s9, $0x3  }
0x10: {  	s10 =	sshll.u32 s8, $0x4;
	s26 =	smax.u32 s23, $0x1;
	s15 =	sshrl.u32 @!p0 s12, $0x3  }
0x11: {  	s23 =	simm.s32 $0x7;
	s2 =	sadd.s32 s6, s2;
	[dreg:$0x7] =	wrdreg s26  }
0x12: {  	s0 =	sadd.s32 s7, s0;
	s25 =	sadd.s32 s5, s10;
	[dreg:$0x4] =	wrdreg s2  }
0x13: {  	s26 =	simm.s32 $0x80;
	[dreg:$0x5] =	wrdreg s25;
	s0 =	sadd.s32 $0x8600, s0  }
0x14: {  	s2 =	sshll.u32 @!p0 s14, $0x6;
	s25 =	simm.s32 $0x7A00;
	[dreg:$0x6] =	wrdreg s0  }
0x15: {  	s14 =	sor.u32 @!p0 $0x1C08, s2;
	s0 =	simm.s32 $0x6;
	s2 =	simm.s32 $0x0  }
.LBB2_1:
0x16: {  	s7 =	rddreg [dreg:$0x3]  }
0x17: {  	[spmem:s15], [sflag:s14] =	dma.local @!p0 [hbm:s7], $0x3E80  }
0x18: {  	s7 =	simm.s32 @!p0 $0x8  }
0x19: {  	_ =	swait.ge @!p0 [sflag:s7], $0x3E80  }
0x1a: {  	[sflag:s7] =	ssyncset.done @!p0 $0x0  }
0x1b: {  	[sflag:s7] =	ssyncadd.s32 @!p0 $0xFFFFC180  }
0x1c: {  	[bflag:$0x0] =	sbarrier.arrive $0xFFFF  }
0x1d: {  	s12 =	rddreg [dreg:$0x4]  }
0x1e: {  	[tilespmem:s3], [sflag:$0x8] =	stream.linear.gather [hbm4b:s12+s3], $0x100, $0x38;
	[tilespmem:$0x1DA80] =	vst v63  }
0x1f: {  	_ =	swait.ge [sflag:s16], $0x100  }
0x20: {  	[sflag:s16] =	ssyncset.done $0x0  }
0x21: {  	[sflag:s16] =	ssyncadd.s32 $0xFFFFFF00  }
0x22: {  	[tilespmem:s18], [sflag:$0x1] =	stream.indirect.gather [hbm4b:s4+s17], $0x80, s3, s17, $0xb8;
	[tilespmem:$0x1DA80] =	vst v63  }
0x23: {  	s7 =	simm.s32 $0x0;
	s13 =	rddreg [dreg:$0x5]  }
0x24: {  	[tilespmem:s19], [sflag:$0x3] =	stream.linear.gather [hbm4b:s13+s3], $0x2800, $0x38;
	[tilespmem:$0x1DA80] =	vst v63  }
.LBB2_2:
0x25: {  	s10 =	sshll.u32 s7, $0x1;
	p1 =	seq.s32 s7, $0x0  }
0x26: {  	s11 =	sor.u32 @!p1 $0x1, s10  }
0x27: {  	s11 =	simm.s32 @p1 $0x1  }
0x28: {  	s12 =	simm.s32 @!p1 $0x6;
	s13 =	sshll.u32 s11, $0x8  }
0x29: {  	_ =	swait.ge @!p1 [sflag:s12], $0x2800;
	s13 =	sadd.s32 s9, s13  }
0x2a: {  	[sflag:s12] =	ssyncset.done @!p1 $0x0;
	s13 =	sshrl.u32 s13, $0x3  }
0x2b: {  	[sflag:s12] =	ssyncadd.s32 @!p1 $0xFFFFD800;
	s12 =	sadd.s32 s6, s13;
	s13 =	simm.s32 $0x0  }
0x2c: {  	[tilespmem:s21], [sflag:$0x7] =	stream.linear.gather [hbm4b:s12+s13], $0x100, $0x38;
	[tilespmem:$0x1DA80] =	vst v63  }
0x2d: {  	_ =	swait.ge [sflag:s20], $0x2800  }
0x2e: {  	[sflag:s20] =	ssyncset.done $0x0  }
0x2f: {  	[sflag:s20] =	ssyncadd.s32 $0xFFFFD800  }
0x30: {  	_ =	swait.ge [sflag:s22], $0x2800  }
0x31: {  	[sflag:s22] =	ssyncset.done $0x0  }
0x32: {  	s11 =	smul.u32 $0x50, s11;
	[sflag:s22] =	ssyncadd.s32 $0xFFFFD800  }
0x33: {  	_ =	swait.ge [sflag:s23], $0x100  }
0x34: {  	s11 =	sadd.s32 s8, s11;
	[sflag:s23] =	ssyncset.done $0x0  }
0x35: {  	s11 =	sshll.u32 s11, $0x4;
	[sflag:s23] =	ssyncadd.s32 $0xFFFFFF00  }
0x36: {  	[tilespmem:s24], [sflag:$0x2] =	stream.indirect.gather [hbm4b:s4+s17], $0x80, s21, s17, $0xb8;
	[tilespmem:$0x1DA80] =	vst v63  }
0x37: {  	s11 =	sadd.s32 s5, s11  }
0x38: {  	[tilespmem:s25], [sflag:$0x4] =	stream.linear.gather [hbm4b:s11+s13], $0x2800, $0x38;
	[tilespmem:$0x1DA80] =	vst v63  }
0x39: {  	s11 =	simm.s32 $0x0  }
0x3a: {  	v3 =	vld [tilespmem:s11+$0x5200]  }
0x3b: {  	v2 =	vld [tilespmem:s11+$0x5210]  }
0x3c: {  	v1 =	vld [tilespmem:s11+$0x5220]  }
0x3d: {  	v0 =	vld [tilespmem:s11+$0x5230]  }
0x3e: {  	v8 =	vld [tilespmem:s11+$0x200]  }
0x3f: {  	v7 =	vld [tilespmem:s11+$0x210]  }
0x40: {  	v6 =	vld [tilespmem:s11+$0x220]  }
0x41: {  	v5 =	vld [tilespmem:s11+$0x230]  }
0x42: {  	v4 =	vld [tilespmem:s11+$0x240];
	v10 =	vshll.u32 v3, $0x10  }
0x43: {  	s12 =	simm.s32 $0x200;
	v9 =	vand.u32 $0xFFFF0000, v3;
	v3 =	vld [tilespmem:s11+$0x250];
	v8 =	vadd.f32 v10, v8  }
.LBB2_3:
0x44: {  	p1 =	sne.s32 s12, $0x9E00;
	v7 =	vadd.f32 v9, v7;
	v9 =	vshll.u32 v2, $0x10;
	v10 =	vld [tilespmem:s11+$0x260]  }
0x45: {  	s13 =	sshra.s32 s12, $0x2;
	v2 =	vand.u32 $0xFFFF0000, v2;
	v8 =	vmax.f32 v8, $0.0e+00;
	v6 =	vadd.f32 v9, v6;
	v9 =	vld [tilespmem:s11+$0x270]  }
0x46: {  	v11 =	vld [tilespmem:s13+$0x5200];
	[tilespmem:s11+$0x200] =	vst v8;
	v7 =	vmax.f32 v7, $0.0e+00;
	v5 =	vadd.f32 v2, v5;
	v8 =	vshll.u32 v1, $0x10  }
0x47: {  	v2 =	vld [tilespmem:s13+$0x5210];
	[tilespmem:s11+$0x210] =	vst v7;
	v6 =	vmax.f32 v6, $0.0e+00;
	v7 =	vand.u32 $0xFFFF0000, v1;
	v4 =	vadd.f32 v8, v4  }
0x48: {  	v1 =	vld [tilespmem:s13+$0x5220];
	[tilespmem:s11+$0x220] =	vst v6;
	v5 =	vmax.f32 v5, $0.0e+00;
	v3 =	vadd.f32 v7, v3;
	v6 =	vshll.u32 v0, $0x10  }
0x49: {  	[tilespmem:s11+$0x230] =	vst v5;
	v4 =	vmax.f32 v4, $0.0e+00;
	v5 =	vand.u32 $0xFFFF0000, v0;
	v0 =	vld [tilespmem:s13+$0x5230];
	v6 =	vadd.f32 v6, v10  }
0x4a: {  	v8 =	vld [tilespmem:s13+$0x200];
	[tilespmem:s11+$0x240] =	vst v4;
	v3 =	vmax.f32 v3, $0.0e+00;
	v4 =	vadd.f32 v5, v9  }
.Ltmp0:
0x4b: {  	v7 =	vld [tilespmem:s13+$0x210];
	[tilespmem:s11+$0x250] =	vst v3;
	v3 =	vmax.f32 v6, $0.0e+00;
	(pc) =	sbr.rel @p1 .LBB2_3-.Ltmp0, $4  }
0x4c: {  	v6 =	vld [tilespmem:s13+$0x220];
	[tilespmem:s11+$0x260] =	vst v3;
	v3 =	vmax.f32 v4, $0.0e+00  }
0x4d: {  	v5 =	vld [tilespmem:s13+$0x230];
	[tilespmem:s11+$0x270] =	vst v3;
	s11 =	smov.u32 s13  }
0x4e: {  	v3 =	vshll.u32 v11, $0x10;
	v4 =	vld [tilespmem:s11+$0x240]  }
0x4f: {  	s12 =	sadd.s32 $0x200, s12;
	v9 =	vand.u32 $0xFFFF0000, v11;
	v8 =	vadd.f32 v3, v8;
	v3 =	vld [tilespmem:s11+$0x250]  }
0x50: {  	v7 =	vadd.f32 v9, v7;
	v9 =	vshll.u32 v2, $0x10;
	v10 =	vld [tilespmem:s11+$0x260]  }
0x51: {  	v2 =	vand.u32 $0xFFFF0000, v2;
	v8 =	vmax.f32 v8, $0.0e+00;
	v6 =	vadd.f32 v9, v6;
	v9 =	vld [tilespmem:s11+$0x270]  }
0x52: {  	[tilespmem:s11+$0x200] =	vst v8;
	v7 =	vmax.f32 v7, $0.0e+00;
	v2 =	vadd.f32 v2, v5;
	v5 =	vshll.u32 v1, $0x10  }
0x53: {  	v1 =	vand.u32 $0xFFFF0000, v1;
	[tilespmem:s11+$0x210] =	vst v7;
	v6 =	vmax.f32 v6, $0.0e+00;
	v4 =	vadd.f32 v5, v4  }
0x54: {  	[tilespmem:s11+$0x220] =	vst v6;
	v2 =	vmax.f32 v2, $0.0e+00;
	v1 =	vadd.f32 v1, v3;
	v3 =	vshll.u32 v0, $0x10  }
0x55: {  	v0 =	vand.u32 $0xFFFF0000, v0;
	[tilespmem:s11+$0x230] =	vst v2;
	v2 =	vmax.f32 v4, $0.0e+00;
	v3 =	vadd.f32 v3, v10  }
0x56: {  	[tilespmem:s11+$0x240] =	vst v2;
	v1 =	vmax.f32 v1, $0.0e+00;
	v0 =	vadd.f32 v0, v9  }
0x57: {  	[tilespmem:s11+$0x250] =	vst v1;
	v1 =	vmax.f32 v3, $0.0e+00  }
0x58: {  	s10 =	sadd.s32 $0x2, s10;
	[tilespmem:s11+$0x260] =	vst v1;
	v0 =	vmax.f32 v0, $0.0e+00  }
0x59: {  	s13 =	sshll.u32 s10, $0x8;
	[tilespmem:s11+$0x270] =	vst v0  }
0x5a: {  	[spmem:s1] =	stream.indirect.scatter.add.f32 [tilespmem:s18], [sflag:$0x5], $0x80, s26, s17, $0xb8;
	[tilespmem:$0x1DA80] =	vst v63  }
0x5b: {  	s11 =	sadd.s32 s9, s13;
	_ =	swait.ge [sflag:s28], $0x2800  }
0x5c: {  	s11 =	sshrl.u32 s11, $0x3;
	[sflag:s28] =	ssyncset.done $0x0  }
0x5d: {  	s12 =	simm.s32 $0x0;
	s11 =	sadd.s32 s6, s11;
	[sflag:s28] =	ssyncadd.s32 $0xFFFFD800  }
0x5e: {  	[tilespmem:s12], [sflag:$0x7] =	stream.linear.gather [hbm4b:s11+s12], $0x100, $0x38;
	[tilespmem:$0x1DA80] =	vst v63  }
0x5f: {  	_ =	swait.ge [sflag:s29], $0x2800  }
0x60: {  	[sflag:s29] =	ssyncset.done $0x0  }
0x61: {  	[sflag:s29] =	ssyncadd.s32 $0xFFFFD800  }
0x62: {  	_ =	swait.ge [sflag:s30], $0x2800  }
0x63: {  	[sflag:s30] =	ssyncset.done $0x0  }
0x64: {  	s10 =	smul.u32 $0x50, s10;
	[sflag:s30] =	ssyncadd.s32 $0xFFFFD800  }
0x65: {  	_ =	swait.ge [sflag:s23], $0x100  }
0x66: {  	s10 =	sadd.s32 s8, s10;
	[sflag:s23] =	ssyncset.done $0x0  }
0x67: {  	s10 =	sshll.u32 s10, $0x4;
	[sflag:s23] =	ssyncadd.s32 $0xFFFFFF00  }
0x68: {  	[tilespmem:s18], [sflag:$0x1] =	stream.indirect.gather [hbm4b:s4+s17], $0x80, s12, s17, $0xb8;
	[tilespmem:$0x1DA80] =	vst v63  }
0x69: {  	s10 =	sadd.s32 s5, s10  }
0x6a: {  	[tilespmem:s19], [sflag:$0x3] =	stream.linear.gather [hbm4b:s10+s12], $0x2800, $0x38;
	[tilespmem:$0x1DA80] =	vst v63  }
0x6b: {  	s10 =	simm.s32 $0x0  }
0x6c: {  	v3 =	vld [tilespmem:s10+$0x7A00]  }
0x6d: {  	v2 =	vld [tilespmem:s10+$0x7A10]  }
0x6e: {  	v1 =	vld [tilespmem:s10+$0x7A20]  }
0x6f: {  	v0 =	vld [tilespmem:s10+$0x7A30]  }
0x70: {  	v8 =	vld [tilespmem:s10+$0x2A00]  }
0x71: {  	v7 =	vld [tilespmem:s10+$0x2A10]  }
0x72: {  	v6 =	vld [tilespmem:s10+$0x2A20]  }
0x73: {  	v5 =	vld [tilespmem:s10+$0x2A30]  }
0x74: {  	v4 =	vld [tilespmem:s10+$0x2A40];
	v10 =	vshll.u32 v3, $0x10  }
0x75: {  	s11 =	simm.s32 $0x200;
	v9 =	vand.u32 $0xFFFF0000, v3;
	v3 =	vld [tilespmem:s10+$0x2A50];
	v8 =	vadd.f32 v10, v8  }
.LBB2_5:
0x76: {  	p1 =	sne.s32 s11, $0x9E00;
	v7 =	vadd.f32 v9, v7;
	v9 =	vshll.u32 v2, $0x10;
	v10 =	vld [tilespmem:s10+$0x2A60]  }
0x77: {  	s12 =	sshra.s32 s11, $0x2;
	v2 =	vand.u32 $0xFFFF0000, v2;
	v8 =	vmax.f32 v8, $0.0e+00;
	v6 =	vadd.f32 v9, v6;
	v9 =	vld [tilespmem:s10+$0x2A70]  }
0x78: {  	v11 =	vld [tilespmem:s12+$0x7A00];
	[tilespmem:s10+$0x2A00] =	vst v8;
	v7 =	vmax.f32 v7, $0.0e+00;
	v5 =	vadd.f32 v2, v5;
	v8 =	vshll.u32 v1, $0x10  }
0x79: {  	v2 =	vld [tilespmem:s12+$0x7A10];
	[tilespmem:s10+$0x2A10] =	vst v7;
	v6 =	vmax.f32 v6, $0.0e+00;
	v7 =	vand.u32 $0xFFFF0000, v1;
	v4 =	vadd.f32 v8, v4  }
0x7a: {  	v1 =	vld [tilespmem:s12+$0x7A20];
	[tilespmem:s10+$0x2A20] =	vst v6;
	v5 =	vmax.f32 v5, $0.0e+00;
	v3 =	vadd.f32 v7, v3;
	v6 =	vshll.u32 v0, $0x10  }
0x7b: {  	[tilespmem:s10+$0x2A30] =	vst v5;
	v4 =	vmax.f32 v4, $0.0e+00;
	v5 =	vand.u32 $0xFFFF0000, v0;
	v0 =	vld [tilespmem:s12+$0x7A30];
	v6 =	vadd.f32 v6, v10  }
0x7c: {  	v8 =	vld [tilespmem:s12+$0x2A00];
	[tilespmem:s10+$0x2A40] =	vst v4;
	v3 =	vmax.f32 v3, $0.0e+00;
	v4 =	vadd.f32 v5, v9  }
.Ltmp1:
0x7d: {  	v7 =	vld [tilespmem:s12+$0x2A10];
	[tilespmem:s10+$0x2A50] =	vst v3;
	v3 =	vmax.f32 v6, $0.0e+00;
	(pc) =	sbr.rel @p1 .LBB2_5-.Ltmp1, $4  }
0x7e: {  	v6 =	vld [tilespmem:s12+$0x2A20];
	[tilespmem:s10+$0x2A60] =	vst v3;
	v3 =	vmax.f32 v4, $0.0e+00  }
0x7f: {  	v5 =	vld [tilespmem:s12+$0x2A30];
	[tilespmem:s10+$0x2A70] =	vst v3;
	s10 =	smov.u32 s12  }
0x80: {  	v3 =	vshll.u32 v11, $0x10;
	v4 =	vld [tilespmem:s10+$0x2A40]  }
0x81: {  	s11 =	sadd.s32 $0x200, s11;
	v9 =	vand.u32 $0xFFFF0000, v11;
	v8 =	vadd.f32 v3, v8;
	v3 =	vld [tilespmem:s10+$0x2A50]  }
0x82: {  	v7 =	vadd.f32 v9, v7;
	v55 =	vshll.u32 v2, $0x10;
	v10 =	vld [tilespmem:s10+$0x2A60]  }
0x83: {  	v56 =	vand.u32 $0xFFFF0000, v2;
	v57 =	vld [tilespmem:s10+$0x2A70];
	v8 =	vmax.f32 v8, $0.0e+00;
	v6 =	vadd.f32 v55, v6  }
0x84: {  	v58 =	vshll.u32 v1, $0x10;
	[tilespmem:s10+$0x2A00] =	vst v8;
	v7 =	vmax.f32 v7, $0.0e+00;
	v2 =	vadd.f32 v56, v5  }
0x85: {  	v59 =	vand.u32 $0xFFFF0000, v1;
	[tilespmem:s10+$0x2A10] =	vst v7;
	v6 =	vmax.f32 v6, $0.0e+00;
	v4 =	vadd.f32 v58, v4  }
0x86: {  	v60 =	vshll.u32 v0, $0x10;
	s7 =	sadd.s32 $0x1, s7;
	[tilespmem:s10+$0x2A20] =	vst v6;
	v2 =	vmax.f32 v2, $0.0e+00;
	v1 =	vadd.f32 v59, v3  }
0x87: {  	v62 =	vand.u32 $0xFFFF0000, v0;
	p1 =	sne.s32 s7, $0x3E;
	[tilespmem:s10+$0x2A30] =	vst v2;
	v61 =	vmax.f32 v4, $0.0e+00;
	v3 =	vadd.f32 v60, v10  }
.Ltmp2:
0x88: {  	v0 =	vadd.f32 v62, v57;
	[tilespmem:s10+$0x2A40] =	vst v61;
	v1 =	vmax.f32 v1, $0.0e+00;
	(pc) =	sbr.rel @p1 .LBB2_2-.Ltmp2, $4  }
0x89: {  	[tilespmem:s10+$0x2A50] =	vst v1;
	v63 =	vmax.f32 v3, $0.0e+00  }
0x8a: {  	v0 =	vmax.f32 v0, $0.0e+00;
	[tilespmem:s10+$0x2A60] =	vst v63  }
0x8b: {  	[tilespmem:s10+$0x2A70] =	vst v0  }
0x8c: {  	[spmem:s1] =	stream.indirect.scatter.add.f32 [tilespmem:s24], [sflag:$0x6], $0x80, s31, s17, $0xb8;
	[tilespmem:$0x1DA80] =	vst v63  }
0x8d: {  	_ =	swait.ge [sflag:s0], $0x2800  }
0x8e: {  	[sflag:s0] =	ssyncset.done $0x0  }
0x8f: {  	[sflag:s0] =	ssyncadd.s32 $0xFFFFD800  }
0x90: {  	_ =	swait.ge [sflag:s20], $0x2800  }
0x91: {  	[sflag:s20] =	ssyncset.done $0x0  }
0x92: {  	[sflag:s20] =	ssyncadd.s32 $0xFFFFD800  }
0x93: {  	_ =	swait.ge [sflag:s22], $0x2800  }
0x94: {  	[sflag:s22] =	ssyncset.done $0x0  }
0x95: {  	s7 =	simm.s32 $0x0;
	[sflag:s22] =	ssyncadd.s32 $0xFFFFD800  }
0x96: {  	v3 =	vld [tilespmem:s7+$0x5200]  }
0x97: {  	v2 =	vld [tilespmem:s7+$0x5210]  }
0x98: {  	v1 =	vld [tilespmem:s7+$0x5220]  }
0x99: {  	v0 =	vld [tilespmem:s7+$0x5230]  }
0x9a: {  	v8 =	vld [tilespmem:s7+$0x200]  }
0x9b: {  	v7 =	vld [tilespmem:s7+$0x210]  }
0x9c: {  	v6 =	vld [tilespmem:s7+$0x220]  }
0x9d: {  	v5 =	vld [tilespmem:s7+$0x230]  }
0x9e: {  	v4 =	vld [tilespmem:s7+$0x240];
	v10 =	vshll.u32 v3, $0x10  }
0x9f: {  	s10 =	simm.s32 $0x200;
	v9 =	vand.u32 $0xFFFF0000, v3;
	v3 =	vld [tilespmem:s7+$0x250];
	v8 =	vadd.f32 v10, v8  }
.LBB2_8:
0xa0: {  	p1 =	sne.s32 s10, $0x9E00;
	v7 =	vadd.f32 v9, v7;
	v9 =	vshll.u32 v2, $0x10;
	v10 =	vld [tilespmem:s7+$0x260]  }
0xa1: {  	s11 =	sshra.s32 s10, $0x2;
	v2 =	vand.u32 $0xFFFF0000, v2;
	v8 =	vmax.f32 v8, $0.0e+00;
	v6 =	vadd.f32 v9, v6;
	v9 =	vld [tilespmem:s7+$0x270]  }
0xa2: {  	v11 =	vld [tilespmem:s11+$0x5200];
	[tilespmem:s7+$0x200] =	vst v8;
	v7 =	vmax.f32 v7, $0.0e+00;
	v5 =	vadd.f32 v2, v5;
	v8 =	vshll.u32 v1, $0x10  }
0xa3: {  	v2 =	vld [tilespmem:s11+$0x5210];
	[tilespmem:s7+$0x210] =	vst v7;
	v6 =	vmax.f32 v6, $0.0e+00;
	v7 =	vand.u32 $0xFFFF0000, v1;
	v4 =	vadd.f32 v8, v4  }
0xa4: {  	v1 =	vld [tilespmem:s11+$0x5220];
	[tilespmem:s7+$0x220] =	vst v6;
	v5 =	vmax.f32 v5, $0.0e+00;
	v3 =	vadd.f32 v7, v3;
	v6 =	vshll.u32 v0, $0x10  }
0xa5: {  	[tilespmem:s7+$0x230] =	vst v5;
	v4 =	vmax.f32 v4, $0.0e+00;
	v5 =	vand.u32 $0xFFFF0000, v0;
	v0 =	vld [tilespmem:s11+$0x5230];
	v6 =	vadd.f32 v6, v10  }
0xa6: {  	v8 =	vld [tilespmem:s11+$0x200];
	[tilespmem:s7+$0x240] =	vst v4;
	v3 =	vmax.f32 v3, $0.0e+00;
	v4 =	vadd.f32 v5, v9  }
.Ltmp3:
0xa7: {  	v7 =	vld [tilespmem:s11+$0x210];
	[tilespmem:s7+$0x250] =	vst v3;
	v3 =	vmax.f32 v6, $0.0e+00;
	(pc) =	sbr.rel @p1 .LBB2_8-.Ltmp3, $4  }
0xa8: {  	v6 =	vld [tilespmem:s11+$0x220];
	[tilespmem:s7+$0x260] =	vst v3;
	v3 =	vmax.f32 v4, $0.0e+00  }
0xa9: {  	v5 =	vld [tilespmem:s11+$0x230];
	[tilespmem:s7+$0x270] =	vst v3;
	s7 =	smov.u32 s11  }
0xaa: {  	v3 =	vshll.u32 v11, $0x10;
	v4 =	vld [tilespmem:s7+$0x240]  }
0xab: {  	s10 =	sadd.s32 $0x200, s10;
	v9 =	vand.u32 $0xFFFF0000, v11;
	v8 =	vadd.f32 v3, v8;
	v3 =	vld [tilespmem:s7+$0x250]  }
0xac: {  	v7 =	vadd.f32 v9, v7;
	v55 =	vshll.u32 v2, $0x10;
	v10 =	vld [tilespmem:s7+$0x260]  }
0xad: {  	v56 =	vand.u32 $0xFFFF0000, v2;
	v57 =	vld [tilespmem:s7+$0x270];
	v8 =	vmax.f32 v8, $0.0e+00;
	v6 =	vadd.f32 v55, v6  }
0xae: {  	v58 =	vshll.u32 v1, $0x10;
	[tilespmem:s7+$0x200] =	vst v8;
	v7 =	vmax.f32 v7, $0.0e+00;
	v2 =	vadd.f32 v56, v5  }
0xaf: {  	v59 =	vand.u32 $0xFFFF0000, v1;
	[tilespmem:s7+$0x210] =	vst v7;
	v6 =	vmax.f32 v6, $0.0e+00;
	v4 =	vadd.f32 v58, v4  }
0xb0: {  	v60 =	vshll.u32 v0, $0x10;
	[tilespmem:s7+$0x220] =	vst v6;
	v2 =	vmax.f32 v2, $0.0e+00;
	v1 =	vadd.f32 v59, v3  }
0xb1: {  	v62 =	vand.u32 $0xFFFF0000, v0;
	[tilespmem:s7+$0x230] =	vst v2;
	v61 =	vmax.f32 v4, $0.0e+00;
	v3 =	vadd.f32 v60, v10  }
0xb2: {  	v0 =	vadd.f32 v62, v57;
	[tilespmem:s7+$0x240] =	vst v61;
	v1 =	vmax.f32 v1, $0.0e+00  }
0xb3: {  	[tilespmem:s7+$0x250] =	vst v1;
	v63 =	vmax.f32 v3, $0.0e+00  }
0xb4: {  	v0 =	vmax.f32 v0, $0.0e+00;
	[tilespmem:s7+$0x260] =	vst v63  }
0xb5: {  	[tilespmem:s7+$0x270] =	vst v0  }
0xb6: {  	[spmem:s1] =	stream.indirect.scatter.add.f32 [tilespmem:s18], [sflag:$0x5], $0x80, s26, s17, $0xb8;
	[tilespmem:$0x1DA80] =	vst v63  }
0xb7: {  	_ =	swait.ge [sflag:s28], $0x2800  }
0xb8: {  	[sflag:s28] =	ssyncset.done $0x0  }
0xb9: {  	[sflag:s28] =	ssyncadd.s32 $0xFFFFD800  }
0xba: {  	[bflag:$0x0] =	sbarrier.arrive $0xFFFF  }
0xbb: {  	s7 =	rddreg [dreg:$0x6]  }
0xbc: {  	[hbm:s7], [sflag:s14] =	dma.local @!p0 [spmem:s15], $0x3E80  }
0xbd: {  	s7 =	simm.s32 @!p0 $0x8  }
0xbe: {  	_ =	swait.ge @!p0 [sflag:s7], $0x3E80  }
0xbf: {  	s2 =	sadd.s32 $0x1, s2;
	s10 =	rddreg [dreg:$0x7]  }
0xc0: {  	p1 =	sne.s32 s2, s10  }
.Ltmp4:
0xc1: {  	_ = 	snop;
	(pc) =	sbr.rel @p1 .LBB2_1-.Ltmp4, $3  }
0xc2: {  	_ =	sdelay $0x1  }
0xc3: {  	[sflag:s7] =	ssyncset.done @!p0 $0x0  }
0xc4: {  	[sflag:s7] =	ssyncadd.s32 @!p0 $0xFFFFC180  }
0xc5: {  	_ =	sfence.sel $0x180000  }
0xc6: {  	[bflag:$0x0] =	sbarrier.arrive $0xFFFF  }
0xc7: {  	_ =	strace $0x90000047  }
0xc8: {  	s0 =	stileid.u32;
	[bflag:$0x2] =	sbarrier.arrive $0xFFFF  }
0xc9: {  	p0 =	sne.s32 s0, $0x0;
	s0 =	rddreg [dreg:$0x2]  }
0xca: {  	s0 =	sadd.s32 @!p0 $0x100000, s0  }
0xcb: {  	[sflag:s0] =	ssyncadd.tile.s32 @!p0 $0x1;
	_ =	shalt  }
.Lfunc_end2:
_tile_overlayer_lowered:
.L_overlay_start_2:
0xcc: {  	(tag) =	ssettag $0x2  }
0xcd: {  	s0 =	rddreg [dreg:$0x0];
	s2 =	stileid.u32  }
0xce: {  	s1 =	rddreg [dreg:$0x1];
	p0 =	sne.s32 s2, $0x0  }
0xcf: {  	s3 =	rddreg [dreg:$0x2];
	[bflag:$0x3] =	sbarrier.arrive $0xFFFF;
	s2 =	simm.s32 @!p0 $0x1C08  }
0xd0: {  	[timem:s3], [sflag:s2] =	dma.local @!p0 [hbm:s0], s1  }
0xd1: {  	s0 =	simm.s32 @!p0 $0x8  }
0xd2: {  	_ =	swait.ge @!p0 [sflag:s0], s1  }
0xd3: {  	s1 =	ssub.s32 @!p0 $0x0, s1;
	[sflag:s0] =	ssyncset.done @!p0 $0x0  }
0xd4: {  	[sflag:s0] =	ssyncadd.s32 @!p0 s1  }
0xd5: {  	[bflag:$0x3] =	sbarrier.arrive $0xFFFF  }
0xd6: {  	_ =	shalt  }

</sc_bundles>
